<compile_context>
chip_gen: v7x
topology: tpu7x:2x2x1
jax: 0.10.2.dev20260603
libtpu: 0.0.44.dev20260713+nightly
codegen_flags: <defaults>
</compile_context>

<pallas_src>
import functools

import jax
import jax.numpy as jnp
from jax import lax
from jax.experimental import pallas as pl
from jax.experimental.pallas import tpu as pltpu
from jax.experimental.pallas import tpu_sc as plsc

IDXW = 128
SEQ_PER_CHUNK = 2
NBUF = 3
LANES = 16


def _build(B, L, V, D, NC, NS):
    NW = NC * NS
    seqs_w = B // NW
    n_chunks = seqs_w // SEQ_PER_CHUNK
    rem = L - IDXW

    mesh = plsc.VectorSubcoreMesh(
        core_axis_name="c", subcore_axis_name="s",
        num_cores=NC, num_subcores=NS)

    @functools.partial(
        pl.kernel,
        out_type=jax.ShapeDtypeStruct((B, L, D), jnp.float32),
        mesh=mesh,
        scratch_types=[
            pltpu.VMEM((B // NW, L), jnp.int32),
            pltpu.VMEM((L, D), jnp.float32),
            pltpu.VMEM((NBUF, SEQ_PER_CHUNK, L, D), jnp.float32),
            pltpu.SemaphoreType.DMA,
            pltpu.SemaphoreType.DMA,
            pltpu.SemaphoreType.DMA,
            pltpu.SemaphoreType.DMA,
            pltpu.SemaphoreType.DMA,
            pltpu.SemaphoreType.DMA,
        ],
        compiler_params=pltpu.CompilerParams(use_tc_tiling_on_sc=False),
    )
    def body(idx_hbm, table_hbm, pos_hbm, out_hbm,
             idx_v, pos_v, rows_v, g0, g1, g2, o0, o1, o2):
        gsems = (g0, g1, g2)
        osems = (o0, o1, o2)
        wid = lax.axis_index("s") * NC + lax.axis_index("c")
        seq_base = wid * seqs_w

        pltpu.sync_copy(pos_hbm, pos_v)
        pltpu.sync_copy(idx_hbm.at[pl.ds(seq_base, seqs_w)], idx_v)

        def fire_gather(c, b):
            for s in range(SEQ_PER_CHUNK):
                row = c * SEQ_PER_CHUNK + s
                pltpu.async_copy(
                    table_hbm.at[idx_v.at[row, pl.ds(0, IDXW)]],
                    rows_v.at[b, s, pl.ds(0, IDXW)],
                    gsems[b])
                pltpu.async_copy(
                    table_hbm.at[idx_v.at[row, pl.ds(IDXW, rem)]],
                    rows_v.at[b, s, pl.ds(IDXW, rem)],
                    gsems[b])

        def drain_gather(b):
            pltpu.make_async_copy(
                table_hbm.at[pl.ds(0, L)], rows_v.at[b, 0], gsems[b]).wait()
            pltpu.make_async_copy(
                table_hbm.at[pl.ds(0, L)], rows_v.at[b, 1], gsems[b]).wait()

        def drain_store(b):
            pltpu.make_async_copy(
                rows_v.at[b], out_hbm.at[pl.ds(0, SEQ_PER_CHUNK)],
                osems[b]).wait()

        def trip(c, b):
            drain_gather(b)
            for s in range(SEQ_PER_CHUNK):
                @pl.loop(0, L, unroll=4)
                def _add(r):
                    for q in range(D // LANES):
                        plsc.addupdate(
                            rows_v.at[b, s, r, pl.ds(q * LANES, LANES)],
                            pos_v[r, pl.ds(q * LANES, LANES)])
            pltpu.async_copy(
                rows_v.at[b],
                out_hbm.at[pl.ds(seq_base + c * SEQ_PER_CHUNK, SEQ_PER_CHUNK)],
                osems[b])
            bn = (b + 2) % NBUF

            @pl.when(jnp.logical_and(c >= 1, c + 2 < n_chunks))
            def _():
                drain_store(bn)

            @pl.when(c + 2 < n_chunks)
            def _():
                fire_gather(c + 2, bn)

        fire_gather(0, 0)
        fire_gather(1, 1)

        n_main = (n_chunks // NBUF) * NBUF

        @pl.loop(0, n_main, step=NBUF)
        def _outer(t):
            for db in range(NBUF):
                trip(t + db, db)

        for c in range(n_main, n_chunks):
            trip(c, c % NBUF)

        for c in range(n_chunks - NBUF, n_chunks):
            drain_store(c % NBUF)

    return body


def kernel(inputs, token_table, pos_table):
    B, L = inputs.shape
    V, D = token_table.shape
    info = plsc.get_sparse_core_info()
    NC, NS = info.num_cores, info.num_subcores
    out = _build(B, L, V, D, NC, NS)(
        inputs.astype(jnp.int32), token_table, pos_table)
    return out

# --- scband reference (transcript-rebuilt; emitter-appended) ---
"""Pipeline reference for scband-token-and-position-embedding-39230231281805 (READ-ONLY COPY).

The authoritative reference and input builder live on the scoring server;
editing this copy changes nothing except your own understanding.
"""

import jax, jax.numpy as jnp
import numpy as np

MAXLEN = 200
VOCAB_SIZE = 1000000
EMBED_DIM = 64
BATCH = 4096

def setup_inputs(seed: int = 0) -> dict:
    key = jax.random.key(seed)
    k1, k2, k3 = jax.random.split(key, 3)
    inputs = jax.random.randint(k1, (BATCH, MAXLEN), 0, VOCAB_SIZE, dtype=jnp.int64 if jax.config.jax_enable_x64 else jnp.int32)
    token_table = jax.random.normal(k2, (VOCAB_SIZE, EMBED_DIM), dtype=jnp.float32) * 0.02
    pos_table = jax.random.normal(k3, (MAXLEN, EMBED_DIM), dtype=jnp.float32) * 0.02
    return {"inputs": inputs, "token_table": token_table, "pos_table": pos_table}

def reference(inputs, token_table, pos_table):
    # TokenAndPositionEmbedding.call:
    #   positions = pos_emb(range(maxlen)); return token_emb(inputs) + positions
    maxlen = inputs.shape[-1]
    positions = jnp.arange(maxlen)
    pos_embedded = jnp.take(pos_table, positions, axis=0)          # [L, D]
    tok_embedded = jnp.take(token_table, inputs, axis=0)           # [B, L, D]
    return tok_embedded + pos_embedded[None, :, :]

if __name__ == "__main__":
    import jax
    _d = setup_inputs()
    print(jax.jit(kernel)(*tuple(_d.values())))

</pallas_src>

<mosaic_0001>
#map = affine_map<(d0, d1) -> (0, 0)>
#map1 = affine_map<(d0, d1) -> (0, 0, 0)>
module attributes {stable_mosaic.version = 14 : i64} {
  func.func @body(%arg0: i32, %arg1: i32, %arg2: memref<4096x200xi32, #tpu.memory_space<hbm>>, %arg3: memref<1000000x64xf32, #tpu.memory_space<hbm>>, %arg4: memref<200x64xf32, #tpu.memory_space<hbm>>, %arg5: memref<4096x200x64xf32, #tpu.memory_space<hbm>>, %arg6: memref<128x200xi32, #tpu.memory_space<vmem>>, %arg7: memref<200x64xf32, #tpu.memory_space<vmem>>, %arg8: memref<3x2x200x64xf32, #tpu.memory_space<vmem>>, %arg9: memref<!tpu.dma_semaphore, #tpu.memory_space<semaphore_mem>>, %arg10: memref<!tpu.dma_semaphore, #tpu.memory_space<semaphore_mem>>, %arg11: memref<!tpu.dma_semaphore, #tpu.memory_space<semaphore_mem>>, %arg12: memref<!tpu.dma_semaphore, #tpu.memory_space<semaphore_mem>>, %arg13: memref<!tpu.dma_semaphore, #tpu.memory_space<semaphore_mem>>, %arg14: memref<!tpu.dma_semaphore, #tpu.memory_space<semaphore_mem>>) attributes {dimension_semantics = [#tpu.dimension_semantics<core_parallel>, #tpu.dimension_semantics<subcore_parallel>], iteration_bounds = array<i64: 2, 16>, scalar_prefetch = 0 : i64, scratch_operands = 9 : i64, tpu.core_type = #tpu.core_type<sc_vector_subcore>, window_params = [{transform_indices = #map}, {transform_indices = #map}, {transform_indices = #map}, {transform_indices = #map1}]} {
    %mul3A = arith.constant 2 : i32
    %mul3A_0 = arith.muli %arg1, %mul3A : i32
    %add3A = arith.addi %mul3A_0, %arg0 : i32
    %mul3A_1 = arith.constant 128 : i32
    %mul3A_2 = arith.muli %add3A, %mul3A_1 : i32
    "tpu.region"() ({
      %run_scoped3A = tpu.sem_alloc : memref<!tpu.dma_semaphore, #tpu.memory_space<semaphore_mem>>
      tpu.enqueue_dma source(%arg4 : memref<200x64xf32, #tpu.memory_space<hbm>>) target(%arg7 : memref<200x64xf32, #tpu.memory_space<vmem>>) target_semaphore(%run_scoped3A : memref<!tpu.dma_semaphore, #tpu.memory_space<semaphore_mem>>)
      tpu.wait_dma2 semaphore(%run_scoped3A : memref<!tpu.dma_semaphore, #tpu.memory_space<semaphore_mem>>) src(%arg4 : memref<200x64xf32, #tpu.memory_space<hbm>>) dst(%arg7 : memref<200x64xf32, #tpu.memory_space<vmem>>)
      tpu.yield
    }) : () -> ()
    "tpu.region"() ({
      %run_scoped3A = tpu.sem_alloc : memref<!tpu.dma_semaphore, #tpu.memory_space<semaphore_mem>>
      %dma_start3A_230 = arith.constant 0 : i32
      %dma_start3A_231 = tpu.memref_slice %arg2[%mul3A_2, %dma_start3A_230] : memref<4096x200xi32, #tpu.memory_space<hbm>> -> memref<128x200xi32, #tpu.memory_space<hbm>>
      %dma_start3A_232 = arith.constant 0 : i32
      %dma_start3A_233 = tpu.memref_slice %arg2[%mul3A_2, %dma_start3A_232] : memref<4096x200xi32, #tpu.memory_space<hbm>> -> memref<128x200xi32, #tpu.memory_space<hbm>>
      tpu.enqueue_dma source(%dma_start3A_233 : memref<128x200xi32, #tpu.memory_space<hbm>>) target(%arg6 : memref<128x200xi32, #tpu.memory_space<vmem>>) target_semaphore(%run_scoped3A : memref<!tpu.dma_semaphore, #tpu.memory_space<semaphore_mem>>)
      %dma_wait3A_234 = arith.constant 0 : i32
      %dma_wait3A_235 = tpu.memref_slice %arg2[%mul3A_2, %dma_wait3A_234] : memref<4096x200xi32, #tpu.memory_space<hbm>> -> memref<128x200xi32, #tpu.memory_space<hbm>>
      %dma_wait3A_236 = arith.constant 0 : i32
      %dma_wait3A_237 = tpu.memref_slice %arg2[%mul3A_2, %dma_wait3A_236] : memref<4096x200xi32, #tpu.memory_space<hbm>> -> memref<128x200xi32, #tpu.memory_space<hbm>>
      tpu.wait_dma2 semaphore(%run_scoped3A : memref<!tpu.dma_semaphore, #tpu.memory_space<semaphore_mem>>) src(%dma_wait3A_237 : memref<128x200xi32, #tpu.memory_space<hbm>>) dst(%arg6 : memref<128x200xi32, #tpu.memory_space<vmem>>)
      tpu.yield
    }) : () -> ()
    %dma_start3A = arith.constant 0 : i32
    %dma_start3A_3 = arith.constant 0 : i32
    %dma_start3A_4 = arith.constant 0 : i32
    %dma_start3A_5 = arith.constant 0 : i32
    %dma_start3A_6 = arith.constant 0 : i32
    %dma_start3A_7 = tpu.memref_slice %arg8[%dma_start3A_3, %dma_start3A_4, %dma_start3A_5, %dma_start3A_6] : memref<3x2x200x64xf32, #tpu.memory_space<vmem>> -> memref<1x1x128x64xf32, #tpu.memory_space<vmem>>
    %dma_start3A_8 = tpu.memref_squeeze %dma_start3A_7 : memref<1x1x128x64xf32, #tpu.memory_space<vmem>> -> memref<128x64xf32, #tpu.memory_space<vmem>>
    %dma_start3A_9 = arith.constant 0 : i32
    %dma_start3A_10 = tpu.memref_slice %arg6[%dma_start3A, %dma_start3A_9] : memref<128x200xi32, #tpu.memory_space<vmem>> -> memref<1x128xi32, #tpu.memory_space<vmem>>
    %dma_start3A_11 = tpu.memref_squeeze %dma_start3A_10 : memref<1x128xi32, #tpu.memory_space<vmem>> -> memref<128xi32, #tpu.memory_space<vmem>>
    %dma_start3A_12 = arith.constant 0 : i32
    %dma_start3A_13 = arith.constant 0 : i32
    %dma_start3A_14 = tpu.memref_slice %arg3[%dma_start3A_12, %dma_start3A_13] : memref<1000000x64xf32, #tpu.memory_space<hbm>> -> memref<1000000x64xf32, #tpu.memory_space<hbm>>
    tpu.enqueue_indirect_dma source(%dma_start3A_14 : memref<1000000x64xf32, #tpu.memory_space<hbm>>) target(%dma_start3A_8 : memref<128x64xf32, #tpu.memory_space<vmem>>) offsets(%dma_start3A_11 : memref<128xi32, #tpu.memory_space<vmem>>) semaphore(%arg9 : memref<!tpu.dma_semaphore, #tpu.memory_space<semaphore_mem>>)
    %dma_start3A_15 = arith.constant 0 : i32
    %dma_start3A_16 = arith.constant 0 : i32
    %dma_start3A_17 = arith.constant 0 : i32
    %dma_start3A_18 = arith.constant 128 : i32
    %dma_start3A_19 = arith.constant 0 : i32
    %dma_start3A_20 = tpu.memref_slice %arg8[%dma_start3A_16, %dma_start3A_17, %dma_start3A_18, %dma_start3A_19] : memref<3x2x200x64xf32, #tpu.memory_space<vmem>> -> memref<1x1x72x64xf32, #tpu.memory_space<vmem>>
    %dma_start3A_21 = tpu.memref_squeeze %dma_start3A_20 : memref<1x1x72x64xf32, #tpu.memory_space<vmem>> -> memref<72x64xf32, #tpu.memory_space<vmem>>
    %dma_start3A_22 = arith.constant 128 : i32
    %dma_start3A_23 = tpu.memref_slice %arg6[%dma_start3A_15, %dma_start3A_22] : memref<128x200xi32, #tpu.memory_space<vmem>> -> memref<1x72xi32, #tpu.memory_space<vmem>>
    %dma_start3A_24 = tpu.memref_squeeze %dma_start3A_23 : memref<1x72xi32, #tpu.memory_space<vmem>> -> memref<72xi32, #tpu.memory_space<vmem>>
    %dma_start3A_25 = arith.constant 0 : i32
    %dma_start3A_26 = arith.constant 0 : i32
    %dma_start3A_27 = tpu.memref_slice %arg3[%dma_start3A_25, %dma_start3A_26] : memref<1000000x64xf32, #tpu.memory_space<hbm>> -> memref<1000000x64xf32, #tpu.memory_space<hbm>>
    tpu.enqueue_indirect_dma source(%dma_start3A_27 : memref<1000000x64xf32, #tpu.memory_space<hbm>>) target(%dma_start3A_21 : memref<72x64xf32, #tpu.memory_space<vmem>>) offsets(%dma_start3A_24 : memref<72xi32, #tpu.memory_space<vmem>>) semaphore(%arg9 : memref<!tpu.dma_semaphore, #tpu.memory_space<semaphore_mem>>)
    %dma_start3A_28 = arith.constant 1 : i32
    %dma_start3A_29 = arith.constant 0 : i32
    %dma_start3A_30 = arith.constant 1 : i32
    %dma_start3A_31 = arith.constant 0 : i32
    %dma_start3A_32 = arith.constant 0 : i32
    %dma_start3A_33 = tpu.memref_slice %arg8[%dma_start3A_29, %dma_start3A_30, %dma_start3A_31, %dma_start3A_32] : memref<3x2x200x64xf32, #tpu.memory_space<vmem>> -> memref<1x1x128x64xf32, #tpu.memory_space<vmem>>
    %dma_start3A_34 = tpu.memref_squeeze %dma_start3A_33 : memref<1x1x128x64xf32, #tpu.memory_space<vmem>> -> memref<128x64xf32, #tpu.memory_space<vmem>>
    %dma_start3A_35 = arith.constant 0 : i32
    %dma_start3A_36 = tpu.memref_slice %arg6[%dma_start3A_28, %dma_start3A_35] : memref<128x200xi32, #tpu.memory_space<vmem>> -> memref<1x128xi32, #tpu.memory_space<vmem>>
    %dma_start3A_37 = tpu.memref_squeeze %dma_start3A_36 : memref<1x128xi32, #tpu.memory_space<vmem>> -> memref<128xi32, #tpu.memory_space<vmem>>
    %dma_start3A_38 = arith.constant 0 : i32
    %dma_start3A_39 = arith.constant 0 : i32
    %dma_start3A_40 = tpu.memref_slice %arg3[%dma_start3A_38, %dma_start3A_39] : memref<1000000x64xf32, #tpu.memory_space<hbm>> -> memref<1000000x64xf32, #tpu.memory_space<hbm>>
    tpu.enqueue_indirect_dma source(%dma_start3A_40 : memref<1000000x64xf32, #tpu.memory_space<hbm>>) target(%dma_start3A_34 : memref<128x64xf32, #tpu.memory_space<vmem>>) offsets(%dma_start3A_37 : memref<128xi32, #tpu.memory_space<vmem>>) semaphore(%arg9 : memref<!tpu.dma_semaphore, #tpu.memory_space<semaphore_mem>>)
    %dma_start3A_41 = arith.constant 1 : i32
    %dma_start3A_42 = arith.constant 0 : i32
    %dma_start3A_43 = arith.constant 1 : i32
    %dma_start3A_44 = arith.constant 128 : i32
    %dma_start3A_45 = arith.constant 0 : i32
    %dma_start3A_46 = tpu.memref_slice %arg8[%dma_start3A_42, %dma_start3A_43, %dma_start3A_44, %dma_start3A_45] : memref<3x2x200x64xf32, #tpu.memory_space<vmem>> -> memref<1x1x72x64xf32, #tpu.memory_space<vmem>>
    %dma_start3A_47 = tpu.memref_squeeze %dma_start3A_46 : memref<1x1x72x64xf32, #tpu.memory_space<vmem>> -> memref<72x64xf32, #tpu.memory_space<vmem>>
    %dma_start3A_48 = arith.constant 128 : i32
    %dma_start3A_49 = tpu.memref_slice %arg6[%dma_start3A_41, %dma_start3A_48] : memref<128x200xi32, #tpu.memory_space<vmem>> -> memref<1x72xi32, #tpu.memory_space<vmem>>
    %dma_start3A_50 = tpu.memref_squeeze %dma_start3A_49 : memref<1x72xi32, #tpu.memory_space<vmem>> -> memref<72xi32, #tpu.memory_space<vmem>>
    %dma_start3A_51 = arith.constant 0 : i32
    %dma_start3A_52 = arith.constant 0 : i32
    %dma_start3A_53 = tpu.memref_slice %arg3[%dma_start3A_51, %dma_start3A_52] : memref<1000000x64xf32, #tpu.memory_space<hbm>> -> memref<1000000x64xf32, #tpu.memory_space<hbm>>
    tpu.enqueue_indirect_dma source(%dma_start3A_53 : memref<1000000x64xf32, #tpu.memory_space<hbm>>) target(%dma_start3A_47 : memref<72x64xf32, #tpu.memory_space<vmem>>) offsets(%dma_start3A_50 : memref<72xi32, #tpu.memory_space<vmem>>) semaphore(%arg9 : memref<!tpu.dma_semaphore, #tpu.memory_space<semaphore_mem>>)
    %dma_start3A_54 = arith.constant 2 : i32
    %dma_start3A_55 = arith.constant 1 : i32
    %dma_start3A_56 = arith.constant 0 : i32
    %dma_start3A_57 = arith.constant 0 : i32
    %dma_start3A_58 = arith.constant 0 : i32
    %dma_start3A_59 = tpu.memref_slice %arg8[%dma_start3A_55, %dma_start3A_56, %dma_start3A_57, %dma_start3A_58] : memref<3x2x200x64xf32, #tpu.memory_space<vmem>> -> memref<1x1x128x64xf32, #tpu.memory_space<vmem>>
    %dma_start3A_60 = tpu.memref_squeeze %dma_start3A_59 : memref<1x1x128x64xf32, #tpu.memory_space<vmem>> -> memref<128x64xf32, #tpu.memory_space<vmem>>
    %dma_start3A_61 = arith.constant 0 : i32
    %dma_start3A_62 = tpu.memref_slice %arg6[%dma_start3A_54, %dma_start3A_61] : memref<128x200xi32, #tpu.memory_space<vmem>> -> memref<1x128xi32, #tpu.memory_space<vmem>>
    %dma_start3A_63 = tpu.memref_squeeze %dma_start3A_62 : memref<1x128xi32, #tpu.memory_space<vmem>> -> memref<128xi32, #tpu.memory_space<vmem>>
    %dma_start3A_64 = arith.constant 0 : i32
    %dma_start3A_65 = arith.constant 0 : i32
    %dma_start3A_66 = tpu.memref_slice %arg3[%dma_start3A_64, %dma_start3A_65] : memref<1000000x64xf32, #tpu.memory_space<hbm>> -> memref<1000000x64xf32, #tpu.memory_space<hbm>>
    tpu.enqueue_indirect_dma source(%dma_start3A_66 : memref<1000000x64xf32, #tpu.memory_space<hbm>>) target(%dma_start3A_60 : memref<128x64xf32, #tpu.memory_space<vmem>>) offsets(%dma_start3A_63 : memref<128xi32, #tpu.memory_space<vmem>>) semaphore(%arg10 : memref<!tpu.dma_semaphore, #tpu.memory_space<semaphore_mem>>)
    %dma_start3A_67 = arith.constant 2 : i32
    %dma_start3A_68 = arith.constant 1 : i32
    %dma_start3A_69 = arith.constant 0 : i32
    %dma_start3A_70 = arith.constant 128 : i32
    %dma_start3A_71 = arith.constant 0 : i32
    %dma_start3A_72 = tpu.memref_slice %arg8[%dma_start3A_68, %dma_start3A_69, %dma_start3A_70, %dma_start3A_71] : memref<3x2x200x64xf32, #tpu.memory_space<vmem>> -> memref<1x1x72x64xf32, #tpu.memory_space<vmem>>
    %dma_start3A_73 = tpu.memref_squeeze %dma_start3A_72 : memref<1x1x72x64xf32, #tpu.memory_space<vmem>> -> memref<72x64xf32, #tpu.memory_space<vmem>>
    %dma_start3A_74 = arith.constant 128 : i32
    %dma_start3A_75 = tpu.memref_slice %arg6[%dma_start3A_67, %dma_start3A_74] : memref<128x200xi32, #tpu.memory_space<vmem>> -> memref<1x72xi32, #tpu.memory_space<vmem>>
    %dma_start3A_76 = tpu.memref_squeeze %dma_start3A_75 : memref<1x72xi32, #tpu.memory_space<vmem>> -> memref<72xi32, #tpu.memory_space<vmem>>
    %dma_start3A_77 = arith.constant 0 : i32
    %dma_start3A_78 = arith.constant 0 : i32
    %dma_start3A_79 = tpu.memref_slice %arg3[%dma_start3A_77, %dma_start3A_78] : memref<1000000x64xf32, #tpu.memory_space<hbm>> -> memref<1000000x64xf32, #tpu.memory_space<hbm>>
    tpu.enqueue_indirect_dma source(%dma_start3A_79 : memref<1000000x64xf32, #tpu.memory_space<hbm>>) target(%dma_start3A_73 : memref<72x64xf32, #tpu.memory_space<vmem>>) offsets(%dma_start3A_76 : memref<72xi32, #tpu.memory_space<vmem>>) semaphore(%arg10 : memref<!tpu.dma_semaphore, #tpu.memory_space<semaphore_mem>>)
    %dma_start3A_80 = arith.constant 3 : i32
    %dma_start3A_81 = arith.constant 1 : i32
    %dma_start3A_82 = arith.constant 1 : i32
    %dma_start3A_83 = arith.constant 0 : i32
    %dma_start3A_84 = arith.constant 0 : i32
    %dma_start3A_85 = tpu.memref_slice %arg8[%dma_start3A_81, %dma_start3A_82, %dma_start3A_83, %dma_start3A_84] : memref<3x2x200x64xf32, #tpu.memory_space<vmem>> -> memref<1x1x128x64xf32, #tpu.memory_space<vmem>>
    %dma_start3A_86 = tpu.memref_squeeze %dma_start3A_85 : memref<1x1x128x64xf32, #tpu.memory_space<vmem>> -> memref<128x64xf32, #tpu.memory_space<vmem>>
    %dma_start3A_87 = arith.constant 0 : i32
    %dma_start3A_88 = tpu.memref_slice %arg6[%dma_start3A_80, %dma_start3A_87] : memref<128x200xi32, #tpu.memory_space<vmem>> -> memref<1x128xi32, #tpu.memory_space<vmem>>
    %dma_start3A_89 = tpu.memref_squeeze %dma_start3A_88 : memref<1x128xi32, #tpu.memory_space<vmem>> -> memref<128xi32, #tpu.memory_space<vmem>>
    %dma_start3A_90 = arith.constant 0 : i32
    %dma_start3A_91 = arith.constant 0 : i32
    %dma_start3A_92 = tpu.memref_slice %arg3[%dma_start3A_90, %dma_start3A_91] : memref<1000000x64xf32, #tpu.memory_space<hbm>> -> memref<1000000x64xf32, #tpu.memory_space<hbm>>
    tpu.enqueue_indirect_dma source(%dma_start3A_92 : memref<1000000x64xf32, #tpu.memory_space<hbm>>) target(%dma_start3A_86 : memref<128x64xf32, #tpu.memory_space<vmem>>) offsets(%dma_start3A_89 : memref<128xi32, #tpu.memory_space<vmem>>) semaphore(%arg10 : memref<!tpu.dma_semaphore, #tpu.memory_space<semaphore_mem>>)
    %dma_start3A_93 = arith.constant 3 : i32
    %dma_start3A_94 = arith.constant 1 : i32
    %dma_start3A_95 = arith.constant 1 : i32
    %dma_start3A_96 = arith.constant 128 : i32
    %dma_start3A_97 = arith.constant 0 : i32
    %dma_start3A_98 = tpu.memref_slice %arg8[%dma_start3A_94, %dma_start3A_95, %dma_start3A_96, %dma_start3A_97] : memref<3x2x200x64xf32, #tpu.memory_space<vmem>> -> memref<1x1x72x64xf32, #tpu.memory_space<vmem>>
    %dma_start3A_99 = tpu.memref_squeeze %dma_start3A_98 : memref<1x1x72x64xf32, #tpu.memory_space<vmem>> -> memref<72x64xf32, #tpu.memory_space<vmem>>
    %dma_start3A_100 = arith.constant 128 : i32
    %dma_start3A_101 = tpu.memref_slice %arg6[%dma_start3A_93, %dma_start3A_100] : memref<128x200xi32, #tpu.memory_space<vmem>> -> memref<1x72xi32, #tpu.memory_space<vmem>>
    %dma_start3A_102 = tpu.memref_squeeze %dma_start3A_101 : memref<1x72xi32, #tpu.memory_space<vmem>> -> memref<72xi32, #tpu.memory_space<vmem>>
    %dma_start3A_103 = arith.constant 0 : i32
    %dma_start3A_104 = arith.constant 0 : i32
    %dma_start3A_105 = tpu.memref_slice %arg3[%dma_start3A_103, %dma_start3A_104] : memref<1000000x64xf32, #tpu.memory_space<hbm>> -> memref<1000000x64xf32, #tpu.memory_space<hbm>>
    tpu.enqueue_indirect_dma source(%dma_start3A_105 : memref<1000000x64xf32, #tpu.memory_space<hbm>>) target(%dma_start3A_99 : memref<72x64xf32, #tpu.memory_space<vmem>>) offsets(%dma_start3A_102 : memref<72xi32, #tpu.memory_space<vmem>>) semaphore(%arg10 : memref<!tpu.dma_semaphore, #tpu.memory_space<semaphore_mem>>)
    %scan3A = arith.constant 0 : i32
    %scan3A_106 = arith.constant 21 : i32
    %scan3A_107 = arith.addi %scan3A, %scan3A_106 : i32
    %scan3A_108 = arith.constant 1 : i32
    scf.for %scan3A_230 = %scan3A to %scan3A_107 step %scan3A_108  : i32 {
      %mul3A_231 = arith.constant 3 : i32
      %mul3A_232 = arith.muli %scan3A_230, %mul3A_231 : i32
      %add3A_233 = arith.constant 0 : i32
      %add3A_234 = arith.addi %add3A_233, %mul3A_232 : i32
      %add3A_235 = arith.constant 0 : i32
      %add3A_236 = arith.addi %add3A_234, %add3A_235 : i32
      %dma_wait3A_237 = arith.constant 0 : i32
      %dma_wait3A_238 = arith.constant 0 : i32
      %dma_wait3A_239 = arith.constant 0 : i32
      %dma_wait3A_240 = arith.constant 0 : i32
      %dma_wait3A_241 = tpu.memref_slice %arg8[%dma_wait3A_237, %dma_wait3A_238, %dma_wait3A_239, %dma_wait3A_240] : memref<3x2x200x64xf32, #tpu.memory_space<vmem>> -> memref<1x1x200x64xf32, #tpu.memory_space<vmem>>
      %dma_wait3A_242 = tpu.memref_squeeze %dma_wait3A_241 : memref<1x1x200x64xf32, #tpu.memory_space<vmem>> -> memref<200x64xf32, #tpu.memory_space<vmem>>
      %dma_wait3A_243 = arith.constant 0 : i32
      %dma_wait3A_244 = arith.constant 0 : i32
      %dma_wait3A_245 = tpu.memref_slice %arg3[%dma_wait3A_243, %dma_wait3A_244] : memref<1000000x64xf32, #tpu.memory_space<hbm>> -> memref<200x64xf32, #tpu.memory_space<hbm>>
      %dma_wait3A_246 = arith.constant 0 : i32
      %dma_wait3A_247 = arith.constant 0 : i32
      %dma_wait3A_248 = tpu.memref_slice %arg8[%dma_wait3A_237, %dma_wait3A_238, %dma_wait3A_246, %dma_wait3A_247] : memref<3x2x200x64xf32, #tpu.memory_space<vmem>> -> memref<1x1x200x64xf32, #tpu.memory_space<vmem>>
      %dma_wait3A_249 = tpu.memref_squeeze %dma_wait3A_248 : memref<1x1x200x64xf32, #tpu.memory_space<vmem>> -> memref<200x64xf32, #tpu.memory_space<vmem>>
      %dma_wait3A_250 = arith.constant 0 : i32
      %dma_wait3A_251 = arith.constant 0 : i32
      %dma_wait3A_252 = tpu.memref_slice %arg3[%dma_wait3A_250, %dma_wait3A_251] : memref<1000000x64xf32, #tpu.memory_space<hbm>> -> memref<200x64xf32, #tpu.memory_space<hbm>>
      tpu.wait_dma2 semaphore(%arg9 : memref<!tpu.dma_semaphore, #tpu.memory_space<semaphore_mem>>) src(%dma_wait3A_252 : memref<200x64xf32, #tpu.memory_space<hbm>>) dst(%dma_wait3A_249 : memref<200x64xf32, #tpu.memory_space<vmem>>)
      %dma_wait3A_253 = arith.constant 0 : i32
      %dma_wait3A_254 = arith.constant 1 : i32
      %dma_wait3A_255 = arith.constant 0 : i32
      %dma_wait3A_256 = arith.constant 0 : i32
      %dma_wait3A_257 = tpu.memref_slice %arg8[%dma_wait3A_253, %dma_wait3A_254, %dma_wait3A_255, %dma_wait3A_256] : memref<3x2x200x64xf32, #tpu.memory_space<vmem>> -> memref<1x1x200x64xf32, #tpu.memory_space<vmem>>
      %dma_wait3A_258 = tpu.memref_squeeze %dma_wait3A_257 : memref<1x1x200x64xf32, #tpu.memory_space<vmem>> -> memref<200x64xf32, #tpu.memory_space<vmem>>
      %dma_wait3A_259 = arith.constant 0 : i32
      %dma_wait3A_260 = arith.constant 0 : i32
      %dma_wait3A_261 = tpu.memref_slice %arg3[%dma_wait3A_259, %dma_wait3A_260] : memref<1000000x64xf32, #tpu.memory_space<hbm>> -> memref<200x64xf32, #tpu.memory_space<hbm>>
      %dma_wait3A_262 = arith.constant 0 : i32
      %dma_wait3A_263 = arith.constant 0 : i32
      %dma_wait3A_264 = tpu.memref_slice %arg8[%dma_wait3A_253, %dma_wait3A_254, %dma_wait3A_262, %dma_wait3A_263] : memref<3x2x200x64xf32, #tpu.memory_space<vmem>> -> memref<1x1x200x64xf32, #tpu.memory_space<vmem>>
      %dma_wait3A_265 = tpu.memref_squeeze %dma_wait3A_264 : memref<1x1x200x64xf32, #tpu.memory_space<vmem>> -> memref<200x64xf32, #tpu.memory_space<vmem>>
      %dma_wait3A_266 = arith.constant 0 : i32
      %dma_wait3A_267 = arith.constant 0 : i32
      %dma_wait3A_268 = tpu.memref_slice %arg3[%dma_wait3A_266, %dma_wait3A_267] : memref<1000000x64xf32, #tpu.memory_space<hbm>> -> memref<200x64xf32, #tpu.memory_space<hbm>>
      tpu.wait_dma2 semaphore(%arg9 : memref<!tpu.dma_semaphore, #tpu.memory_space<semaphore_mem>>) src(%dma_wait3A_268 : memref<200x64xf32, #tpu.memory_space<hbm>>) dst(%dma_wait3A_265 : memref<200x64xf32, #tpu.memory_space<vmem>>)
      %scan3A_269 = arith.constant 0 : i32
      %scan3A_270 = arith.constant 200 : i32
      %scan3A_271 = arith.addi %scan3A_269, %scan3A_270 : i32
      %scan3A_272 = arith.constant 4 : i32
      scf.for %scan3A_476 = %scan3A_269 to %scan3A_271 step %scan3A_272  : i32 {
        %mul3A_477 = arith.constant 1 : i32
        %mul3A_478 = arith.muli %scan3A_476, %mul3A_477 : i32
        %add3A_479 = arith.constant 0 : i32
        %add3A_480 = arith.addi %add3A_479, %mul3A_478 : i32
        %get3A = arith.index_cast %add3A_480 : i32 to index
        %get3A_481 = arith.constant 0 : index
        %get3A_482 = tpu.vector_load %arg7[%get3A, %get3A_481] {strides = array<i32>} : memref<200x64xf32, #tpu.memory_space<vmem>>, vector<1x16xf32>,
        %get3A_483 = vector.shape_cast %get3A_482 : vector<1x16xf32> to vector<16xf32>
        %swap3A = arith.constant 0 : i32
        %swap3A_484 = arith.constant 0 : i32
        %swap3A_485 = arith.index_cast %swap3A : i32 to index
        %swap3A_486 = arith.index_cast %swap3A_484 : i32 to index
        %swap3A_487 = arith.index_cast %add3A_480 : i32 to index
        %swap3A_488 = arith.constant 0 : index
        %swap3A_489 = tpu.vector_load %arg8[%swap3A_485, %swap3A_486, %swap3A_487, %swap3A_488] {strides = array<i32>} : memref<3x2x200x64xf32, #tpu.memory_space<vmem>>, vector<1x1x1x16xf32>,
        %swap3A_490 = vector.shape_cast %swap3A_489 : vector<1x1x1x16xf32> to vector<16xf32>
        %swap3A_491 = vector.shape_cast %get3A_483 : vector<16xf32> to vector<1x1x1x16xf32>
        tpu.vector_store %arg8[%swap3A_485, %swap3A_486, %swap3A_487, %swap3A_488], %swap3A_491 {add = true, strides = array<i32>} : memref<3x2x200x64xf32, #tpu.memory_space<vmem>>, vector<1x1x1x16xf32>,
        %get3A_492 = arith.index_cast %add3A_480 : i32 to index
        %get3A_493 = arith.constant 16 : index
        %get3A_494 = tpu.vector_load %arg7[%get3A_492, %get3A_493] {strides = array<i32>} : memref<200x64xf32, #tpu.memory_space<vmem>>, vector<1x16xf32>,
        %get3A_495 = vector.shape_cast %get3A_494 : vector<1x16xf32> to vector<16xf32>
        %swap3A_496 = arith.constant 0 : i32
        %swap3A_497 = arith.constant 0 : i32
        %swap3A_498 = arith.index_cast %swap3A_496 : i32 to index
        %swap3A_499 = arith.index_cast %swap3A_497 : i32 to index
        %swap3A_500 = arith.index_cast %add3A_480 : i32 to index
        %swap3A_501 = arith.constant 16 : index
        %swap3A_502 = tpu.vector_load %arg8[%swap3A_498, %swap3A_499, %swap3A_500, %swap3A_501] {strides = array<i32>} : memref<3x2x200x64xf32, #tpu.memory_space<vmem>>, vector<1x1x1x16xf32>,
        %swap3A_503 = vector.shape_cast %swap3A_502 : vector<1x1x1x16xf32> to vector<16xf32>
        %swap3A_504 = vector.shape_cast %get3A_495 : vector<16xf32> to vector<1x1x1x16xf32>
        tpu.vector_store %arg8[%swap3A_498, %swap3A_499, %swap3A_500, %swap3A_501], %swap3A_504 {add = true, strides = array<i32>} : memref<3x2x200x64xf32, #tpu.memory_space<vmem>>, vector<1x1x1x16xf32>,
        %get3A_505 = arith.index_cast %add3A_480 : i32 to index
        %get3A_506 = arith.constant 32 : index
        %get3A_507 = tpu.vector_load %arg7[%get3A_505, %get3A_506] {strides = array<i32>} : memref<200x64xf32, #tpu.memory_space<vmem>>, vector<1x16xf32>,
        %get3A_508 = vector.shape_cast %get3A_507 : vector<1x16xf32> to vector<16xf32>
        %swap3A_509 = arith.constant 0 : i32
        %swap3A_510 = arith.constant 0 : i32
        %swap3A_511 = arith.index_cast %swap3A_509 : i32 to index
        %swap3A_512 = arith.index_cast %swap3A_510 : i32 to index
        %swap3A_513 = arith.index_cast %add3A_480 : i32 to index
        %swap3A_514 = arith.constant 32 : index
        %swap3A_515 = tpu.vector_load %arg8[%swap3A_511, %swap3A_512, %swap3A_513, %swap3A_514] {strides = array<i32>} : memref<3x2x200x64xf32, #tpu.memory_space<vmem>>, vector<1x1x1x16xf32>,
        %swap3A_516 = vector.shape_cast %swap3A_515 : vector<1x1x1x16xf32> to vector<16xf32>
        %swap3A_517 = vector.shape_cast %get3A_508 : vector<16xf32> to vector<1x1x1x16xf32>
        tpu.vector_store %arg8[%swap3A_511, %swap3A_512, %swap3A_513, %swap3A_514], %swap3A_517 {add = true, strides = array<i32>} : memref<3x2x200x64xf32, #tpu.memory_space<vmem>>, vector<1x1x1x16xf32>,
        %get3A_518 = arith.index_cast %add3A_480 : i32 to index
        %get3A_519 = arith.constant 48 : index
        %get3A_520 = tpu.vector_load %arg7[%get3A_518, %get3A_519] {strides = array<i32>} : memref<200x64xf32, #tpu.memory_space<vmem>>, vector<1x16xf32>,
        %get3A_521 = vector.shape_cast %get3A_520 : vector<1x16xf32> to vector<16xf32>
        %swap3A_522 = arith.constant 0 : i32
        %swap3A_523 = arith.constant 0 : i32
        %swap3A_524 = arith.index_cast %swap3A_522 : i32 to index
        %swap3A_525 = arith.index_cast %swap3A_523 : i32 to index
        %swap3A_526 = arith.index_cast %add3A_480 : i32 to index
        %swap3A_527 = arith.constant 48 : index
        %swap3A_528 = tpu.vector_load %arg8[%swap3A_524, %swap3A_525, %swap3A_526, %swap3A_527] {strides = array<i32>} : memref<3x2x200x64xf32, #tpu.memory_space<vmem>>, vector<1x1x1x16xf32>,
        %swap3A_529 = vector.shape_cast %swap3A_528 : vector<1x1x1x16xf32> to vector<16xf32>
        %swap3A_530 = vector.shape_cast %get3A_521 : vector<16xf32> to vector<1x1x1x16xf32>
        tpu.vector_store %arg8[%swap3A_524, %swap3A_525, %swap3A_526, %swap3A_527], %swap3A_530 {add = true, strides = array<i32>} : memref<3x2x200x64xf32, #tpu.memory_space<vmem>>, vector<1x1x1x16xf32>,
        %scan3A_531 = arith.constant 1 : i32
        %scan3A_532 = arith.addi %scan3A_476, %scan3A_531 : i32
        %mul3A_533 = arith.constant 1 : i32
        %mul3A_534 = arith.muli %scan3A_532, %mul3A_533 : i32
        %add3A_535 = arith.constant 0 : i32
        %add3A_536 = arith.addi %add3A_535, %mul3A_534 : i32
        %get3A_537 = arith.index_cast %add3A_536 : i32 to index
        %get3A_538 = arith.constant 0 : index
        %get3A_539 = tpu.vector_load %arg7[%get3A_537, %get3A_538] {strides = array<i32>} : memref<200x64xf32, #tpu.memory_space<vmem>>, vector<1x16xf32>,
        %get3A_540 = vector.shape_cast %get3A_539 : vector<1x16xf32> to vector<16xf32>
        %swap3A_541 = arith.constant 0 : i32
        %swap3A_542 = arith.constant 0 : i32
        %swap3A_543 = arith.index_cast %swap3A_541 : i32 to index
        %swap3A_544 = arith.index_cast %swap3A_542 : i32 to index
        %swap3A_545 = arith.index_cast %add3A_536 : i32 to index
        %swap3A_546 = arith.constant 0 : index
        %swap3A_547 = tpu.vector_load %arg8[%swap3A_543, %swap3A_544, %swap3A_545, %swap3A_546] {strides = array<i32>} : memref<3x2x200x64xf32, #tpu.memory_space<vmem>>, vector<1x1x1x16xf32>,
        %swap3A_548 = vector.shape_cast %swap3A_547 : vector<1x1x1x16xf32> to vector<16xf32>
        %swap3A_549 = vector.shape_cast %get3A_540 : vector<16xf32> to vector<1x1x1x16xf32>
        tpu.vector_store %arg8[%swap3A_543, %swap3A_544, %swap3A_545, %swap3A_546], %swap3A_549 {add = true, strides = array<i32>} : memref<3x2x200x64xf32, #tpu.memory_space<vmem>>, vector<1x1x1x16xf32>,
        %get3A_550 = arith.index_cast %add3A_536 : i32 to index
        %get3A_551 = arith.constant 16 : index
        %get3A_552 = tpu.vector_load %arg7[%get3A_550, %get3A_551] {strides = array<i32>} : memref<200x64xf32, #tpu.memory_space<vmem>>, vector<1x16xf32>,
        %get3A_553 = vector.shape_cast %get3A_552 : vector<1x16xf32> to vector<16xf32>
        %swap3A_554 = arith.constant 0 : i32
        %swap3A_555 = arith.constant 0 : i32
        %swap3A_556 = arith.index_cast %swap3A_554 : i32 to index
        %swap3A_557 = arith.index_cast %swap3A_555 : i32 to index
        %swap3A_558 = arith.index_cast %add3A_536 : i32 to index
        %swap3A_559 = arith.constant 16 : index
        %swap3A_560 = tpu.vector_load %arg8[%swap3A_556, %swap3A_557, %swap3A_558, %swap3A_559] {strides = array<i32>} : memref<3x2x200x64xf32, #tpu.memory_space<vmem>>, vector<1x1x1x16xf32>,
        %swap3A_561 = vector.shape_cast %swap3A_560 : vector<1x1x1x16xf32> to vector<16xf32>
        %swap3A_562 = vector.shape_cast %get3A_553 : vector<16xf32> to vector<1x1x1x16xf32>
        tpu.vector_store %arg8[%swap3A_556, %swap3A_557, %swap3A_558, %swap3A_559], %swap3A_562 {add = true, strides = array<i32>} : memref<3x2x200x64xf32, #tpu.memory_space<vmem>>, vector<1x1x1x16xf32>,
        %get3A_563 = arith.index_cast %add3A_536 : i32 to index
        %get3A_564 = arith.constant 32 : index
        %get3A_565 = tpu.vector_load %arg7[%get3A_563, %get3A_564] {strides = array<i32>} : memref<200x64xf32, #tpu.memory_space<vmem>>, vector<1x16xf32>,
        %get3A_566 = vector.shape_cast %get3A_565 : vector<1x16xf32> to vector<16xf32>
        %swap3A_567 = arith.constant 0 : i32
        %swap3A_568 = arith.constant 0 : i32
        %swap3A_569 = arith.index_cast %swap3A_567 : i32 to index
        %swap3A_570 = arith.index_cast %swap3A_568 : i32 to index
        %swap3A_571 = arith.index_cast %add3A_536 : i32 to index
        %swap3A_572 = arith.constant 32 : index
        %swap3A_573 = tpu.vector_load %arg8[%swap3A_569, %swap3A_570, %swap3A_571, %swap3A_572] {strides = array<i32>} : memref<3x2x200x64xf32, #tpu.memory_space<vmem>>, vector<1x1x1x16xf32>,
        %swap3A_574 = vector.shape_cast %swap3A_573 : vector<1x1x1x16xf32> to vector<16xf32>
        %swap3A_575 = vector.shape_cast %get3A_566 : vector<16xf32> to vector<1x1x1x16xf32>
        tpu.vector_store %arg8[%swap3A_569, %swap3A_570, %swap3A_571, %swap3A_572], %swap3A_575 {add = true, strides = array<i32>} : memref<3x2x200x64xf32, #tpu.memory_space<vmem>>, vector<1x1x1x16xf32>,
        %get3A_576 = arith.index_cast %add3A_536 : i32 to index
        %get3A_577 = arith.constant 48 : index
        %get3A_578 = tpu.vector_load %arg7[%get3A_576, %get3A_577] {strides = array<i32>} : memref<200x64xf32, #tpu.memory_space<vmem>>, vector<1x16xf32>,
        %get3A_579 = vector.shape_cast %get3A_578 : vector<1x16xf32> to vector<16xf32>
        %swap3A_580 = arith.constant 0 : i32
        %swap3A_581 = arith.constant 0 : i32
        %swap3A_582 = arith.index_cast %swap3A_580 : i32 to index
        %swap3A_583 = arith.index_cast %swap3A_581 : i32 to index
        %swap3A_584 = arith.index_cast %add3A_536 : i32 to index
        %swap3A_585 = arith.constant 48 : index
        %swap3A_586 = tpu.vector_load %arg8[%swap3A_582, %swap3A_583, %swap3A_584, %swap3A_585] {strides = array<i32>} : memref<3x2x200x64xf32, #tpu.memory_space<vmem>>, vector<1x1x1x16xf32>,
        %swap3A_587 = vector.shape_cast %swap3A_586 : vector<1x1x1x16xf32> to vector<16xf32>
        %swap3A_588 = vector.shape_cast %get3A_579 : vector<16xf32> to vector<1x1x1x16xf32>
        tpu.vector_store %arg8[%swap3A_582, %swap3A_583, %swap3A_584, %swap3A_585], %swap3A_588 {add = true, strides = array<i32>} : memref<3x2x200x64xf32, #tpu.memory_space<vmem>>, vector<1x1x1x16xf32>,
        %scan3A_589 = arith.constant 2 : i32
        %scan3A_590 = arith.addi %scan3A_476, %scan3A_589 : i32
        %mul3A_591 = arith.constant 1 : i32
        %mul3A_592 = arith.muli %scan3A_590, %mul3A_591 : i32
        %add3A_593 = arith.constant 0 : i32
        %add3A_594 = arith.addi %add3A_593, %mul3A_592 : i32
        %get3A_595 = arith.index_cast %add3A_594 : i32 to index
        %get3A_596 = arith.constant 0 : index
        %get3A_597 = tpu.vector_load %arg7[%get3A_595, %get3A_596] {strides = array<i32>} : memref<200x64xf32, #tpu.memory_space<vmem>>, vector<1x16xf32>,
        %get3A_598 = vector.shape_cast %get3A_597 : vector<1x16xf32> to vector<16xf32>
        %swap3A_599 = arith.constant 0 : i32
        %swap3A_600 = arith.constant 0 : i32
        %swap3A_601 = arith.index_cast %swap3A_599 : i32 to index
        %swap3A_602 = arith.index_cast %swap3A_600 : i32 to index
        %swap3A_603 = arith.index_cast %add3A_594 : i32 to index
        %swap3A_604 = arith.constant 0 : index
        %swap3A_605 = tpu.vector_load %arg8[%swap3A_601, %swap3A_602, %swap3A_603, %swap3A_604] {strides = array<i32>} : memref<3x2x200x64xf32, #tpu.memory_space<vmem>>, vector<1x1x1x16xf32>,
        %swap3A_606 = vector.shape_cast %swap3A_605 : vector<1x1x1x16xf32> to vector<16xf32>
        %swap3A_607 = vector.shape_cast %get3A_598 : vector<16xf32> to vector<1x1x1x16xf32>
        tpu.vector_store %arg8[%swap3A_601, %swap3A_602, %swap3A_603, %swap3A_604], %swap3A_607 {add = true, strides = array<i32>} : memref<3x2x200x64xf32, #tpu.memory_space<vmem>>, vector<1x1x1x16xf32>,
        %get3A_608 = arith.index_cast %add3A_594 : i32 to index
        %get3A_609 = arith.constant 16 : index
        %get3A_610 = tpu.vector_load %arg7[%get3A_608, %get3A_609] {strides = array<i32>} : memref<200x64xf32, #tpu.memory_space<vmem>>, vector<1x16xf32>,
        %get3A_611 = vector.shape_cast %get3A_610 : vector<1x16xf32> to vector<16xf32>
        %swap3A_612 = arith.constant 0 : i32
        %swap3A_613 = arith.constant 0 : i32
        %swap3A_614 = arith.index_cast %swap3A_612 : i32 to index
        %swap3A_615 = arith.index_cast %swap3A_613 : i32 to index
        %swap3A_616 = arith.index_cast %add3A_594 : i32 to index
        %swap3A_617 = arith.constant 16 : index
        %swap3A_618 = tpu.vector_load %arg8[%swap3A_614, %swap3A_615, %swap3A_616, %swap3A_617] {strides = array<i32>} : memref<3x2x200x64xf32, #tpu.memory_space<vmem>>, vector<1x1x1x16xf32>,
        %swap3A_619 = vector.shape_cast %swap3A_618 : vector<1x1x1x16xf32> to vector<16xf32>
        %swap3A_620 = vector.shape_cast %get3A_611 : vector<16xf32> to vector<1x1x1x16xf32>
        tpu.vector_store %arg8[%swap3A_614, %swap3A_615, %swap3A_616, %swap3A_617], %swap3A_620 {add = true, strides = array<i32>} : memref<3x2x200x64xf32, #tpu.memory_space<vmem>>, vector<1x1x1x16xf32>,
        %get3A_621 = arith.index_cast %add3A_594 : i32 to index
        %get3A_622 = arith.constant 32 : index
        %get3A_623 = tpu.vector_load %arg7[%get3A_621, %get3A_622] {strides = array<i32>} : memref<200x64xf32, #tpu.memory_space<vmem>>, vector<1x16xf32>,
        %get3A_624 = vector.shape_cast %get3A_623 : vector<1x16xf32> to vector<16xf32>
        %swap3A_625 = arith.constant 0 : i32
        %swap3A_626 = arith.constant 0 : i32
        %swap3A_627 = arith.index_cast %swap3A_625 : i32 to index
        %swap3A_628 = arith.index_cast %swap3A_626 : i32 to index
        %swap3A_629 = arith.index_cast %add3A_594 : i32 to index
        %swap3A_630 = arith.constant 32 : index
        %swap3A_631 = tpu.vector_load %arg8[%swap3A_627, %swap3A_628, %swap3A_629, %swap3A_630] {strides = array<i32>} : memref<3x2x200x64xf32, #tpu.memory_space<vmem>>, vector<1x1x1x16xf32>,
        %swap3A_632 = vector.shape_cast %swap3A_631 : vector<1x1x1x16xf32> to vector<16xf32>
        %swap3A_633 = vector.shape_cast %get3A_624 : vector<16xf32> to vector<1x1x1x16xf32>
        tpu.vector_store %arg8[%swap3A_627, %swap3A_628, %swap3A_629, %swap3A_630], %swap3A_633 {add = true, strides = array<i32>} : memref<3x2x200x64xf32, #tpu.memory_space<vmem>>, vector<1x1x1x16xf32>,
        %get3A_634 = arith.index_cast %add3A_594 : i32 to index
        %get3A_635 = arith.constant 48 : index
        %get3A_636 = tpu.vector_load %arg7[%get3A_634, %get3A_635] {strides = array<i32>} : memref<200x64xf32, #tpu.memory_space<vmem>>, vector<1x16xf32>,
        %get3A_637 = vector.shape_cast %get3A_636 : vector<1x16xf32> to vector<16xf32>
        %swap3A_638 = arith.constant 0 : i32
        %swap3A_639 = arith.constant 0 : i32
        %swap3A_640 = arith.index_cast %swap3A_638 : i32 to index
        %swap3A_641 = arith.index_cast %swap3A_639 : i32 to index
        %swap3A_642 = arith.index_cast %add3A_594 : i32 to index
        %swap3A_643 = arith.constant 48 : index
        %swap3A_644 = tpu.vector_load %arg8[%swap3A_640, %swap3A_641, %swap3A_642, %swap3A_643] {strides = array<i32>} : memref<3x2x200x64xf32, #tpu.memory_space<vmem>>, vector<1x1x1x16xf32>,
        %swap3A_645 = vector.shape_cast %swap3A_644 : vector<1x1x1x16xf32> to vector<16xf32>
        %swap3A_646 = vector.shape_cast %get3A_637 : vector<16xf32> to vector<1x1x1x16xf32>
        tpu.vector_store %arg8[%swap3A_640, %swap3A_641, %swap3A_642, %swap3A_643], %swap3A_646 {add = true, strides = array<i32>} : memref<3x2x200x64xf32, #tpu.memory_space<vmem>>, vector<1x1x1x16xf32>,
        %scan3A_647 = arith.constant 3 : i32
        %scan3A_648 = arith.addi %scan3A_476, %scan3A_647 : i32
        %mul3A_649 = arith.constant 1 : i32
        %mul3A_650 = arith.muli %scan3A_648, %mul3A_649 : i32
        %add3A_651 = arith.constant 0 : i32
        %add3A_652 = arith.addi %add3A_651, %mul3A_650 : i32
        %get3A_653 = arith.index_cast %add3A_652 : i32 to index
        %get3A_654 = arith.constant 0 : index
        %get3A_655 = tpu.vector_load %arg7[%get3A_653, %get3A_654] {strides = array<i32>} : memref<200x64xf32, #tpu.memory_space<vmem>>, vector<1x16xf32>,
        %get3A_656 = vector.shape_cast %get3A_655 : vector<1x16xf32> to vector<16xf32>
        %swap3A_657 = arith.constant 0 : i32
        %swap3A_658 = arith.constant 0 : i32
        %swap3A_659 = arith.index_cast %swap3A_657 : i32 to index
        %swap3A_660 = arith.index_cast %swap3A_658 : i32 to index
        %swap3A_661 = arith.index_cast %add3A_652 : i32 to index
        %swap3A_662 = arith.constant 0 : index
        %swap3A_663 = tpu.vector_load %arg8[%swap3A_659, %swap3A_660, %swap3A_661, %swap3A_662] {strides = array<i32>} : memref<3x2x200x64xf32, #tpu.memory_space<vmem>>, vector<1x1x1x16xf32>,
        %swap3A_664 = vector.shape_cast %swap3A_663 : vector<1x1x1x16xf32> to vector<16xf32>
        %swap3A_665 = vector.shape_cast %get3A_656 : vector<16xf32> to vector<1x1x1x16xf32>
        tpu.vector_store %arg8[%swap3A_659, %swap3A_660, %swap3A_661, %swap3A_662], %swap3A_665 {add = true, strides = array<i32>} : memref<3x2x200x64xf32, #tpu.memory_space<vmem>>, vector<1x1x1x16xf32>,
        %get3A_666 = arith.index_cast %add3A_652 : i32 to index
        %get3A_667 = arith.constant 16 : index
        %get3A_668 = tpu.vector_load %arg7[%get3A_666, %get3A_667] {strides = array<i32>} : memref<200x64xf32, #tpu.memory_space<vmem>>, vector<1x16xf32>,
        %get3A_669 = vector.shape_cast %get3A_668 : vector<1x16xf32> to vector<16xf32>
        %swap3A_670 = arith.constant 0 : i32
        %swap3A_671 = arith.constant 0 : i32
        %swap3A_672 = arith.index_cast %swap3A_670 : i32 to index
        %swap3A_673 = arith.index_cast %swap3A_671 : i32 to index
        %swap3A_674 = arith.index_cast %add3A_652 : i32 to index
        %swap3A_675 = arith.constant 16 : index
        %swap3A_676 = tpu.vector_load %arg8[%swap3A_672, %swap3A_673, %swap3A_674, %swap3A_675] {strides = array<i32>} : memref<3x2x200x64xf32, #tpu.memory_space<vmem>>, vector<1x1x1x16xf32>,
        %swap3A_677 = vector.shape_cast %swap3A_676 : vector<1x1x1x16xf32> to vector<16xf32>
        %swap3A_678 = vector.shape_cast %get3A_669 : vector<16xf32> to vector<1x1x1x16xf32>
        tpu.vector_store %arg8[%swap3A_672, %swap3A_673, %swap3A_674, %swap3A_675], %swap3A_678 {add = true, strides = array<i32>} : memref<3x2x200x64xf32, #tpu.memory_space<vmem>>, vector<1x1x1x16xf32>,
        %get3A_679 = arith.index_cast %add3A_652 : i32 to index
        %get3A_680 = arith.constant 32 : index
        %get3A_681 = tpu.vector_load %arg7[%get3A_679, %get3A_680] {strides = array<i32>} : memref<200x64xf32, #tpu.memory_space<vmem>>, vector<1x16xf32>,
        %get3A_682 = vector.shape_cast %get3A_681 : vector<1x16xf32> to vector<16xf32>
        %swap3A_683 = arith.constant 0 : i32
        %swap3A_684 = arith.constant 0 : i32
        %swap3A_685 = arith.index_cast %swap3A_683 : i32 to index
        %swap3A_686 = arith.index_cast %swap3A_684 : i32 to index
        %swap3A_687 = arith.index_cast %add3A_652 : i32 to index
        %swap3A_688 = arith.constant 32 : index
        %swap3A_689 = tpu.vector_load %arg8[%swap3A_685, %swap3A_686, %swap3A_687, %swap3A_688] {strides = array<i32>} : memref<3x2x200x64xf32, #tpu.memory_space<vmem>>, vector<1x1x1x16xf32>,
        %swap3A_690 = vector.shape_cast %swap3A_689 : vector<1x1x1x16xf32> to vector<16xf32>
        %swap3A_691 = vector.shape_cast %get3A_682 : vector<16xf32> to vector<1x1x1x16xf32>
        tpu.vector_store %arg8[%swap3A_685, %swap3A_686, %swap3A_687, %swap3A_688], %swap3A_691 {add = true, strides = array<i32>} : memref<3x2x200x64xf32, #tpu.memory_space<vmem>>, vector<1x1x1x16xf32>,
        %get3A_692 = arith.index_cast %add3A_652 : i32 to index
        %get3A_693 = arith.constant 48 : index
        %get3A_694 = tpu.vector_load %arg7[%get3A_692, %get3A_693] {strides = array<i32>} : memref<200x64xf32, #tpu.memory_space<vmem>>, vector<1x16xf32>,
        %get3A_695 = vector.shape_cast %get3A_694 : vector<1x16xf32> to vector<16xf32>
        %swap3A_696 = arith.constant 0 : i32
        %swap3A_697 = arith.constant 0 : i32
        %swap3A_698 = arith.index_cast %swap3A_696 : i32 to index
        %swap3A_699 = arith.index_cast %swap3A_697 : i32 to index
        %swap3A_700 = arith.index_cast %add3A_652 : i32 to index
        %swap3A_701 = arith.constant 48 : index
        %swap3A_702 = tpu.vector_load %arg8[%swap3A_698, %swap3A_699, %swap3A_700, %swap3A_701] {strides = array<i32>} : memref<3x2x200x64xf32, #tpu.memory_space<vmem>>, vector<1x1x1x16xf32>,
        %swap3A_703 = vector.shape_cast %swap3A_702 : vector<1x1x1x16xf32> to vector<16xf32>
        %swap3A_704 = vector.shape_cast %get3A_695 : vector<16xf32> to vector<1x1x1x16xf32>
        tpu.vector_store %arg8[%swap3A_698, %swap3A_699, %swap3A_700, %swap3A_701], %swap3A_704 {add = true, strides = array<i32>} : memref<3x2x200x64xf32, #tpu.memory_space<vmem>>, vector<1x1x1x16xf32>,
      }
      %scan3A_273 = arith.constant 200 : i32
      %scan3A_274 = arith.constant 0 : i32
      %scan3A_275 = arith.constant 200 : i32
      %scan3A_276 = arith.addi %scan3A_274, %scan3A_275 : i32
      %scan3A_277 = arith.constant 4 : i32
      scf.for %scan3A_476 = %scan3A_274 to %scan3A_276 step %scan3A_277  : i32 {
        %mul3A_477 = arith.constant 1 : i32
        %mul3A_478 = arith.muli %scan3A_476, %mul3A_477 : i32
        %add3A_479 = arith.constant 0 : i32
        %add3A_480 = arith.addi %add3A_479, %mul3A_478 : i32
        %get3A = arith.index_cast %add3A_480 : i32 to index
        %get3A_481 = arith.constant 0 : index
        %get3A_482 = tpu.vector_load %arg7[%get3A, %get3A_481] {strides = array<i32>} : memref<200x64xf32, #tpu.memory_space<vmem>>, vector<1x16xf32>,
        %get3A_483 = vector.shape_cast %get3A_482 : vector<1x16xf32> to vector<16xf32>
        %swap3A = arith.constant 0 : i32
        %swap3A_484 = arith.constant 1 : i32
        %swap3A_485 = arith.index_cast %swap3A : i32 to index
        %swap3A_486 = arith.index_cast %swap3A_484 : i32 to index
        %swap3A_487 = arith.index_cast %add3A_480 : i32 to index
        %swap3A_488 = arith.constant 0 : index
        %swap3A_489 = tpu.vector_load %arg8[%swap3A_485, %swap3A_486, %swap3A_487, %swap3A_488] {strides = array<i32>} : memref<3x2x200x64xf32, #tpu.memory_space<vmem>>, vector<1x1x1x16xf32>,
        %swap3A_490 = vector.shape_cast %swap3A_489 : vector<1x1x1x16xf32> to vector<16xf32>
        %swap3A_491 = vector.shape_cast %get3A_483 : vector<16xf32> to vector<1x1x1x16xf32>
        tpu.vector_store %arg8[%swap3A_485, %swap3A_486, %swap3A_487, %swap3A_488], %swap3A_491 {add = true, strides = array<i32>} : memref<3x2x200x64xf32, #tpu.memory_space<vmem>>, vector<1x1x1x16xf32>,
        %get3A_492 = arith.index_cast %add3A_480 : i32 to index
        %get3A_493 = arith.constant 16 : index
        %get3A_494 = tpu.vector_load %arg7[%get3A_492, %get3A_493] {strides = array<i32>} : memref<200x64xf32, #tpu.memory_space<vmem>>, vector<1x16xf32>,
        %get3A_495 = vector.shape_cast %get3A_494 : vector<1x16xf32> to vector<16xf32>
        %swap3A_496 = arith.constant 0 : i32
        %swap3A_497 = arith.constant 1 : i32
        %swap3A_498 = arith.index_cast %swap3A_496 : i32 to index
        %swap3A_499 = arith.index_cast %swap3A_497 : i32 to index
        %swap3A_500 = arith.index_cast %add3A_480 : i32 to index
        %swap3A_501 = arith.constant 16 : index
        %swap3A_502 = tpu.vector_load %arg8[%swap3A_498, %swap3A_499, %swap3A_500, %swap3A_501] {strides = array<i32>} : memref<3x2x200x64xf32, #tpu.memory_space<vmem>>, vector<1x1x1x16xf32>,
        %swap3A_503 = vector.shape_cast %swap3A_502 : vector<1x1x1x16xf32> to vector<16xf32>
        %swap3A_504 = vector.shape_cast %get3A_495 : vector<16xf32> to vector<1x1x1x16xf32>
        tpu.vector_store %arg8[%swap3A_498, %swap3A_499, %swap3A_500, %swap3A_501], %swap3A_504 {add = true, strides = array<i32>} : memref<3x2x200x64xf32, #tpu.memory_space<vmem>>, vector<1x1x1x16xf32>,
        %get3A_505 = arith.index_cast %add3A_480 : i32 to index
        %get3A_506 = arith.constant 32 : index
        %get3A_507 = tpu.vector_load %arg7[%get3A_505, %get3A_506] {strides = array<i32>} : memref<200x64xf32, #tpu.memory_space<vmem>>, vector<1x16xf32>,
        %get3A_508 = vector.shape_cast %get3A_507 : vector<1x16xf32> to vector<16xf32>
        %swap3A_509 = arith.constant 0 : i32
        %swap3A_510 = arith.constant 1 : i32
        %swap3A_511 = arith.index_cast %swap3A_509 : i32 to index
        %swap3A_512 = arith.index_cast %swap3A_510 : i32 to index
        %swap3A_513 = arith.index_cast %add3A_480 : i32 to index
        %swap3A_514 = arith.constant 32 : index
        %swap3A_515 = tpu.vector_load %arg8[%swap3A_511, %swap3A_512, %swap3A_513, %swap3A_514] {strides = array<i32>} : memref<3x2x200x64xf32, #tpu.memory_space<vmem>>, vector<1x1x1x16xf32>,
        %swap3A_516 = vector.shape_cast %swap3A_515 : vector<1x1x1x16xf32> to vector<16xf32>
        %swap3A_517 = vector.shape_cast %get3A_508 : vector<16xf32> to vector<1x1x1x16xf32>
        tpu.vector_store %arg8[%swap3A_511, %swap3A_512, %swap3A_513, %swap3A_514], %swap3A_517 {add = true, strides = array<i32>} : memref<3x2x200x64xf32, #tpu.memory_space<vmem>>, vector<1x1x1x16xf32>,
        %get3A_518 = arith.index_cast %add3A_480 : i32 to index
        %get3A_519 = arith.constant 48 : index
        %get3A_520 = tpu.vector_load %arg7[%get3A_518, %get3A_519] {strides = array<i32>} : memref<200x64xf32, #tpu.memory_space<vmem>>, vector<1x16xf32>,
        %get3A_521 = vector.shape_cast %get3A_520 : vector<1x16xf32> to vector<16xf32>
        %swap3A_522 = arith.constant 0 : i32
        %swap3A_523 = arith.constant 1 : i32
        %swap3A_524 = arith.index_cast %swap3A_522 : i32 to index
        %swap3A_525 = arith.index_cast %swap3A_523 : i32 to index
        %swap3A_526 = arith.index_cast %add3A_480 : i32 to index
        %swap3A_527 = arith.constant 48 : index
        %swap3A_528 = tpu.vector_load %arg8[%swap3A_524, %swap3A_525, %swap3A_526, %swap3A_527] {strides = array<i32>} : memref<3x2x200x64xf32, #tpu.memory_space<vmem>>, vector<1x1x1x16xf32>,
        %swap3A_529 = vector.shape_cast %swap3A_528 : vector<1x1x1x16xf32> to vector<16xf32>
        %swap3A_530 = vector.shape_cast %get3A_521 : vector<16xf32> to vector<1x1x1x16xf32>
        tpu.vector_store %arg8[%swap3A_524, %swap3A_525, %swap3A_526, %swap3A_527], %swap3A_530 {add = true, strides = array<i32>} : memref<3x2x200x64xf32, #tpu.memory_space<vmem>>, vector<1x1x1x16xf32>,
        %scan3A_531 = arith.constant 1 : i32
        %scan3A_532 = arith.addi %scan3A_476, %scan3A_531 : i32
        %mul3A_533 = arith.constant 1 : i32
        %mul3A_534 = arith.muli %scan3A_532, %mul3A_533 : i32
        %add3A_535 = arith.constant 0 : i32
        %add3A_536 = arith.addi %add3A_535, %mul3A_534 : i32
        %get3A_537 = arith.index_cast %add3A_536 : i32 to index
        %get3A_538 = arith.constant 0 : index
        %get3A_539 = tpu.vector_load %arg7[%get3A_537, %get3A_538] {strides = array<i32>} : memref<200x64xf32, #tpu.memory_space<vmem>>, vector<1x16xf32>,
        %get3A_540 = vector.shape_cast %get3A_539 : vector<1x16xf32> to vector<16xf32>
        %swap3A_541 = arith.constant 0 : i32
        %swap3A_542 = arith.constant 1 : i32
        %swap3A_543 = arith.index_cast %swap3A_541 : i32 to index
        %swap3A_544 = arith.index_cast %swap3A_542 : i32 to index
        %swap3A_545 = arith.index_cast %add3A_536 : i32 to index
        %swap3A_546 = arith.constant 0 : index
        %swap3A_547 = tpu.vector_load %arg8[%swap3A_543, %swap3A_544, %swap3A_545, %swap3A_546] {strides = array<i32>} : memref<3x2x200x64xf32, #tpu.memory_space<vmem>>, vector<1x1x1x16xf32>,
        %swap3A_548 = vector.shape_cast %swap3A_547 : vector<1x1x1x16xf32> to vector<16xf32>
        %swap3A_549 = vector.shape_cast %get3A_540 : vector<16xf32> to vector<1x1x1x16xf32>
        tpu.vector_store %arg8[%swap3A_543, %swap3A_544, %swap3A_545, %swap3A_546], %swap3A_549 {add = true, strides = array<i32>} : memref<3x2x200x64xf32, #tpu.memory_space<vmem>>, vector<1x1x1x16xf32>,
        %get3A_550 = arith.index_cast %add3A_536 : i32 to index
        %get3A_551 = arith.constant 16 : index
        %get3A_552 = tpu.vector_load %arg7[%get3A_550, %get3A_551] {strides = array<i32>} : memref<200x64xf32, #tpu.memory_space<vmem>>, vector<1x16xf32>,
        %get3A_553 = vector.shape_cast %get3A_552 : vector<1x16xf32> to vector<16xf32>
        %swap3A_554 = arith.constant 0 : i32
        %swap3A_555 = arith.constant 1 : i32
        %swap3A_556 = arith.index_cast %swap3A_554 : i32 to index
        %swap3A_557 = arith.index_cast %swap3A_555 : i32 to index
        %swap3A_558 = arith.index_cast %add3A_536 : i32 to index
        %swap3A_559 = arith.constant 16 : index
        %swap3A_560 = tpu.vector_load %arg8[%swap3A_556, %swap3A_557, %swap3A_558, %swap3A_559] {strides = array<i32>} : memref<3x2x200x64xf32, #tpu.memory_space<vmem>>, vector<1x1x1x16xf32>,
        %swap3A_561 = vector.shape_cast %swap3A_560 : vector<1x1x1x16xf32> to vector<16xf32>
        %swap3A_562 = vector.shape_cast %get3A_553 : vector<16xf32> to vector<1x1x1x16xf32>
        tpu.vector_store %arg8[%swap3A_556, %swap3A_557, %swap3A_558, %swap3A_559], %swap3A_562 {add = true, strides = array<i32>} : memref<3x2x200x64xf32, #tpu.memory_space<vmem>>, vector<1x1x1x16xf32>,
        %get3A_563 = arith.index_cast %add3A_536 : i32 to index
        %get3A_564 = arith.constant 32 : index
        %get3A_565 = tpu.vector_load %arg7[%get3A_563, %get3A_564] {strides = array<i32>} : memref<200x64xf32, #tpu.memory_space<vmem>>, vector<1x16xf32>,
        %get3A_566 = vector.shape_cast %get3A_565 : vector<1x16xf32> to vector<16xf32>
        %swap3A_567 = arith.constant 0 : i32
        %swap3A_568 = arith.constant 1 : i32
        %swap3A_569 = arith.index_cast %swap3A_567 : i32 to index
        %swap3A_570 = arith.index_cast %swap3A_568 : i32 to index
        %swap3A_571 = arith.index_cast %add3A_536 : i32 to index
        %swap3A_572 = arith.constant 32 : index
        %swap3A_573 = tpu.vector_load %arg8[%swap3A_569, %swap3A_570, %swap3A_571, %swap3A_572] {strides = array<i32>} : memref<3x2x200x64xf32, #tpu.memory_space<vmem>>, vector<1x1x1x16xf32>,
        %swap3A_574 = vector.shape_cast %swap3A_573 : vector<1x1x1x16xf32> to vector<16xf32>
        %swap3A_575 = vector.shape_cast %get3A_566 : vector<16xf32> to vector<1x1x1x16xf32>
        tpu.vector_store %arg8[%swap3A_569, %swap3A_570, %swap3A_571, %swap3A_572], %swap3A_575 {add = true, strides = array<i32>} : memref<3x2x200x64xf32, #tpu.memory_space<vmem>>, vector<1x1x1x16xf32>,
        %get3A_576 = arith.index_cast %add3A_536 : i32 to index
        %get3A_577 = arith.constant 48 : index
        %get3A_578 = tpu.vector_load %arg7[%get3A_576, %get3A_577] {strides = array<i32>} : memref<200x64xf32, #tpu.memory_space<vmem>>, vector<1x16xf32>,
        %get3A_579 = vector.shape_cast %get3A_578 : vector<1x16xf32> to vector<16xf32>
        %swap3A_580 = arith.constant 0 : i32
        %swap3A_581 = arith.constant 1 : i32
        %swap3A_582 = arith.index_cast %swap3A_580 : i32 to index
        %swap3A_583 = arith.index_cast %swap3A_581 : i32 to index
        %swap3A_584 = arith.index_cast %add3A_536 : i32 to index
        %swap3A_585 = arith.constant 48 : index
        %swap3A_586 = tpu.vector_load %arg8[%swap3A_582, %swap3A_583, %swap3A_584, %swap3A_585] {strides = array<i32>} : memref<3x2x200x64xf32, #tpu.memory_space<vmem>>, vector<1x1x1x16xf32>,
        %swap3A_587 = vector.shape_cast %swap3A_586 : vector<1x1x1x16xf32> to vector<16xf32>
        %swap3A_588 = vector.shape_cast %get3A_579 : vector<16xf32> to vector<1x1x1x16xf32>
        tpu.vector_store %arg8[%swap3A_582, %swap3A_583, %swap3A_584, %swap3A_585], %swap3A_588 {add = true, strides = array<i32>} : memref<3x2x200x64xf32, #tpu.memory_space<vmem>>, vector<1x1x1x16xf32>,
        %scan3A_589 = arith.constant 2 : i32
        %scan3A_590 = arith.addi %scan3A_476, %scan3A_589 : i32
        %mul3A_591 = arith.constant 1 : i32
        %mul3A_592 = arith.muli %scan3A_590, %mul3A_591 : i32
        %add3A_593 = arith.constant 0 : i32
        %add3A_594 = arith.addi %add3A_593, %mul3A_592 : i32
        %get3A_595 = arith.index_cast %add3A_594 : i32 to index
        %get3A_596 = arith.constant 0 : index
        %get3A_597 = tpu.vector_load %arg7[%get3A_595, %get3A_596] {strides = array<i32>} : memref<200x64xf32, #tpu.memory_space<vmem>>, vector<1x16xf32>,
        %get3A_598 = vector.shape_cast %get3A_597 : vector<1x16xf32> to vector<16xf32>
        %swap3A_599 = arith.constant 0 : i32
        %swap3A_600 = arith.constant 1 : i32
        %swap3A_601 = arith.index_cast %swap3A_599 : i32 to index
        %swap3A_602 = arith.index_cast %swap3A_600 : i32 to index
        %swap3A_603 = arith.index_cast %add3A_594 : i32 to index
        %swap3A_604 = arith.constant 0 : index
        %swap3A_605 = tpu.vector_load %arg8[%swap3A_601, %swap3A_602, %swap3A_603, %swap3A_604] {strides = array<i32>} : memref<3x2x200x64xf32, #tpu.memory_space<vmem>>, vector<1x1x1x16xf32>,
        %swap3A_606 = vector.shape_cast %swap3A_605 : vector<1x1x1x16xf32> to vector<16xf32>
        %swap3A_607 = vector.shape_cast %get3A_598 : vector<16xf32> to vector<1x1x1x16xf32>
        tpu.vector_store %arg8[%swap3A_601, %swap3A_602, %swap3A_603, %swap3A_604], %swap3A_607 {add = true, strides = array<i32>} : memref<3x2x200x64xf32, #tpu.memory_space<vmem>>, vector<1x1x1x16xf32>,
        %get3A_608 = arith.index_cast %add3A_594 : i32 to index
        %get3A_609 = arith.constant 16 : index
        %get3A_610 = tpu.vector_load %arg7[%get3A_608, %get3A_609] {strides = array<i32>} : memref<200x64xf32, #tpu.memory_space<vmem>>, vector<1x16xf32>,
        %get3A_611 = vector.shape_cast %get3A_610 : vector<1x16xf32> to vector<16xf32>
        %swap3A_612 = arith.constant 0 : i32
        %swap3A_613 = arith.constant 1 : i32
        %swap3A_614 = arith.index_cast %swap3A_612 : i32 to index
        %swap3A_615 = arith.index_cast %swap3A_613 : i32 to index
        %swap3A_616 = arith.index_cast %add3A_594 : i32 to index
        %swap3A_617 = arith.constant 16 : index
        %swap3A_618 = tpu.vector_load %arg8[%swap3A_614, %swap3A_615, %swap3A_616, %swap3A_617] {strides = array<i32>} : memref<3x2x200x64xf32, #tpu.memory_space<vmem>>, vector<1x1x1x16xf32>,
        %swap3A_619 = vector.shape_cast %swap3A_618 : vector<1x1x1x16xf32> to vector<16xf32>
        %swap3A_620 = vector.shape_cast %get3A_611 : vector<16xf32> to vector<1x1x1x16xf32>
        tpu.vector_store %arg8[%swap3A_614, %swap3A_615, %swap3A_616, %swap3A_617], %swap3A_620 {add = true, strides = array<i32>} : memref<3x2x200x64xf32, #tpu.memory_space<vmem>>, vector<1x1x1x16xf32>,
        %get3A_621 = arith.index_cast %add3A_594 : i32 to index
        %get3A_622 = arith.constant 32 : index
        %get3A_623 = tpu.vector_load %arg7[%get3A_621, %get3A_622] {strides = array<i32>} : memref<200x64xf32, #tpu.memory_space<vmem>>, vector<1x16xf32>,
        %get3A_624 = vector.shape_cast %get3A_623 : vector<1x16xf32> to vector<16xf32>
        %swap3A_625 = arith.constant 0 : i32
        %swap3A_626 = arith.constant 1 : i32
        %swap3A_627 = arith.index_cast %swap3A_625 : i32 to index
        %swap3A_628 = arith.index_cast %swap3A_626 : i32 to index
        %swap3A_629 = arith.index_cast %add3A_594 : i32 to index
        %swap3A_630 = arith.constant 32 : index
        %swap3A_631 = tpu.vector_load %arg8[%swap3A_627, %swap3A_628, %swap3A_629, %swap3A_630] {strides = array<i32>} : memref<3x2x200x64xf32, #tpu.memory_space<vmem>>, vector<1x1x1x16xf32>,
        %swap3A_632 = vector.shape_cast %swap3A_631 : vector<1x1x1x16xf32> to vector<16xf32>
        %swap3A_633 = vector.shape_cast %get3A_624 : vector<16xf32> to vector<1x1x1x16xf32>
        tpu.vector_store %arg8[%swap3A_627, %swap3A_628, %swap3A_629, %swap3A_630], %swap3A_633 {add = true, strides = array<i32>} : memref<3x2x200x64xf32, #tpu.memory_space<vmem>>, vector<1x1x1x16xf32>,
        %get3A_634 = arith.index_cast %add3A_594 : i32 to index
        %get3A_635 = arith.constant 48 : index
        %get3A_636 = tpu.vector_load %arg7[%get3A_634, %get3A_635] {strides = array<i32>} : memref<200x64xf32, #tpu.memory_space<vmem>>, vector<1x16xf32>,
        %get3A_637 = vector.shape_cast %get3A_636 : vector<1x16xf32> to vector<16xf32>
        %swap3A_638 = arith.constant 0 : i32
        %swap3A_639 = arith.constant 1 : i32
        %swap3A_640 = arith.index_cast %swap3A_638 : i32 to index
        %swap3A_641 = arith.index_cast %swap3A_639 : i32 to index
        %swap3A_642 = arith.index_cast %add3A_594 : i32 to index
        %swap3A_643 = arith.constant 48 : index
        %swap3A_644 = tpu.vector_load %arg8[%swap3A_640, %swap3A_641, %swap3A_642, %swap3A_643] {strides = array<i32>} : memref<3x2x200x64xf32, #tpu.memory_space<vmem>>, vector<1x1x1x16xf32>,
        %swap3A_645 = vector.shape_cast %swap3A_644 : vector<1x1x1x16xf32> to vector<16xf32>
        %swap3A_646 = vector.shape_cast %get3A_637 : vector<16xf32> to vector<1x1x1x16xf32>
        tpu.vector_store %arg8[%swap3A_640, %swap3A_641, %swap3A_642, %swap3A_643], %swap3A_646 {add = true, strides = array<i32>} : memref<3x2x200x64xf32, #tpu.memory_space<vmem>>, vector<1x1x1x16xf32>,
        %scan3A_647 = arith.constant 3 : i32
        %scan3A_648 = arith.addi %scan3A_476, %scan3A_647 : i32
        %mul3A_649 = arith.constant 1 : i32
        %mul3A_650 = arith.muli %scan3A_648, %mul3A_649 : i32
        %add3A_651 = arith.constant 0 : i32
        %add3A_652 = arith.addi %add3A_651, %mul3A_650 : i32
        %get3A_653 = arith.index_cast %add3A_652 : i32 to index
        %get3A_654 = arith.constant 0 : index
        %get3A_655 = tpu.vector_load %arg7[%get3A_653, %get3A_654] {strides = array<i32>} : memref<200x64xf32, #tpu.memory_space<vmem>>, vector<1x16xf32>,
        %get3A_656 = vector.shape_cast %get3A_655 : vector<1x16xf32> to vector<16xf32>
        %swap3A_657 = arith.constant 0 : i32
        %swap3A_658 = arith.constant 1 : i32
        %swap3A_659 = arith.index_cast %swap3A_657 : i32 to index
        %swap3A_660 = arith.index_cast %swap3A_658 : i32 to index
        %swap3A_661 = arith.index_cast %add3A_652 : i32 to index
        %swap3A_662 = arith.constant 0 : index
        %swap3A_663 = tpu.vector_load %arg8[%swap3A_659, %swap3A_660, %swap3A_661, %swap3A_662] {strides = array<i32>} : memref<3x2x200x64xf32, #tpu.memory_space<vmem>>, vector<1x1x1x16xf32>,
        %swap3A_664 = vector.shape_cast %swap3A_663 : vector<1x1x1x16xf32> to vector<16xf32>
        %swap3A_665 = vector.shape_cast %get3A_656 : vector<16xf32> to vector<1x1x1x16xf32>
        tpu.vector_store %arg8[%swap3A_659, %swap3A_660, %swap3A_661, %swap3A_662], %swap3A_665 {add = true, strides = array<i32>} : memref<3x2x200x64xf32, #tpu.memory_space<vmem>>, vector<1x1x1x16xf32>,
        %get3A_666 = arith.index_cast %add3A_652 : i32 to index
        %get3A_667 = arith.constant 16 : index
        %get3A_668 = tpu.vector_load %arg7[%get3A_666, %get3A_667] {strides = array<i32>} : memref<200x64xf32, #tpu.memory_space<vmem>>, vector<1x16xf32>,
        %get3A_669 = vector.shape_cast %get3A_668 : vector<1x16xf32> to vector<16xf32>
        %swap3A_670 = arith.constant 0 : i32
        %swap3A_671 = arith.constant 1 : i32
        %swap3A_672 = arith.index_cast %swap3A_670 : i32 to index
        %swap3A_673 = arith.index_cast %swap3A_671 : i32 to index
        %swap3A_674 = arith.index_cast %add3A_652 : i32 to index
        %swap3A_675 = arith.constant 16 : index
        %swap3A_676 = tpu.vector_load %arg8[%swap3A_672, %swap3A_673, %swap3A_674, %swap3A_675] {strides = array<i32>} : memref<3x2x200x64xf32, #tpu.memory_space<vmem>>, vector<1x1x1x16xf32>,
        %swap3A_677 = vector.shape_cast %swap3A_676 : vector<1x1x1x16xf32> to vector<16xf32>
        %swap3A_678 = vector.shape_cast %get3A_669 : vector<16xf32> to vector<1x1x1x16xf32>
        tpu.vector_store %arg8[%swap3A_672, %swap3A_673, %swap3A_674, %swap3A_675], %swap3A_678 {add = true, strides = array<i32>} : memref<3x2x200x64xf32, #tpu.memory_space<vmem>>, vector<1x1x1x16xf32>,
        %get3A_679 = arith.index_cast %add3A_652 : i32 to index
        %get3A_680 = arith.constant 32 : index
        %get3A_681 = tpu.vector_load %arg7[%get3A_679, %get3A_680] {strides = array<i32>} : memref<200x64xf32, #tpu.memory_space<vmem>>, vector<1x16xf32>,
        %get3A_682 = vector.shape_cast %get3A_681 : vector<1x16xf32> to vector<16xf32>
        %swap3A_683 = arith.constant 0 : i32
        %swap3A_684 = arith.constant 1 : i32
        %swap3A_685 = arith.index_cast %swap3A_683 : i32 to index
        %swap3A_686 = arith.index_cast %swap3A_684 : i32 to index
        %swap3A_687 = arith.index_cast %add3A_652 : i32 to index
        %swap3A_688 = arith.constant 32 : index
        %swap3A_689 = tpu.vector_load %arg8[%swap3A_685, %swap3A_686, %swap3A_687, %swap3A_688] {strides = array<i32>} : memref<3x2x200x64xf32, #tpu.memory_space<vmem>>, vector<1x1x1x16xf32>,
        %swap3A_690 = vector.shape_cast %swap3A_689 : vector<1x1x1x16xf32> to vector<16xf32>
        %swap3A_691 = vector.shape_cast %get3A_682 : vector<16xf32> to vector<1x1x1x16xf32>
        tpu.vector_store %arg8[%swap3A_685, %swap3A_686, %swap3A_687, %swap3A_688], %swap3A_691 {add = true, strides = array<i32>} : memref<3x2x200x64xf32, #tpu.memory_space<vmem>>, vector<1x1x1x16xf32>,
        %get3A_692 = arith.index_cast %add3A_652 : i32 to index
        %get3A_693 = arith.constant 48 : index
        %get3A_694 = tpu.vector_load %arg7[%get3A_692, %get3A_693] {strides = array<i32>} : memref<200x64xf32, #tpu.memory_space<vmem>>, vector<1x16xf32>,
        %get3A_695 = vector.shape_cast %get3A_694 : vector<1x16xf32> to vector<16xf32>
        %swap3A_696 = arith.constant 0 : i32
        %swap3A_697 = arith.constant 1 : i32
        %swap3A_698 = arith.index_cast %swap3A_696 : i32 to index
        %swap3A_699 = arith.index_cast %swap3A_697 : i32 to index
        %swap3A_700 = arith.index_cast %add3A_652 : i32 to index
        %swap3A_701 = arith.constant 48 : index
        %swap3A_702 = tpu.vector_load %arg8[%swap3A_698, %swap3A_699, %swap3A_700, %swap3A_701] {strides = array<i32>} : memref<3x2x200x64xf32, #tpu.memory_space<vmem>>, vector<1x1x1x16xf32>,
        %swap3A_703 = vector.shape_cast %swap3A_702 : vector<1x1x1x16xf32> to vector<16xf32>
        %swap3A_704 = vector.shape_cast %get3A_695 : vector<16xf32> to vector<1x1x1x16xf32>
        tpu.vector_store %arg8[%swap3A_698, %swap3A_699, %swap3A_700, %swap3A_701], %swap3A_704 {add = true, strides = array<i32>} : memref<3x2x200x64xf32, #tpu.memory_space<vmem>>, vector<1x1x1x16xf32>,
      }
      %scan3A_278 = arith.constant 200 : i32
      %mul3A_279 = arith.constant 2 : i32
      %mul3A_280 = arith.muli %add3A_236, %mul3A_279 : i32
      %add3A_281 = arith.addi %mul3A_2, %mul3A_280 : i32
      %dma_start3A_282 = arith.constant 0 : i32
      %dma_start3A_283 = arith.constant 0 : i32
      %dma_start3A_284 = arith.constant 0 : i32
      %dma_start3A_285 = arith.constant 0 : i32
      %dma_start3A_286 = tpu.memref_slice %arg8[%dma_start3A_282, %dma_start3A_283, %dma_start3A_284, %dma_start3A_285] : memref<3x2x200x64xf32, #tpu.memory_space<vmem>> -> memref<1x2x200x64xf32, #tpu.memory_space<vmem>>
      %dma_start3A_287 = tpu.memref_squeeze %dma_start3A_286 : memref<1x2x200x64xf32, #tpu.memory_space<vmem>> -> memref<2x200x64xf32, #tpu.memory_space<vmem>>
      %dma_start3A_288 = arith.constant 0 : i32
      %dma_start3A_289 = arith.constant 0 : i32
      %dma_start3A_290 = tpu.memref_slice %arg5[%add3A_281, %dma_start3A_288, %dma_start3A_289] : memref<4096x200x64xf32, #tpu.memory_space<hbm>> -> memref<2x200x64xf32, #tpu.memory_space<hbm>>
      %dma_start3A_291 = arith.constant 0 : i32
      %dma_start3A_292 = arith.constant 0 : i32
      %dma_start3A_293 = tpu.memref_slice %arg5[%add3A_281, %dma_start3A_291, %dma_start3A_292] : memref<4096x200x64xf32, #tpu.memory_space<hbm>> -> memref<2x200x64xf32, #tpu.memory_space<hbm>>
      %dma_start3A_294 = arith.constant 0 : i32
      %dma_start3A_295 = arith.constant 0 : i32
      %dma_start3A_296 = arith.constant 0 : i32
      %dma_start3A_297 = tpu.memref_slice %arg8[%dma_start3A_282, %dma_start3A_294, %dma_start3A_295, %dma_start3A_296] : memref<3x2x200x64xf32, #tpu.memory_space<vmem>> -> memref<1x2x200x64xf32, #tpu.memory_space<vmem>>
      %dma_start3A_298 = tpu.memref_squeeze %dma_start3A_297 : memref<1x2x200x64xf32, #tpu.memory_space<vmem>> -> memref<2x200x64xf32, #tpu.memory_space<vmem>>
      tpu.enqueue_dma source(%dma_start3A_298 : memref<2x200x64xf32, #tpu.memory_space<vmem>>) target(%dma_start3A_293 : memref<2x200x64xf32, #tpu.memory_space<hbm>>) target_semaphore(%arg12 : memref<!tpu.dma_semaphore, #tpu.memory_space<semaphore_mem>>)
      %ge3A = arith.constant 1 : i32
      %ge3A_299 = arith.cmpi sge, %add3A_236, %ge3A : i32
      %add3A_300 = arith.constant 2 : i32
      %add3A_301 = arith.addi %add3A_236, %add3A_300 : i32
      %lt3A = arith.constant 64 : i32
      %lt3A_302 = arith.cmpi slt, %add3A_301, %lt3A : i32
      %and3A_303 = arith.andi %ge3A_299, %lt3A_302 : i1
      %convert_element_type3A_304 = arith.extui %and3A_303 : i1 to i32
      %cond3A_305 = arith.constant 0 : i32
      %cond3A_306 = arith.cmpi ne, %convert_element_type3A_304, %cond3A_305 : i32
      scf.if %cond3A_306 {
        %dma_wait3A_476 = arith.constant 2 : i32
        %dma_wait3A_477 = arith.constant 0 : i32
        %dma_wait3A_478 = arith.constant 0 : i32
        %dma_wait3A_479 = arith.constant 0 : i32
        %dma_wait3A_480 = tpu.memref_slice %arg8[%dma_wait3A_476, %dma_wait3A_477, %dma_wait3A_478, %dma_wait3A_479] : memref<3x2x200x64xf32, #tpu.memory_space<vmem>> -> memref<1x2x200x64xf32, #tpu.memory_space<vmem>>
        %dma_wait3A_481 = tpu.memref_squeeze %dma_wait3A_480 : memref<1x2x200x64xf32, #tpu.memory_space<vmem>> -> memref<2x200x64xf32, #tpu.memory_space<vmem>>
        %dma_wait3A_482 = arith.constant 0 : i32
        %dma_wait3A_483 = arith.constant 0 : i32
        %dma_wait3A_484 = arith.constant 0 : i32
        %dma_wait3A_485 = tpu.memref_slice %arg5[%dma_wait3A_482, %dma_wait3A_483, %dma_wait3A_484] : memref<4096x200x64xf32, #tpu.memory_space<hbm>> -> memref<2x200x64xf32, #tpu.memory_space<hbm>>
        %dma_wait3A_486 = arith.constant 0 : i32
        %dma_wait3A_487 = arith.constant 0 : i32
        %dma_wait3A_488 = arith.constant 0 : i32
        %dma_wait3A_489 = tpu.memref_slice %arg5[%dma_wait3A_486, %dma_wait3A_487, %dma_wait3A_488] : memref<4096x200x64xf32, #tpu.memory_space<hbm>> -> memref<2x200x64xf32, #tpu.memory_space<hbm>>
        %dma_wait3A_490 = arith.constant 0 : i32
        %dma_wait3A_491 = arith.constant 0 : i32
        %dma_wait3A_492 = arith.constant 0 : i32
        %dma_wait3A_493 = tpu.memref_slice %arg8[%dma_wait3A_476, %dma_wait3A_490, %dma_wait3A_491, %dma_wait3A_492] : memref<3x2x200x64xf32, #tpu.memory_space<vmem>> -> memref<1x2x200x64xf32, #tpu.memory_space<vmem>>
        %dma_wait3A_494 = tpu.memref_squeeze %dma_wait3A_493 : memref<1x2x200x64xf32, #tpu.memory_space<vmem>> -> memref<2x200x64xf32, #tpu.memory_space<vmem>>
        tpu.wait_dma2 semaphore(%arg14 : memref<!tpu.dma_semaphore, #tpu.memory_space<semaphore_mem>>) src(%dma_wait3A_494 : memref<2x200x64xf32, #tpu.memory_space<vmem>>) dst(%dma_wait3A_489 : memref<2x200x64xf32, #tpu.memory_space<hbm>>)
      } else {
      }
      %add3A_307 = arith.constant 2 : i32
      %add3A_308 = arith.addi %add3A_236, %add3A_307 : i32
      %lt3A_309 = arith.constant 64 : i32
      %lt3A_310 = arith.cmpi slt, %add3A_308, %lt3A_309 : i32
      %convert_element_type3A_311 = arith.extui %lt3A_310 : i1 to i32
      %cond3A_312 = arith.constant 0 : i32
      %cond3A_313 = arith.cmpi ne, %convert_element_type3A_311, %cond3A_312 : i32
      scf.if %cond3A_313 {
        %add3A_476 = arith.constant 2 : i32
        %add3A_477 = arith.addi %add3A_236, %add3A_476 : i32
        %mul3A_478 = arith.constant 2 : i32
        %mul3A_479 = arith.muli %add3A_477, %mul3A_478 : i32
        %add3A_480 = arith.constant 0 : i32
        %add3A_481 = arith.addi %mul3A_479, %add3A_480 : i32
        %dma_start3A_482 = arith.constant 2 : i32
        %dma_start3A_483 = arith.constant 0 : i32
        %dma_start3A_484 = arith.constant 0 : i32
        %dma_start3A_485 = arith.constant 0 : i32
        %dma_start3A_486 = tpu.memref_slice %arg8[%dma_start3A_482, %dma_start3A_483, %dma_start3A_484, %dma_start3A_485] : memref<3x2x200x64xf32, #tpu.memory_space<vmem>> -> memref<1x1x128x64xf32, #tpu.memory_space<vmem>>
        %dma_start3A_487 = tpu.memref_squeeze %dma_start3A_486 : memref<1x1x128x64xf32, #tpu.memory_space<vmem>> -> memref<128x64xf32, #tpu.memory_space<vmem>>
        %dma_start3A_488 = arith.constant 0 : i32
        %dma_start3A_489 = tpu.memref_slice %arg6[%add3A_481, %dma_start3A_488] : memref<128x200xi32, #tpu.memory_space<vmem>> -> memref<1x128xi32, #tpu.memory_space<vmem>>
        %dma_start3A_490 = tpu.memref_squeeze %dma_start3A_489 : memref<1x128xi32, #tpu.memory_space<vmem>> -> memref<128xi32, #tpu.memory_space<vmem>>
        %dma_start3A_491 = arith.constant 0 : i32
        %dma_start3A_492 = arith.constant 0 : i32
        %dma_start3A_493 = tpu.memref_slice %arg3[%dma_start3A_491, %dma_start3A_492] : memref<1000000x64xf32, #tpu.memory_space<hbm>> -> memref<1000000x64xf32, #tpu.memory_space<hbm>>
        tpu.enqueue_indirect_dma source(%dma_start3A_493 : memref<1000000x64xf32, #tpu.memory_space<hbm>>) target(%dma_start3A_487 : memref<128x64xf32, #tpu.memory_space<vmem>>) offsets(%dma_start3A_490 : memref<128xi32, #tpu.memory_space<vmem>>) semaphore(%arg11 : memref<!tpu.dma_semaphore, #tpu.memory_space<semaphore_mem>>)
        %dma_start3A_494 = arith.constant 2 : i32
        %dma_start3A_495 = arith.constant 0 : i32
        %dma_start3A_496 = arith.constant 128 : i32
        %dma_start3A_497 = arith.constant 0 : i32
        %dma_start3A_498 = tpu.memref_slice %arg8[%dma_start3A_494, %dma_start3A_495, %dma_start3A_496, %dma_start3A_497] : memref<3x2x200x64xf32, #tpu.memory_space<vmem>> -> memref<1x1x72x64xf32, #tpu.memory_space<vmem>>
        %dma_start3A_499 = tpu.memref_squeeze %dma_start3A_498 : memref<1x1x72x64xf32, #tpu.memory_space<vmem>> -> memref<72x64xf32, #tpu.memory_space<vmem>>
        %dma_start3A_500 = arith.constant 128 : i32
        %dma_start3A_501 = tpu.memref_slice %arg6[%add3A_481, %dma_start3A_500] : memref<128x200xi32, #tpu.memory_space<vmem>> -> memref<1x72xi32, #tpu.memory_space<vmem>>
        %dma_start3A_502 = tpu.memref_squeeze %dma_start3A_501 : memref<1x72xi32, #tpu.memory_space<vmem>> -> memref<72xi32, #tpu.memory_space<vmem>>
        %dma_start3A_503 = arith.constant 0 : i32
        %dma_start3A_504 = arith.constant 0 : i32
        %dma_start3A_505 = tpu.memref_slice %arg3[%dma_start3A_503, %dma_start3A_504] : memref<1000000x64xf32, #tpu.memory_space<hbm>> -> memref<1000000x64xf32, #tpu.memory_space<hbm>>
        tpu.enqueue_indirect_dma source(%dma_start3A_505 : memref<1000000x64xf32, #tpu.memory_space<hbm>>) target(%dma_start3A_499 : memref<72x64xf32, #tpu.memory_space<vmem>>) offsets(%dma_start3A_502 : memref<72xi32, #tpu.memory_space<vmem>>) semaphore(%arg11 : memref<!tpu.dma_semaphore, #tpu.memory_space<semaphore_mem>>)
        %mul3A_506 = arith.constant 2 : i32
        %mul3A_507 = arith.muli %add3A_477, %mul3A_506 : i32
        %add3A_508 = arith.constant 1 : i32
        %add3A_509 = arith.addi %mul3A_507, %add3A_508 : i32
        %dma_start3A_510 = arith.constant 2 : i32
        %dma_start3A_511 = arith.constant 1 : i32
        %dma_start3A_512 = arith.constant 0 : i32
        %dma_start3A_513 = arith.constant 0 : i32
        %dma_start3A_514 = tpu.memref_slice %arg8[%dma_start3A_510, %dma_start3A_511, %dma_start3A_512, %dma_start3A_513] : memref<3x2x200x64xf32, #tpu.memory_space<vmem>> -> memref<1x1x128x64xf32, #tpu.memory_space<vmem>>
        %dma_start3A_515 = tpu.memref_squeeze %dma_start3A_514 : memref<1x1x128x64xf32, #tpu.memory_space<vmem>> -> memref<128x64xf32, #tpu.memory_space<vmem>>
        %dma_start3A_516 = arith.constant 0 : i32
        %dma_start3A_517 = tpu.memref_slice %arg6[%add3A_509, %dma_start3A_516] : memref<128x200xi32, #tpu.memory_space<vmem>> -> memref<1x128xi32, #tpu.memory_space<vmem>>
        %dma_start3A_518 = tpu.memref_squeeze %dma_start3A_517 : memref<1x128xi32, #tpu.memory_space<vmem>> -> memref<128xi32, #tpu.memory_space<vmem>>
        %dma_start3A_519 = arith.constant 0 : i32
        %dma_start3A_520 = arith.constant 0 : i32
        %dma_start3A_521 = tpu.memref_slice %arg3[%dma_start3A_519, %dma_start3A_520] : memref<1000000x64xf32, #tpu.memory_space<hbm>> -> memref<1000000x64xf32, #tpu.memory_space<hbm>>
        tpu.enqueue_indirect_dma source(%dma_start3A_521 : memref<1000000x64xf32, #tpu.memory_space<hbm>>) target(%dma_start3A_515 : memref<128x64xf32, #tpu.memory_space<vmem>>) offsets(%dma_start3A_518 : memref<128xi32, #tpu.memory_space<vmem>>) semaphore(%arg11 : memref<!tpu.dma_semaphore, #tpu.memory_space<semaphore_mem>>)
        %dma_start3A_522 = arith.constant 2 : i32
        %dma_start3A_523 = arith.constant 1 : i32
        %dma_start3A_524 = arith.constant 128 : i32
        %dma_start3A_525 = arith.constant 0 : i32
        %dma_start3A_526 = tpu.memref_slice %arg8[%dma_start3A_522, %dma_start3A_523, %dma_start3A_524, %dma_start3A_525] : memref<3x2x200x64xf32, #tpu.memory_space<vmem>> -> memref<1x1x72x64xf32, #tpu.memory_space<vmem>>
        %dma_start3A_527 = tpu.memref_squeeze %dma_start3A_526 : memref<1x1x72x64xf32, #tpu.memory_space<vmem>> -> memref<72x64xf32, #tpu.memory_space<vmem>>
        %dma_start3A_528 = arith.constant 128 : i32
        %dma_start3A_529 = tpu.memref_slice %arg6[%add3A_509, %dma_start3A_528] : memref<128x200xi32, #tpu.memory_space<vmem>> -> memref<1x72xi32, #tpu.memory_space<vmem>>
        %dma_start3A_530 = tpu.memref_squeeze %dma_start3A_529 : memref<1x72xi32, #tpu.memory_space<vmem>> -> memref<72xi32, #tpu.memory_space<vmem>>
        %dma_start3A_531 = arith.constant 0 : i32
        %dma_start3A_532 = arith.constant 0 : i32
        %dma_start3A_533 = tpu.memref_slice %arg3[%dma_start3A_531, %dma_start3A_532] : memref<1000000x64xf32, #tpu.memory_space<hbm>> -> memref<1000000x64xf32, #tpu.memory_space<hbm>>
        tpu.enqueue_indirect_dma source(%dma_start3A_533 : memref<1000000x64xf32, #tpu.memory_space<hbm>>) target(%dma_start3A_527 : memref<72x64xf32, #tpu.memory_space<vmem>>) offsets(%dma_start3A_530 : memref<72xi32, #tpu.memory_space<vmem>>) semaphore(%arg11 : memref<!tpu.dma_semaphore, #tpu.memory_space<semaphore_mem>>)
      } else {
      }
      %add3A_314 = arith.constant 1 : i32
      %add3A_315 = arith.addi %add3A_234, %add3A_314 : i32
      %dma_wait3A_316 = arith.constant 1 : i32
      %dma_wait3A_317 = arith.constant 0 : i32
      %dma_wait3A_318 = arith.constant 0 : i32
      %dma_wait3A_319 = arith.constant 0 : i32
      %dma_wait3A_320 = tpu.memref_slice %arg8[%dma_wait3A_316, %dma_wait3A_317, %dma_wait3A_318, %dma_wait3A_319] : memref<3x2x200x64xf32, #tpu.memory_space<vmem>> -> memref<1x1x200x64xf32, #tpu.memory_space<vmem>>
      %dma_wait3A_321 = tpu.memref_squeeze %dma_wait3A_320 : memref<1x1x200x64xf32, #tpu.memory_space<vmem>> -> memref<200x64xf32, #tpu.memory_space<vmem>>
      %dma_wait3A_322 = arith.constant 0 : i32
      %dma_wait3A_323 = arith.constant 0 : i32
      %dma_wait3A_324 = tpu.memref_slice %arg3[%dma_wait3A_322, %dma_wait3A_323] : memref<1000000x64xf32, #tpu.memory_space<hbm>> -> memref<200x64xf32, #tpu.memory_space<hbm>>
      %dma_wait3A_325 = arith.constant 0 : i32
      %dma_wait3A_326 = arith.constant 0 : i32
      %dma_wait3A_327 = tpu.memref_slice %arg8[%dma_wait3A_316, %dma_wait3A_317, %dma_wait3A_325, %dma_wait3A_326] : memref<3x2x200x64xf32, #tpu.memory_space<vmem>> -> memref<1x1x200x64xf32, #tpu.memory_space<vmem>>
      %dma_wait3A_328 = tpu.memref_squeeze %dma_wait3A_327 : memref<1x1x200x64xf32, #tpu.memory_space<vmem>> -> memref<200x64xf32, #tpu.memory_space<vmem>>
      %dma_wait3A_329 = arith.constant 0 : i32
      %dma_wait3A_330 = arith.constant 0 : i32
      %dma_wait3A_331 = tpu.memref_slice %arg3[%dma_wait3A_329, %dma_wait3A_330] : memref<1000000x64xf32, #tpu.memory_space<hbm>> -> memref<200x64xf32, #tpu.memory_space<hbm>>
      tpu.wait_dma2 semaphore(%arg10 : memref<!tpu.dma_semaphore, #tpu.memory_space<semaphore_mem>>) src(%dma_wait3A_331 : memref<200x64xf32, #tpu.memory_space<hbm>>) dst(%dma_wait3A_328 : memref<200x64xf32, #tpu.memory_space<vmem>>)
      %dma_wait3A_332 = arith.constant 1 : i32
      %dma_wait3A_333 = arith.constant 1 : i32
      %dma_wait3A_334 = arith.constant 0 : i32
      %dma_wait3A_335 = arith.constant 0 : i32
      %dma_wait3A_336 = tpu.memref_slice %arg8[%dma_wait3A_332, %dma_wait3A_333, %dma_wait3A_334, %dma_wait3A_335] : memref<3x2x200x64xf32, #tpu.memory_space<vmem>> -> memref<1x1x200x64xf32, #tpu.memory_space<vmem>>
      %dma_wait3A_337 = tpu.memref_squeeze %dma_wait3A_336 : memref<1x1x200x64xf32, #tpu.memory_space<vmem>> -> memref<200x64xf32, #tpu.memory_space<vmem>>
      %dma_wait3A_338 = arith.constant 0 : i32
      %dma_wait3A_339 = arith.constant 0 : i32
      %dma_wait3A_340 = tpu.memref_slice %arg3[%dma_wait3A_338, %dma_wait3A_339] : memref<1000000x64xf32, #tpu.memory_space<hbm>> -> memref<200x64xf32, #tpu.memory_space<hbm>>
      %dma_wait3A_341 = arith.constant 0 : i32
      %dma_wait3A_342 = arith.constant 0 : i32
      %dma_wait3A_343 = tpu.memref_slice %arg8[%dma_wait3A_332, %dma_wait3A_333, %dma_wait3A_341, %dma_wait3A_342] : memref<3x2x200x64xf32, #tpu.memory_space<vmem>> -> memref<1x1x200x64xf32, #tpu.memory_space<vmem>>
      %dma_wait3A_344 = tpu.memref_squeeze %dma_wait3A_343 : memref<1x1x200x64xf32, #tpu.memory_space<vmem>> -> memref<200x64xf32, #tpu.memory_space<vmem>>
      %dma_wait3A_345 = arith.constant 0 : i32
      %dma_wait3A_346 = arith.constant 0 : i32
      %dma_wait3A_347 = tpu.memref_slice %arg3[%dma_wait3A_345, %dma_wait3A_346] : memref<1000000x64xf32, #tpu.memory_space<hbm>> -> memref<200x64xf32, #tpu.memory_space<hbm>>
      tpu.wait_dma2 semaphore(%arg10 : memref<!tpu.dma_semaphore, #tpu.memory_space<semaphore_mem>>) src(%dma_wait3A_347 : memref<200x64xf32, #tpu.memory_space<hbm>>) dst(%dma_wait3A_344 : memref<200x64xf32, #tpu.memory_space<vmem>>)
      %scan3A_348 = arith.constant 0 : i32
      %scan3A_349 = arith.constant 200 : i32
      %scan3A_350 = arith.addi %scan3A_348, %scan3A_349 : i32
      %scan3A_351 = arith.constant 4 : i32
      scf.for %scan3A_476 = %scan3A_348 to %scan3A_350 step %scan3A_351  : i32 {
        %mul3A_477 = arith.constant 1 : i32
        %mul3A_478 = arith.muli %scan3A_476, %mul3A_477 : i32
        %add3A_479 = arith.constant 0 : i32
        %add3A_480 = arith.addi %add3A_479, %mul3A_478 : i32
        %get3A = arith.index_cast %add3A_480 : i32 to index
        %get3A_481 = arith.constant 0 : index
        %get3A_482 = tpu.vector_load %arg7[%get3A, %get3A_481] {strides = array<i32>} : memref<200x64xf32, #tpu.memory_space<vmem>>, vector<1x16xf32>,
        %get3A_483 = vector.shape_cast %get3A_482 : vector<1x16xf32> to vector<16xf32>
        %swap3A = arith.constant 1 : i32
        %swap3A_484 = arith.constant 0 : i32
        %swap3A_485 = arith.index_cast %swap3A : i32 to index
        %swap3A_486 = arith.index_cast %swap3A_484 : i32 to index
        %swap3A_487 = arith.index_cast %add3A_480 : i32 to index
        %swap3A_488 = arith.constant 0 : index
        %swap3A_489 = tpu.vector_load %arg8[%swap3A_485, %swap3A_486, %swap3A_487, %swap3A_488] {strides = array<i32>} : memref<3x2x200x64xf32, #tpu.memory_space<vmem>>, vector<1x1x1x16xf32>,
        %swap3A_490 = vector.shape_cast %swap3A_489 : vector<1x1x1x16xf32> to vector<16xf32>
        %swap3A_491 = vector.shape_cast %get3A_483 : vector<16xf32> to vector<1x1x1x16xf32>
        tpu.vector_store %arg8[%swap3A_485, %swap3A_486, %swap3A_487, %swap3A_488], %swap3A_491 {add = true, strides = array<i32>} : memref<3x2x200x64xf32, #tpu.memory_space<vmem>>, vector<1x1x1x16xf32>,
        %get3A_492 = arith.index_cast %add3A_480 : i32 to index
        %get3A_493 = arith.constant 16 : index
        %get3A_494 = tpu.vector_load %arg7[%get3A_492, %get3A_493] {strides = array<i32>} : memref<200x64xf32, #tpu.memory_space<vmem>>, vector<1x16xf32>,
        %get3A_495 = vector.shape_cast %get3A_494 : vector<1x16xf32> to vector<16xf32>
        %swap3A_496 = arith.constant 1 : i32
        %swap3A_497 = arith.constant 0 : i32
        %swap3A_498 = arith.index_cast %swap3A_496 : i32 to index
        %swap3A_499 = arith.index_cast %swap3A_497 : i32 to index
        %swap3A_500 = arith.index_cast %add3A_480 : i32 to index
        %swap3A_501 = arith.constant 16 : index
        %swap3A_502 = tpu.vector_load %arg8[%swap3A_498, %swap3A_499, %swap3A_500, %swap3A_501] {strides = array<i32>} : memref<3x2x200x64xf32, #tpu.memory_space<vmem>>, vector<1x1x1x16xf32>,
        %swap3A_503 = vector.shape_cast %swap3A_502 : vector<1x1x1x16xf32> to vector<16xf32>
        %swap3A_504 = vector.shape_cast %get3A_495 : vector<16xf32> to vector<1x1x1x16xf32>
        tpu.vector_store %arg8[%swap3A_498, %swap3A_499, %swap3A_500, %swap3A_501], %swap3A_504 {add = true, strides = array<i32>} : memref<3x2x200x64xf32, #tpu.memory_space<vmem>>, vector<1x1x1x16xf32>,
        %get3A_505 = arith.index_cast %add3A_480 : i32 to index
        %get3A_506 = arith.constant 32 : index
        %get3A_507 = tpu.vector_load %arg7[%get3A_505, %get3A_506] {strides = array<i32>} : memref<200x64xf32, #tpu.memory_space<vmem>>, vector<1x16xf32>,
        %get3A_508 = vector.shape_cast %get3A_507 : vector<1x16xf32> to vector<16xf32>
        %swap3A_509 = arith.constant 1 : i32
        %swap3A_510 = arith.constant 0 : i32
        %swap3A_511 = arith.index_cast %swap3A_509 : i32 to index
        %swap3A_512 = arith.index_cast %swap3A_510 : i32 to index
        %swap3A_513 = arith.index_cast %add3A_480 : i32 to index
        %swap3A_514 = arith.constant 32 : index
        %swap3A_515 = tpu.vector_load %arg8[%swap3A_511, %swap3A_512, %swap3A_513, %swap3A_514] {strides = array<i32>} : memref<3x2x200x64xf32, #tpu.memory_space<vmem>>, vector<1x1x1x16xf32>,
        %swap3A_516 = vector.shape_cast %swap3A_515 : vector<1x1x1x16xf32> to vector<16xf32>
        %swap3A_517 = vector.shape_cast %get3A_508 : vector<16xf32> to vector<1x1x1x16xf32>
        tpu.vector_store %arg8[%swap3A_511, %swap3A_512, %swap3A_513, %swap3A_514], %swap3A_517 {add = true, strides = array<i32>} : memref<3x2x200x64xf32, #tpu.memory_space<vmem>>, vector<1x1x1x16xf32>,
        %get3A_518 = arith.index_cast %add3A_480 : i32 to index
        %get3A_519 = arith.constant 48 : index
        %get3A_520 = tpu.vector_load %arg7[%get3A_518, %get3A_519] {strides = array<i32>} : memref<200x64xf32, #tpu.memory_space<vmem>>, vector<1x16xf32>,
        %get3A_521 = vector.shape_cast %get3A_520 : vector<1x16xf32> to vector<16xf32>
        %swap3A_522 = arith.constant 1 : i32
        %swap3A_523 = arith.constant 0 : i32
        %swap3A_524 = arith.index_cast %swap3A_522 : i32 to index
        %swap3A_525 = arith.index_cast %swap3A_523 : i32 to index
        %swap3A_526 = arith.index_cast %add3A_480 : i32 to index
        %swap3A_527 = arith.constant 48 : index
        %swap3A_528 = tpu.vector_load %arg8[%swap3A_524, %swap3A_525, %swap3A_526, %swap3A_527] {strides = array<i32>} : memref<3x2x200x64xf32, #tpu.memory_space<vmem>>, vector<1x1x1x16xf32>,
        %swap3A_529 = vector.shape_cast %swap3A_528 : vector<1x1x1x16xf32> to vector<16xf32>
        %swap3A_530 = vector.shape_cast %get3A_521 : vector<16xf32> to vector<1x1x1x16xf32>
        tpu.vector_store %arg8[%swap3A_524, %swap3A_525, %swap3A_526, %swap3A_527], %swap3A_530 {add = true, strides = array<i32>} : memref<3x2x200x64xf32, #tpu.memory_space<vmem>>, vector<1x1x1x16xf32>,
        %scan3A_531 = arith.constant 1 : i32
        %scan3A_532 = arith.addi %scan3A_476, %scan3A_531 : i32
        %mul3A_533 = arith.constant 1 : i32
        %mul3A_534 = arith.muli %scan3A_532, %mul3A_533 : i32
        %add3A_535 = arith.constant 0 : i32
        %add3A_536 = arith.addi %add3A_535, %mul3A_534 : i32
        %get3A_537 = arith.index_cast %add3A_536 : i32 to index
        %get3A_538 = arith.constant 0 : index
        %get3A_539 = tpu.vector_load %arg7[%get3A_537, %get3A_538] {strides = array<i32>} : memref<200x64xf32, #tpu.memory_space<vmem>>, vector<1x16xf32>,
        %get3A_540 = vector.shape_cast %get3A_539 : vector<1x16xf32> to vector<16xf32>
        %swap3A_541 = arith.constant 1 : i32
        %swap3A_542 = arith.constant 0 : i32
        %swap3A_543 = arith.index_cast %swap3A_541 : i32 to index
        %swap3A_544 = arith.index_cast %swap3A_542 : i32 to index
        %swap3A_545 = arith.index_cast %add3A_536 : i32 to index
        %swap3A_546 = arith.constant 0 : index
        %swap3A_547 = tpu.vector_load %arg8[%swap3A_543, %swap3A_544, %swap3A_545, %swap3A_546] {strides = array<i32>} : memref<3x2x200x64xf32, #tpu.memory_space<vmem>>, vector<1x1x1x16xf32>,
        %swap3A_548 = vector.shape_cast %swap3A_547 : vector<1x1x1x16xf32> to vector<16xf32>
        %swap3A_549 = vector.shape_cast %get3A_540 : vector<16xf32> to vector<1x1x1x16xf32>
        tpu.vector_store %arg8[%swap3A_543, %swap3A_544, %swap3A_545, %swap3A_546], %swap3A_549 {add = true, strides = array<i32>} : memref<3x2x200x64xf32, #tpu.memory_space<vmem>>, vector<1x1x1x16xf32>,
        %get3A_550 = arith.index_cast %add3A_536 : i32 to index
        %get3A_551 = arith.constant 16 : index
        %get3A_552 = tpu.vector_load %arg7[%get3A_550, %get3A_551] {strides = array<i32>} : memref<200x64xf32, #tpu.memory_space<vmem>>, vector<1x16xf32>,
        %get3A_553 = vector.shape_cast %get3A_552 : vector<1x16xf32> to vector<16xf32>
        %swap3A_554 = arith.constant 1 : i32
        %swap3A_555 = arith.constant 0 : i32
        %swap3A_556 = arith.index_cast %swap3A_554 : i32 to index
        %swap3A_557 = arith.index_cast %swap3A_555 : i32 to index
        %swap3A_558 = arith.index_cast %add3A_536 : i32 to index
        %swap3A_559 = arith.constant 16 : index
        %swap3A_560 = tpu.vector_load %arg8[%swap3A_556, %swap3A_557, %swap3A_558, %swap3A_559] {strides = array<i32>} : memref<3x2x200x64xf32, #tpu.memory_space<vmem>>, vector<1x1x1x16xf32>,
        %swap3A_561 = vector.shape_cast %swap3A_560 : vector<1x1x1x16xf32> to vector<16xf32>
        %swap3A_562 = vector.shape_cast %get3A_553 : vector<16xf32> to vector<1x1x1x16xf32>
        tpu.vector_store %arg8[%swap3A_556, %swap3A_557, %swap3A_558, %swap3A_559], %swap3A_562 {add = true, strides = array<i32>} : memref<3x2x200x64xf32, #tpu.memory_space<vmem>>, vector<1x1x1x16xf32>,
        %get3A_563 = arith.index_cast %add3A_536 : i32 to index
        %get3A_564 = arith.constant 32 : index
        %get3A_565 = tpu.vector_load %arg7[%get3A_563, %get3A_564] {strides = array<i32>} : memref<200x64xf32, #tpu.memory_space<vmem>>, vector<1x16xf32>,
        %get3A_566 = vector.shape_cast %get3A_565 : vector<1x16xf32> to vector<16xf32>
        %swap3A_567 = arith.constant 1 : i32
        %swap3A_568 = arith.constant 0 : i32
        %swap3A_569 = arith.index_cast %swap3A_567 : i32 to index
        %swap3A_570 = arith.index_cast %swap3A_568 : i32 to index
        %swap3A_571 = arith.index_cast %add3A_536 : i32 to index
        %swap3A_572 = arith.constant 32 : index
        %swap3A_573 = tpu.vector_load %arg8[%swap3A_569, %swap3A_570, %swap3A_571, %swap3A_572] {strides = array<i32>} : memref<3x2x200x64xf32, #tpu.memory_space<vmem>>, vector<1x1x1x16xf32>,
        %swap3A_574 = vector.shape_cast %swap3A_573 : vector<1x1x1x16xf32> to vector<16xf32>
        %swap3A_575 = vector.shape_cast %get3A_566 : vector<16xf32> to vector<1x1x1x16xf32>
        tpu.vector_store %arg8[%swap3A_569, %swap3A_570, %swap3A_571, %swap3A_572], %swap3A_575 {add = true, strides = array<i32>} : memref<3x2x200x64xf32, #tpu.memory_space<vmem>>, vector<1x1x1x16xf32>,
        %get3A_576 = arith.index_cast %add3A_536 : i32 to index
        %get3A_577 = arith.constant 48 : index
        %get3A_578 = tpu.vector_load %arg7[%get3A_576, %get3A_577] {strides = array<i32>} : memref<200x64xf32, #tpu.memory_space<vmem>>, vector<1x16xf32>,
        %get3A_579 = vector.shape_cast %get3A_578 : vector<1x16xf32> to vector<16xf32>
        %swap3A_580 = arith.constant 1 : i32
        %swap3A_581 = arith.constant 0 : i32
        %swap3A_582 = arith.index_cast %swap3A_580 : i32 to index
        %swap3A_583 = arith.index_cast %swap3A_581 : i32 to index
        %swap3A_584 = arith.index_cast %add3A_536 : i32 to index
        %swap3A_585 = arith.constant 48 : index
        %swap3A_586 = tpu.vector_load %arg8[%swap3A_582, %swap3A_583, %swap3A_584, %swap3A_585] {strides = array<i32>} : memref<3x2x200x64xf32, #tpu.memory_space<vmem>>, vector<1x1x1x16xf32>,
        %swap3A_587 = vector.shape_cast %swap3A_586 : vector<1x1x1x16xf32> to vector<16xf32>
        %swap3A_588 = vector.shape_cast %get3A_579 : vector<16xf32> to vector<1x1x1x16xf32>
        tpu.vector_store %arg8[%swap3A_582, %swap3A_583, %swap3A_584, %swap3A_585], %swap3A_588 {add = true, strides = array<i32>} : memref<3x2x200x64xf32, #tpu.memory_space<vmem>>, vector<1x1x1x16xf32>,
        %scan3A_589 = arith.constant 2 : i32
        %scan3A_590 = arith.addi %scan3A_476, %scan3A_589 : i32
        %mul3A_591 = arith.constant 1 : i32
        %mul3A_592 = arith.muli %scan3A_590, %mul3A_591 : i32
        %add3A_593 = arith.constant 0 : i32
        %add3A_594 = arith.addi %add3A_593, %mul3A_592 : i32
        %get3A_595 = arith.index_cast %add3A_594 : i32 to index
        %get3A_596 = arith.constant 0 : index
        %get3A_597 = tpu.vector_load %arg7[%get3A_595, %get3A_596] {strides = array<i32>} : memref<200x64xf32, #tpu.memory_space<vmem>>, vector<1x16xf32>,
        %get3A_598 = vector.shape_cast %get3A_597 : vector<1x16xf32> to vector<16xf32>
        %swap3A_599 = arith.constant 1 : i32
        %swap3A_600 = arith.constant 0 : i32
        %swap3A_601 = arith.index_cast %swap3A_599 : i32 to index
        %swap3A_602 = arith.index_cast %swap3A_600 : i32 to index
        %swap3A_603 = arith.index_cast %add3A_594 : i32 to index
        %swap3A_604 = arith.constant 0 : index
        %swap3A_605 = tpu.vector_load %arg8[%swap3A_601, %swap3A_602, %swap3A_603, %swap3A_604] {strides = array<i32>} : memref<3x2x200x64xf32, #tpu.memory_space<vmem>>, vector<1x1x1x16xf32>,
        %swap3A_606 = vector.shape_cast %swap3A_605 : vector<1x1x1x16xf32> to vector<16xf32>
        %swap3A_607 = vector.shape_cast %get3A_598 : vector<16xf32> to vector<1x1x1x16xf32>
        tpu.vector_store %arg8[%swap3A_601, %swap3A_602, %swap3A_603, %swap3A_604], %swap3A_607 {add = true, strides = array<i32>} : memref<3x2x200x64xf32, #tpu.memory_space<vmem>>, vector<1x1x1x16xf32>,
        %get3A_608 = arith.index_cast %add3A_594 : i32 to index
        %get3A_609 = arith.constant 16 : index
        %get3A_610 = tpu.vector_load %arg7[%get3A_608, %get3A_609] {strides = array<i32>} : memref<200x64xf32, #tpu.memory_space<vmem>>, vector<1x16xf32>,
        %get3A_611 = vector.shape_cast %get3A_610 : vector<1x16xf32> to vector<16xf32>
        %swap3A_612 = arith.constant 1 : i32
        %swap3A_613 = arith.constant 0 : i32
        %swap3A_614 = arith.index_cast %swap3A_612 : i32 to index
        %swap3A_615 = arith.index_cast %swap3A_613 : i32 to index
        %swap3A_616 = arith.index_cast %add3A_594 : i32 to index
        %swap3A_617 = arith.constant 16 : index
        %swap3A_618 = tpu.vector_load %arg8[%swap3A_614, %swap3A_615, %swap3A_616, %swap3A_617] {strides = array<i32>} : memref<3x2x200x64xf32, #tpu.memory_space<vmem>>, vector<1x1x1x16xf32>,
        %swap3A_619 = vector.shape_cast %swap3A_618 : vector<1x1x1x16xf32> to vector<16xf32>
        %swap3A_620 = vector.shape_cast %get3A_611 : vector<16xf32> to vector<1x1x1x16xf32>
        tpu.vector_store %arg8[%swap3A_614, %swap3A_615, %swap3A_616, %swap3A_617], %swap3A_620 {add = true, strides = array<i32>} : memref<3x2x200x64xf32, #tpu.memory_space<vmem>>, vector<1x1x1x16xf32>,
        %get3A_621 = arith.index_cast %add3A_594 : i32 to index
        %get3A_622 = arith.constant 32 : index
        %get3A_623 = tpu.vector_load %arg7[%get3A_621, %get3A_622] {strides = array<i32>} : memref<200x64xf32, #tpu.memory_space<vmem>>, vector<1x16xf32>,
        %get3A_624 = vector.shape_cast %get3A_623 : vector<1x16xf32> to vector<16xf32>
        %swap3A_625 = arith.constant 1 : i32
        %swap3A_626 = arith.constant 0 : i32
        %swap3A_627 = arith.index_cast %swap3A_625 : i32 to index
        %swap3A_628 = arith.index_cast %swap3A_626 : i32 to index
        %swap3A_629 = arith.index_cast %add3A_594 : i32 to index
        %swap3A_630 = arith.constant 32 : index
        %swap3A_631 = tpu.vector_load %arg8[%swap3A_627, %swap3A_628, %swap3A_629, %swap3A_630] {strides = array<i32>} : memref<3x2x200x64xf32, #tpu.memory_space<vmem>>, vector<1x1x1x16xf32>,
        %swap3A_632 = vector.shape_cast %swap3A_631 : vector<1x1x1x16xf32> to vector<16xf32>
        %swap3A_633 = vector.shape_cast %get3A_624 : vector<16xf32> to vector<1x1x1x16xf32>
        tpu.vector_store %arg8[%swap3A_627, %swap3A_628, %swap3A_629, %swap3A_630], %swap3A_633 {add = true, strides = array<i32>} : memref<3x2x200x64xf32, #tpu.memory_space<vmem>>, vector<1x1x1x16xf32>,
        %get3A_634 = arith.index_cast %add3A_594 : i32 to index
        %get3A_635 = arith.constant 48 : index
        %get3A_636 = tpu.vector_load %arg7[%get3A_634, %get3A_635] {strides = array<i32>} : memref<200x64xf32, #tpu.memory_space<vmem>>, vector<1x16xf32>,
        %get3A_637 = vector.shape_cast %get3A_636 : vector<1x16xf32> to vector<16xf32>
        %swap3A_638 = arith.constant 1 : i32
        %swap3A_639 = arith.constant 0 : i32
        %swap3A_640 = arith.index_cast %swap3A_638 : i32 to index
        %swap3A_641 = arith.index_cast %swap3A_639 : i32 to index
        %swap3A_642 = arith.index_cast %add3A_594 : i32 to index
        %swap3A_643 = arith.constant 48 : index
        %swap3A_644 = tpu.vector_load %arg8[%swap3A_640, %swap3A_641, %swap3A_642, %swap3A_643] {strides = array<i32>} : memref<3x2x200x64xf32, #tpu.memory_space<vmem>>, vector<1x1x1x16xf32>,
        %swap3A_645 = vector.shape_cast %swap3A_644 : vector<1x1x1x16xf32> to vector<16xf32>
        %swap3A_646 = vector.shape_cast %get3A_637 : vector<16xf32> to vector<1x1x1x16xf32>
        tpu.vector_store %arg8[%swap3A_640, %swap3A_641, %swap3A_642, %swap3A_643], %swap3A_646 {add = true, strides = array<i32>} : memref<3x2x200x64xf32, #tpu.memory_space<vmem>>, vector<1x1x1x16xf32>,
        %scan3A_647 = arith.constant 3 : i32
        %scan3A_648 = arith.addi %scan3A_476, %scan3A_647 : i32
        %mul3A_649 = arith.constant 1 : i32
        %mul3A_650 = arith.muli %scan3A_648, %mul3A_649 : i32
        %add3A_651 = arith.constant 0 : i32
        %add3A_652 = arith.addi %add3A_651, %mul3A_650 : i32
        %get3A_653 = arith.index_cast %add3A_652 : i32 to index
        %get3A_654 = arith.constant 0 : index
        %get3A_655 = tpu.vector_load %arg7[%get3A_653, %get3A_654] {strides = array<i32>} : memref<200x64xf32, #tpu.memory_space<vmem>>, vector<1x16xf32>,
        %get3A_656 = vector.shape_cast %get3A_655 : vector<1x16xf32> to vector<16xf32>
        %swap3A_657 = arith.constant 1 : i32
        %swap3A_658 = arith.constant 0 : i32
        %swap3A_659 = arith.index_cast %swap3A_657 : i32 to index
        %swap3A_660 = arith.index_cast %swap3A_658 : i32 to index
        %swap3A_661 = arith.index_cast %add3A_652 : i32 to index
        %swap3A_662 = arith.constant 0 : index
        %swap3A_663 = tpu.vector_load %arg8[%swap3A_659, %swap3A_660, %swap3A_661, %swap3A_662] {strides = array<i32>} : memref<3x2x200x64xf32, #tpu.memory_space<vmem>>, vector<1x1x1x16xf32>,
        %swap3A_664 = vector.shape_cast %swap3A_663 : vector<1x1x1x16xf32> to vector<16xf32>
        %swap3A_665 = vector.shape_cast %get3A_656 : vector<16xf32> to vector<1x1x1x16xf32>
        tpu.vector_store %arg8[%swap3A_659, %swap3A_660, %swap3A_661, %swap3A_662], %swap3A_665 {add = true, strides = array<i32>} : memref<3x2x200x64xf32, #tpu.memory_space<vmem>>, vector<1x1x1x16xf32>,
        %get3A_666 = arith.index_cast %add3A_652 : i32 to index
        %get3A_667 = arith.constant 16 : index
        %get3A_668 = tpu.vector_load %arg7[%get3A_666, %get3A_667] {strides = array<i32>} : memref<200x64xf32, #tpu.memory_space<vmem>>, vector<1x16xf32>,
        %get3A_669 = vector.shape_cast %get3A_668 : vector<1x16xf32> to vector<16xf32>
        %swap3A_670 = arith.constant 1 : i32
        %swap3A_671 = arith.constant 0 : i32
        %swap3A_672 = arith.index_cast %swap3A_670 : i32 to index
        %swap3A_673 = arith.index_cast %swap3A_671 : i32 to index
        %swap3A_674 = arith.index_cast %add3A_652 : i32 to index
        %swap3A_675 = arith.constant 16 : index
        %swap3A_676 = tpu.vector_load %arg8[%swap3A_672, %swap3A_673, %swap3A_674, %swap3A_675] {strides = array<i32>} : memref<3x2x200x64xf32, #tpu.memory_space<vmem>>, vector<1x1x1x16xf32>,
        %swap3A_677 = vector.shape_cast %swap3A_676 : vector<1x1x1x16xf32> to vector<16xf32>
        %swap3A_678 = vector.shape_cast %get3A_669 : vector<16xf32> to vector<1x1x1x16xf32>
        tpu.vector_store %arg8[%swap3A_672, %swap3A_673, %swap3A_674, %swap3A_675], %swap3A_678 {add = true, strides = array<i32>} : memref<3x2x200x64xf32, #tpu.memory_space<vmem>>, vector<1x1x1x16xf32>,
        %get3A_679 = arith.index_cast %add3A_652 : i32 to index
        %get3A_680 = arith.constant 32 : index
        %get3A_681 = tpu.vector_load %arg7[%get3A_679, %get3A_680] {strides = array<i32>} : memref<200x64xf32, #tpu.memory_space<vmem>>, vector<1x16xf32>,
        %get3A_682 = vector.shape_cast %get3A_681 : vector<1x16xf32> to vector<16xf32>
        %swap3A_683 = arith.constant 1 : i32
        %swap3A_684 = arith.constant 0 : i32
        %swap3A_685 = arith.index_cast %swap3A_683 : i32 to index
        %swap3A_686 = arith.index_cast %swap3A_684 : i32 to index
        %swap3A_687 = arith.index_cast %add3A_652 : i32 to index
        %swap3A_688 = arith.constant 32 : index
        %swap3A_689 = tpu.vector_load %arg8[%swap3A_685, %swap3A_686, %swap3A_687, %swap3A_688] {strides = array<i32>} : memref<3x2x200x64xf32, #tpu.memory_space<vmem>>, vector<1x1x1x16xf32>,
        %swap3A_690 = vector.shape_cast %swap3A_689 : vector<1x1x1x16xf32> to vector<16xf32>
        %swap3A_691 = vector.shape_cast %get3A_682 : vector<16xf32> to vector<1x1x1x16xf32>
        tpu.vector_store %arg8[%swap3A_685, %swap3A_686, %swap3A_687, %swap3A_688], %swap3A_691 {add = true, strides = array<i32>} : memref<3x2x200x64xf32, #tpu.memory_space<vmem>>, vector<1x1x1x16xf32>,
        %get3A_692 = arith.index_cast %add3A_652 : i32 to index
        %get3A_693 = arith.constant 48 : index
        %get3A_694 = tpu.vector_load %arg7[%get3A_692, %get3A_693] {strides = array<i32>} : memref<200x64xf32, #tpu.memory_space<vmem>>, vector<1x16xf32>,
        %get3A_695 = vector.shape_cast %get3A_694 : vector<1x16xf32> to vector<16xf32>
        %swap3A_696 = arith.constant 1 : i32
        %swap3A_697 = arith.constant 0 : i32
        %swap3A_698 = arith.index_cast %swap3A_696 : i32 to index
        %swap3A_699 = arith.index_cast %swap3A_697 : i32 to index
        %swap3A_700 = arith.index_cast %add3A_652 : i32 to index
        %swap3A_701 = arith.constant 48 : index
        %swap3A_702 = tpu.vector_load %arg8[%swap3A_698, %swap3A_699, %swap3A_700, %swap3A_701] {strides = array<i32>} : memref<3x2x200x64xf32, #tpu.memory_space<vmem>>, vector<1x1x1x16xf32>,
        %swap3A_703 = vector.shape_cast %swap3A_702 : vector<1x1x1x16xf32> to vector<16xf32>
        %swap3A_704 = vector.shape_cast %get3A_695 : vector<16xf32> to vector<1x1x1x16xf32>
        tpu.vector_store %arg8[%swap3A_698, %swap3A_699, %swap3A_700, %swap3A_701], %swap3A_704 {add = true, strides = array<i32>} : memref<3x2x200x64xf32, #tpu.memory_space<vmem>>, vector<1x1x1x16xf32>,
      }
      %scan3A_352 = arith.constant 200 : i32
      %scan3A_353 = arith.constant 0 : i32
      %scan3A_354 = arith.constant 200 : i32
      %scan3A_355 = arith.addi %scan3A_353, %scan3A_354 : i32
      %scan3A_356 = arith.constant 4 : i32
      scf.for %scan3A_476 = %scan3A_353 to %scan3A_355 step %scan3A_356  : i32 {
        %mul3A_477 = arith.constant 1 : i32
        %mul3A_478 = arith.muli %scan3A_476, %mul3A_477 : i32
        %add3A_479 = arith.constant 0 : i32
        %add3A_480 = arith.addi %add3A_479, %mul3A_478 : i32
        %get3A = arith.index_cast %add3A_480 : i32 to index
        %get3A_481 = arith.constant 0 : index
        %get3A_482 = tpu.vector_load %arg7[%get3A, %get3A_481] {strides = array<i32>} : memref<200x64xf32, #tpu.memory_space<vmem>>, vector<1x16xf32>,
        %get3A_483 = vector.shape_cast %get3A_482 : vector<1x16xf32> to vector<16xf32>
        %swap3A = arith.constant 1 : i32
        %swap3A_484 = arith.constant 1 : i32
        %swap3A_485 = arith.index_cast %swap3A : i32 to index
        %swap3A_486 = arith.index_cast %swap3A_484 : i32 to index
        %swap3A_487 = arith.index_cast %add3A_480 : i32 to index
        %swap3A_488 = arith.constant 0 : index
        %swap3A_489 = tpu.vector_load %arg8[%swap3A_485, %swap3A_486, %swap3A_487, %swap3A_488] {strides = array<i32>} : memref<3x2x200x64xf32, #tpu.memory_space<vmem>>, vector<1x1x1x16xf32>,
        %swap3A_490 = vector.shape_cast %swap3A_489 : vector<1x1x1x16xf32> to vector<16xf32>
        %swap3A_491 = vector.shape_cast %get3A_483 : vector<16xf32> to vector<1x1x1x16xf32>
        tpu.vector_store %arg8[%swap3A_485, %swap3A_486, %swap3A_487, %swap3A_488], %swap3A_491 {add = true, strides = array<i32>} : memref<3x2x200x64xf32, #tpu.memory_space<vmem>>, vector<1x1x1x16xf32>,
        %get3A_492 = arith.index_cast %add3A_480 : i32 to index
        %get3A_493 = arith.constant 16 : index
        %get3A_494 = tpu.vector_load %arg7[%get3A_492, %get3A_493] {strides = array<i32>} : memref<200x64xf32, #tpu.memory_space<vmem>>, vector<1x16xf32>,
        %get3A_495 = vector.shape_cast %get3A_494 : vector<1x16xf32> to vector<16xf32>
        %swap3A_496 = arith.constant 1 : i32
        %swap3A_497 = arith.constant 1 : i32
        %swap3A_498 = arith.index_cast %swap3A_496 : i32 to index
        %swap3A_499 = arith.index_cast %swap3A_497 : i32 to index
        %swap3A_500 = arith.index_cast %add3A_480 : i32 to index
        %swap3A_501 = arith.constant 16 : index
        %swap3A_502 = tpu.vector_load %arg8[%swap3A_498, %swap3A_499, %swap3A_500, %swap3A_501] {strides = array<i32>} : memref<3x2x200x64xf32, #tpu.memory_space<vmem>>, vector<1x1x1x16xf32>,
        %swap3A_503 = vector.shape_cast %swap3A_502 : vector<1x1x1x16xf32> to vector<16xf32>
        %swap3A_504 = vector.shape_cast %get3A_495 : vector<16xf32> to vector<1x1x1x16xf32>
        tpu.vector_store %arg8[%swap3A_498, %swap3A_499, %swap3A_500, %swap3A_501], %swap3A_504 {add = true, strides = array<i32>} : memref<3x2x200x64xf32, #tpu.memory_space<vmem>>, vector<1x1x1x16xf32>,
        %get3A_505 = arith.index_cast %add3A_480 : i32 to index
        %get3A_506 = arith.constant 32 : index
        %get3A_507 = tpu.vector_load %arg7[%get3A_505, %get3A_506] {strides = array<i32>} : memref<200x64xf32, #tpu.memory_space<vmem>>, vector<1x16xf32>,
        %get3A_508 = vector.shape_cast %get3A_507 : vector<1x16xf32> to vector<16xf32>
        %swap3A_509 = arith.constant 1 : i32
        %swap3A_510 = arith.constant 1 : i32
        %swap3A_511 = arith.index_cast %swap3A_509 : i32 to index
        %swap3A_512 = arith.index_cast %swap3A_510 : i32 to index
        %swap3A_513 = arith.index_cast %add3A_480 : i32 to index
        %swap3A_514 = arith.constant 32 : index
        %swap3A_515 = tpu.vector_load %arg8[%swap3A_511, %swap3A_512, %swap3A_513, %swap3A_514] {strides = array<i32>} : memref<3x2x200x64xf32, #tpu.memory_space<vmem>>, vector<1x1x1x16xf32>,
        %swap3A_516 = vector.shape_cast %swap3A_515 : vector<1x1x1x16xf32> to vector<16xf32>
        %swap3A_517 = vector.shape_cast %get3A_508 : vector<16xf32> to vector<1x1x1x16xf32>
        tpu.vector_store %arg8[%swap3A_511, %swap3A_512, %swap3A_513, %swap3A_514], %swap3A_517 {add = true, strides = array<i32>} : memref<3x2x200x64xf32, #tpu.memory_space<vmem>>, vector<1x1x1x16xf32>,
        %get3A_518 = arith.index_cast %add3A_480 : i32 to index
        %get3A_519 = arith.constant 48 : index
        %get3A_520 = tpu.vector_load %arg7[%get3A_518, %get3A_519] {strides = array<i32>} : memref<200x64xf32, #tpu.memory_space<vmem>>, vector<1x16xf32>,
        %get3A_521 = vector.shape_cast %get3A_520 : vector<1x16xf32> to vector<16xf32>
        %swap3A_522 = arith.constant 1 : i32
        %swap3A_523 = arith.constant 1 : i32
        %swap3A_524 = arith.index_cast %swap3A_522 : i32 to index
        %swap3A_525 = arith.index_cast %swap3A_523 : i32 to index
        %swap3A_526 = arith.index_cast %add3A_480 : i32 to index
        %swap3A_527 = arith.constant 48 : index
        %swap3A_528 = tpu.vector_load %arg8[%swap3A_524, %swap3A_525, %swap3A_526, %swap3A_527] {strides = array<i32>} : memref<3x2x200x64xf32, #tpu.memory_space<vmem>>, vector<1x1x1x16xf32>,
        %swap3A_529 = vector.shape_cast %swap3A_528 : vector<1x1x1x16xf32> to vector<16xf32>
        %swap3A_530 = vector.shape_cast %get3A_521 : vector<16xf32> to vector<1x1x1x16xf32>
        tpu.vector_store %arg8[%swap3A_524, %swap3A_525, %swap3A_526, %swap3A_527], %swap3A_530 {add = true, strides = array<i32>} : memref<3x2x200x64xf32, #tpu.memory_space<vmem>>, vector<1x1x1x16xf32>,
        %scan3A_531 = arith.constant 1 : i32
        %scan3A_532 = arith.addi %scan3A_476, %scan3A_531 : i32
        %mul3A_533 = arith.constant 1 : i32
        %mul3A_534 = arith.muli %scan3A_532, %mul3A_533 : i32
        %add3A_535 = arith.constant 0 : i32
        %add3A_536 = arith.addi %add3A_535, %mul3A_534 : i32
        %get3A_537 = arith.index_cast %add3A_536 : i32 to index
        %get3A_538 = arith.constant 0 : index
        %get3A_539 = tpu.vector_load %arg7[%get3A_537, %get3A_538] {strides = array<i32>} : memref<200x64xf32, #tpu.memory_space<vmem>>, vector<1x16xf32>,
        %get3A_540 = vector.shape_cast %get3A_539 : vector<1x16xf32> to vector<16xf32>
        %swap3A_541 = arith.constant 1 : i32
        %swap3A_542 = arith.constant 1 : i32
        %swap3A_543 = arith.index_cast %swap3A_541 : i32 to index
        %swap3A_544 = arith.index_cast %swap3A_542 : i32 to index
        %swap3A_545 = arith.index_cast %add3A_536 : i32 to index
        %swap3A_546 = arith.constant 0 : index
        %swap3A_547 = tpu.vector_load %arg8[%swap3A_543, %swap3A_544, %swap3A_545, %swap3A_546] {strides = array<i32>} : memref<3x2x200x64xf32, #tpu.memory_space<vmem>>, vector<1x1x1x16xf32>,
        %swap3A_548 = vector.shape_cast %swap3A_547 : vector<1x1x1x16xf32> to vector<16xf32>
        %swap3A_549 = vector.shape_cast %get3A_540 : vector<16xf32> to vector<1x1x1x16xf32>
        tpu.vector_store %arg8[%swap3A_543, %swap3A_544, %swap3A_545, %swap3A_546], %swap3A_549 {add = true, strides = array<i32>} : memref<3x2x200x64xf32, #tpu.memory_space<vmem>>, vector<1x1x1x16xf32>,
        %get3A_550 = arith.index_cast %add3A_536 : i32 to index
        %get3A_551 = arith.constant 16 : index
        %get3A_552 = tpu.vector_load %arg7[%get3A_550, %get3A_551] {strides = array<i32>} : memref<200x64xf32, #tpu.memory_space<vmem>>, vector<1x16xf32>,
        %get3A_553 = vector.shape_cast %get3A_552 : vector<1x16xf32> to vector<16xf32>
        %swap3A_554 = arith.constant 1 : i32
        %swap3A_555 = arith.constant 1 : i32
        %swap3A_556 = arith.index_cast %swap3A_554 : i32 to index
        %swap3A_557 = arith.index_cast %swap3A_555 : i32 to index
        %swap3A_558 = arith.index_cast %add3A_536 : i32 to index
        %swap3A_559 = arith.constant 16 : index
        %swap3A_560 = tpu.vector_load %arg8[%swap3A_556, %swap3A_557, %swap3A_558, %swap3A_559] {strides = array<i32>} : memref<3x2x200x64xf32, #tpu.memory_space<vmem>>, vector<1x1x1x16xf32>,
        %swap3A_561 = vector.shape_cast %swap3A_560 : vector<1x1x1x16xf32> to vector<16xf32>
        %swap3A_562 = vector.shape_cast %get3A_553 : vector<16xf32> to vector<1x1x1x16xf32>
        tpu.vector_store %arg8[%swap3A_556, %swap3A_557, %swap3A_558, %swap3A_559], %swap3A_562 {add = true, strides = array<i32>} : memref<3x2x200x64xf32, #tpu.memory_space<vmem>>, vector<1x1x1x16xf32>,
        %get3A_563 = arith.index_cast %add3A_536 : i32 to index
        %get3A_564 = arith.constant 32 : index
        %get3A_565 = tpu.vector_load %arg7[%get3A_563, %get3A_564] {strides = array<i32>} : memref<200x64xf32, #tpu.memory_space<vmem>>, vector<1x16xf32>,
        %get3A_566 = vector.shape_cast %get3A_565 : vector<1x16xf32> to vector<16xf32>
        %swap3A_567 = arith.constant 1 : i32
        %swap3A_568 = arith.constant 1 : i32
        %swap3A_569 = arith.index_cast %swap3A_567 : i32 to index
        %swap3A_570 = arith.index_cast %swap3A_568 : i32 to index
        %swap3A_571 = arith.index_cast %add3A_536 : i32 to index
        %swap3A_572 = arith.constant 32 : index
        %swap3A_573 = tpu.vector_load %arg8[%swap3A_569, %swap3A_570, %swap3A_571, %swap3A_572] {strides = array<i32>} : memref<3x2x200x64xf32, #tpu.memory_space<vmem>>, vector<1x1x1x16xf32>,
        %swap3A_574 = vector.shape_cast %swap3A_573 : vector<1x1x1x16xf32> to vector<16xf32>
        %swap3A_575 = vector.shape_cast %get3A_566 : vector<16xf32> to vector<1x1x1x16xf32>
        tpu.vector_store %arg8[%swap3A_569, %swap3A_570, %swap3A_571, %swap3A_572], %swap3A_575 {add = true, strides = array<i32>} : memref<3x2x200x64xf32, #tpu.memory_space<vmem>>, vector<1x1x1x16xf32>,
        %get3A_576 = arith.index_cast %add3A_536 : i32 to index
        %get3A_577 = arith.constant 48 : index
        %get3A_578 = tpu.vector_load %arg7[%get3A_576, %get3A_577] {strides = array<i32>} : memref<200x64xf32, #tpu.memory_space<vmem>>, vector<1x16xf32>,
        %get3A_579 = vector.shape_cast %get3A_578 : vector<1x16xf32> to vector<16xf32>
        %swap3A_580 = arith.constant 1 : i32
        %swap3A_581 = arith.constant 1 : i32
        %swap3A_582 = arith.index_cast %swap3A_580 : i32 to index
        %swap3A_583 = arith.index_cast %swap3A_581 : i32 to index
        %swap3A_584 = arith.index_cast %add3A_536 : i32 to index
        %swap3A_585 = arith.constant 48 : index
        %swap3A_586 = tpu.vector_load %arg8[%swap3A_582, %swap3A_583, %swap3A_584, %swap3A_585] {strides = array<i32>} : memref<3x2x200x64xf32, #tpu.memory_space<vmem>>, vector<1x1x1x16xf32>,
        %swap3A_587 = vector.shape_cast %swap3A_586 : vector<1x1x1x16xf32> to vector<16xf32>
        %swap3A_588 = vector.shape_cast %get3A_579 : vector<16xf32> to vector<1x1x1x16xf32>
        tpu.vector_store %arg8[%swap3A_582, %swap3A_583, %swap3A_584, %swap3A_585], %swap3A_588 {add = true, strides = array<i32>} : memref<3x2x200x64xf32, #tpu.memory_space<vmem>>, vector<1x1x1x16xf32>,
        %scan3A_589 = arith.constant 2 : i32
        %scan3A_590 = arith.addi %scan3A_476, %scan3A_589 : i32
        %mul3A_591 = arith.constant 1 : i32
        %mul3A_592 = arith.muli %scan3A_590, %mul3A_591 : i32
        %add3A_593 = arith.constant 0 : i32
        %add3A_594 = arith.addi %add3A_593, %mul3A_592 : i32
        %get3A_595 = arith.index_cast %add3A_594 : i32 to index
        %get3A_596 = arith.constant 0 : index
        %get3A_597 = tpu.vector_load %arg7[%get3A_595, %get3A_596] {strides = array<i32>} : memref<200x64xf32, #tpu.memory_space<vmem>>, vector<1x16xf32>,
        %get3A_598 = vector.shape_cast %get3A_597 : vector<1x16xf32> to vector<16xf32>
        %swap3A_599 = arith.constant 1 : i32
        %swap3A_600 = arith.constant 1 : i32
        %swap3A_601 = arith.index_cast %swap3A_599 : i32 to index
        %swap3A_602 = arith.index_cast %swap3A_600 : i32 to index
        %swap3A_603 = arith.index_cast %add3A_594 : i32 to index
        %swap3A_604 = arith.constant 0 : index
        %swap3A_605 = tpu.vector_load %arg8[%swap3A_601, %swap3A_602, %swap3A_603, %swap3A_604] {strides = array<i32>} : memref<3x2x200x64xf32, #tpu.memory_space<vmem>>, vector<1x1x1x16xf32>,
        %swap3A_606 = vector.shape_cast %swap3A_605 : vector<1x1x1x16xf32> to vector<16xf32>
        %swap3A_607 = vector.shape_cast %get3A_598 : vector<16xf32> to vector<1x1x1x16xf32>
        tpu.vector_store %arg8[%swap3A_601, %swap3A_602, %swap3A_603, %swap3A_604], %swap3A_607 {add = true, strides = array<i32>} : memref<3x2x200x64xf32, #tpu.memory_space<vmem>>, vector<1x1x1x16xf32>,
        %get3A_608 = arith.index_cast %add3A_594 : i32 to index
        %get3A_609 = arith.constant 16 : index
        %get3A_610 = tpu.vector_load %arg7[%get3A_608, %get3A_609] {strides = array<i32>} : memref<200x64xf32, #tpu.memory_space<vmem>>, vector<1x16xf32>,
        %get3A_611 = vector.shape_cast %get3A_610 : vector<1x16xf32> to vector<16xf32>
        %swap3A_612 = arith.constant 1 : i32
        %swap3A_613 = arith.constant 1 : i32
        %swap3A_614 = arith.index_cast %swap3A_612 : i32 to index
        %swap3A_615 = arith.index_cast %swap3A_613 : i32 to index
        %swap3A_616 = arith.index_cast %add3A_594 : i32 to index
        %swap3A_617 = arith.constant 16 : index
        %swap3A_618 = tpu.vector_load %arg8[%swap3A_614, %swap3A_615, %swap3A_616, %swap3A_617] {strides = array<i32>} : memref<3x2x200x64xf32, #tpu.memory_space<vmem>>, vector<1x1x1x16xf32>,
        %swap3A_619 = vector.shape_cast %swap3A_618 : vector<1x1x1x16xf32> to vector<16xf32>
        %swap3A_620 = vector.shape_cast %get3A_611 : vector<16xf32> to vector<1x1x1x16xf32>
        tpu.vector_store %arg8[%swap3A_614, %swap3A_615, %swap3A_616, %swap3A_617], %swap3A_620 {add = true, strides = array<i32>} : memref<3x2x200x64xf32, #tpu.memory_space<vmem>>, vector<1x1x1x16xf32>,
        %get3A_621 = arith.index_cast %add3A_594 : i32 to index
        %get3A_622 = arith.constant 32 : index
        %get3A_623 = tpu.vector_load %arg7[%get3A_621, %get3A_622] {strides = array<i32>} : memref<200x64xf32, #tpu.memory_space<vmem>>, vector<1x16xf32>,
        %get3A_624 = vector.shape_cast %get3A_623 : vector<1x16xf32> to vector<16xf32>
        %swap3A_625 = arith.constant 1 : i32
        %swap3A_626 = arith.constant 1 : i32
        %swap3A_627 = arith.index_cast %swap3A_625 : i32 to index
        %swap3A_628 = arith.index_cast %swap3A_626 : i32 to index
        %swap3A_629 = arith.index_cast %add3A_594 : i32 to index
        %swap3A_630 = arith.constant 32 : index
        %swap3A_631 = tpu.vector_load %arg8[%swap3A_627, %swap3A_628, %swap3A_629, %swap3A_630] {strides = array<i32>} : memref<3x2x200x64xf32, #tpu.memory_space<vmem>>, vector<1x1x1x16xf32>,
        %swap3A_632 = vector.shape_cast %swap3A_631 : vector<1x1x1x16xf32> to vector<16xf32>
        %swap3A_633 = vector.shape_cast %get3A_624 : vector<16xf32> to vector<1x1x1x16xf32>
        tpu.vector_store %arg8[%swap3A_627, %swap3A_628, %swap3A_629, %swap3A_630], %swap3A_633 {add = true, strides = array<i32>} : memref<3x2x200x64xf32, #tpu.memory_space<vmem>>, vector<1x1x1x16xf32>,
        %get3A_634 = arith.index_cast %add3A_594 : i32 to index
        %get3A_635 = arith.constant 48 : index
        %get3A_636 = tpu.vector_load %arg7[%get3A_634, %get3A_635] {strides = array<i32>} : memref<200x64xf32, #tpu.memory_space<vmem>>, vector<1x16xf32>,
        %get3A_637 = vector.shape_cast %get3A_636 : vector<1x16xf32> to vector<16xf32>
        %swap3A_638 = arith.constant 1 : i32
        %swap3A_639 = arith.constant 1 : i32
        %swap3A_640 = arith.index_cast %swap3A_638 : i32 to index
        %swap3A_641 = arith.index_cast %swap3A_639 : i32 to index
        %swap3A_642 = arith.index_cast %add3A_594 : i32 to index
        %swap3A_643 = arith.constant 48 : index
        %swap3A_644 = tpu.vector_load %arg8[%swap3A_640, %swap3A_641, %swap3A_642, %swap3A_643] {strides = array<i32>} : memref<3x2x200x64xf32, #tpu.memory_space<vmem>>, vector<1x1x1x16xf32>,
        %swap3A_645 = vector.shape_cast %swap3A_644 : vector<1x1x1x16xf32> to vector<16xf32>
        %swap3A_646 = vector.shape_cast %get3A_637 : vector<16xf32> to vector<1x1x1x16xf32>
        tpu.vector_store %arg8[%swap3A_640, %swap3A_641, %swap3A_642, %swap3A_643], %swap3A_646 {add = true, strides = array<i32>} : memref<3x2x200x64xf32, #tpu.memory_space<vmem>>, vector<1x1x1x16xf32>,
        %scan3A_647 = arith.constant 3 : i32
        %scan3A_648 = arith.addi %scan3A_476, %scan3A_647 : i32
        %mul3A_649 = arith.constant 1 : i32
        %mul3A_650 = arith.muli %scan3A_648, %mul3A_649 : i32
        %add3A_651 = arith.constant 0 : i32
        %add3A_652 = arith.addi %add3A_651, %mul3A_650 : i32
        %get3A_653 = arith.index_cast %add3A_652 : i32 to index
        %get3A_654 = arith.constant 0 : index
        %get3A_655 = tpu.vector_load %arg7[%get3A_653, %get3A_654] {strides = array<i32>} : memref<200x64xf32, #tpu.memory_space<vmem>>, vector<1x16xf32>,
        %get3A_656 = vector.shape_cast %get3A_655 : vector<1x16xf32> to vector<16xf32>
        %swap3A_657 = arith.constant 1 : i32
        %swap3A_658 = arith.constant 1 : i32
        %swap3A_659 = arith.index_cast %swap3A_657 : i32 to index
        %swap3A_660 = arith.index_cast %swap3A_658 : i32 to index
        %swap3A_661 = arith.index_cast %add3A_652 : i32 to index
        %swap3A_662 = arith.constant 0 : index
        %swap3A_663 = tpu.vector_load %arg8[%swap3A_659, %swap3A_660, %swap3A_661, %swap3A_662] {strides = array<i32>} : memref<3x2x200x64xf32, #tpu.memory_space<vmem>>, vector<1x1x1x16xf32>,
        %swap3A_664 = vector.shape_cast %swap3A_663 : vector<1x1x1x16xf32> to vector<16xf32>
        %swap3A_665 = vector.shape_cast %get3A_656 : vector<16xf32> to vector<1x1x1x16xf32>
        tpu.vector_store %arg8[%swap3A_659, %swap3A_660, %swap3A_661, %swap3A_662], %swap3A_665 {add = true, strides = array<i32>} : memref<3x2x200x64xf32, #tpu.memory_space<vmem>>, vector<1x1x1x16xf32>,
        %get3A_666 = arith.index_cast %add3A_652 : i32 to index
        %get3A_667 = arith.constant 16 : index
        %get3A_668 = tpu.vector_load %arg7[%get3A_666, %get3A_667] {strides = array<i32>} : memref<200x64xf32, #tpu.memory_space<vmem>>, vector<1x16xf32>,
        %get3A_669 = vector.shape_cast %get3A_668 : vector<1x16xf32> to vector<16xf32>
        %swap3A_670 = arith.constant 1 : i32
        %swap3A_671 = arith.constant 1 : i32
        %swap3A_672 = arith.index_cast %swap3A_670 : i32 to index
        %swap3A_673 = arith.index_cast %swap3A_671 : i32 to index
        %swap3A_674 = arith.index_cast %add3A_652 : i32 to index
        %swap3A_675 = arith.constant 16 : index
        %swap3A_676 = tpu.vector_load %arg8[%swap3A_672, %swap3A_673, %swap3A_674, %swap3A_675] {strides = array<i32>} : memref<3x2x200x64xf32, #tpu.memory_space<vmem>>, vector<1x1x1x16xf32>,
        %swap3A_677 = vector.shape_cast %swap3A_676 : vector<1x1x1x16xf32> to vector<16xf32>
        %swap3A_678 = vector.shape_cast %get3A_669 : vector<16xf32> to vector<1x1x1x16xf32>
        tpu.vector_store %arg8[%swap3A_672, %swap3A_673, %swap3A_674, %swap3A_675], %swap3A_678 {add = true, strides = array<i32>} : memref<3x2x200x64xf32, #tpu.memory_space<vmem>>, vector<1x1x1x16xf32>,
        %get3A_679 = arith.index_cast %add3A_652 : i32 to index
        %get3A_680 = arith.constant 32 : index
        %get3A_681 = tpu.vector_load %arg7[%get3A_679, %get3A_680] {strides = array<i32>} : memref<200x64xf32, #tpu.memory_space<vmem>>, vector<1x16xf32>,
        %get3A_682 = vector.shape_cast %get3A_681 : vector<1x16xf32> to vector<16xf32>
        %swap3A_683 = arith.constant 1 : i32
        %swap3A_684 = arith.constant 1 : i32
        %swap3A_685 = arith.index_cast %swap3A_683 : i32 to index
        %swap3A_686 = arith.index_cast %swap3A_684 : i32 to index
        %swap3A_687 = arith.index_cast %add3A_652 : i32 to index
        %swap3A_688 = arith.constant 32 : index
        %swap3A_689 = tpu.vector_load %arg8[%swap3A_685, %swap3A_686, %swap3A_687, %swap3A_688] {strides = array<i32>} : memref<3x2x200x64xf32, #tpu.memory_space<vmem>>, vector<1x1x1x16xf32>,
        %swap3A_690 = vector.shape_cast %swap3A_689 : vector<1x1x1x16xf32> to vector<16xf32>
        %swap3A_691 = vector.shape_cast %get3A_682 : vector<16xf32> to vector<1x1x1x16xf32>
        tpu.vector_store %arg8[%swap3A_685, %swap3A_686, %swap3A_687, %swap3A_688], %swap3A_691 {add = true, strides = array<i32>} : memref<3x2x200x64xf32, #tpu.memory_space<vmem>>, vector<1x1x1x16xf32>,
        %get3A_692 = arith.index_cast %add3A_652 : i32 to index
        %get3A_693 = arith.constant 48 : index
        %get3A_694 = tpu.vector_load %arg7[%get3A_692, %get3A_693] {strides = array<i32>} : memref<200x64xf32, #tpu.memory_space<vmem>>, vector<1x16xf32>,
        %get3A_695 = vector.shape_cast %get3A_694 : vector<1x16xf32> to vector<16xf32>
        %swap3A_696 = arith.constant 1 : i32
        %swap3A_697 = arith.constant 1 : i32
        %swap3A_698 = arith.index_cast %swap3A_696 : i32 to index
        %swap3A_699 = arith.index_cast %swap3A_697 : i32 to index
        %swap3A_700 = arith.index_cast %add3A_652 : i32 to index
        %swap3A_701 = arith.constant 48 : index
        %swap3A_702 = tpu.vector_load %arg8[%swap3A_698, %swap3A_699, %swap3A_700, %swap3A_701] {strides = array<i32>} : memref<3x2x200x64xf32, #tpu.memory_space<vmem>>, vector<1x1x1x16xf32>,
        %swap3A_703 = vector.shape_cast %swap3A_702 : vector<1x1x1x16xf32> to vector<16xf32>
        %swap3A_704 = vector.shape_cast %get3A_695 : vector<16xf32> to vector<1x1x1x16xf32>
        tpu.vector_store %arg8[%swap3A_698, %swap3A_699, %swap3A_700, %swap3A_701], %swap3A_704 {add = true, strides = array<i32>} : memref<3x2x200x64xf32, #tpu.memory_space<vmem>>, vector<1x1x1x16xf32>,
      }
      %scan3A_357 = arith.constant 200 : i32
      %mul3A_358 = arith.constant 2 : i32
      %mul3A_359 = arith.muli %add3A_315, %mul3A_358 : i32
      %add3A_360 = arith.addi %mul3A_2, %mul3A_359 : i32
      %dma_start3A_361 = arith.constant 1 : i32
      %dma_start3A_362 = arith.constant 0 : i32
      %dma_start3A_363 = arith.constant 0 : i32
      %dma_start3A_364 = arith.constant 0 : i32
      %dma_start3A_365 = tpu.memref_slice %arg8[%dma_start3A_361, %dma_start3A_362, %dma_start3A_363, %dma_start3A_364] : memref<3x2x200x64xf32, #tpu.memory_space<vmem>> -> memref<1x2x200x64xf32, #tpu.memory_space<vmem>>
      %dma_start3A_366 = tpu.memref_squeeze %dma_start3A_365 : memref<1x2x200x64xf32, #tpu.memory_space<vmem>> -> memref<2x200x64xf32, #tpu.memory_space<vmem>>
      %dma_start3A_367 = arith.constant 0 : i32
      %dma_start3A_368 = arith.constant 0 : i32
      %dma_start3A_369 = tpu.memref_slice %arg5[%add3A_360, %dma_start3A_367, %dma_start3A_368] : memref<4096x200x64xf32, #tpu.memory_space<hbm>> -> memref<2x200x64xf32, #tpu.memory_space<hbm>>
      %dma_start3A_370 = arith.constant 0 : i32
      %dma_start3A_371 = arith.constant 0 : i32
      %dma_start3A_372 = tpu.memref_slice %arg5[%add3A_360, %dma_start3A_370, %dma_start3A_371] : memref<4096x200x64xf32, #tpu.memory_space<hbm>> -> memref<2x200x64xf32, #tpu.memory_space<hbm>>
      %dma_start3A_373 = arith.constant 0 : i32
      %dma_start3A_374 = arith.constant 0 : i32
      %dma_start3A_375 = arith.constant 0 : i32
      %dma_start3A_376 = tpu.memref_slice %arg8[%dma_start3A_361, %dma_start3A_373, %dma_start3A_374, %dma_start3A_375] : memref<3x2x200x64xf32, #tpu.memory_space<vmem>> -> memref<1x2x200x64xf32, #tpu.memory_space<vmem>>
      %dma_start3A_377 = tpu.memref_squeeze %dma_start3A_376 : memref<1x2x200x64xf32, #tpu.memory_space<vmem>> -> memref<2x200x64xf32, #tpu.memory_space<vmem>>
      tpu.enqueue_dma source(%dma_start3A_377 : memref<2x200x64xf32, #tpu.memory_space<vmem>>) target(%dma_start3A_372 : memref<2x200x64xf32, #tpu.memory_space<hbm>>) target_semaphore(%arg13 : memref<!tpu.dma_semaphore, #tpu.memory_space<semaphore_mem>>)
      %ge3A_378 = arith.constant 1 : i32
      %ge3A_379 = arith.cmpi sge, %add3A_315, %ge3A_378 : i32
      %add3A_380 = arith.constant 2 : i32
      %add3A_381 = arith.addi %add3A_315, %add3A_380 : i32
      %lt3A_382 = arith.constant 64 : i32
      %lt3A_383 = arith.cmpi slt, %add3A_381, %lt3A_382 : i32
      %and3A_384 = arith.andi %ge3A_379, %lt3A_383 : i1
      %convert_element_type3A_385 = arith.extui %and3A_384 : i1 to i32
      %cond3A_386 = arith.constant 0 : i32
      %cond3A_387 = arith.cmpi ne, %convert_element_type3A_385, %cond3A_386 : i32
      scf.if %cond3A_387 {
        %dma_wait3A_476 = arith.constant 0 : i32
        %dma_wait3A_477 = arith.constant 0 : i32
        %dma_wait3A_478 = arith.constant 0 : i32
        %dma_wait3A_479 = arith.constant 0 : i32
        %dma_wait3A_480 = tpu.memref_slice %arg8[%dma_wait3A_476, %dma_wait3A_477, %dma_wait3A_478, %dma_wait3A_479] : memref<3x2x200x64xf32, #tpu.memory_space<vmem>> -> memref<1x2x200x64xf32, #tpu.memory_space<vmem>>
        %dma_wait3A_481 = tpu.memref_squeeze %dma_wait3A_480 : memref<1x2x200x64xf32, #tpu.memory_space<vmem>> -> memref<2x200x64xf32, #tpu.memory_space<vmem>>
        %dma_wait3A_482 = arith.constant 0 : i32
        %dma_wait3A_483 = arith.constant 0 : i32
        %dma_wait3A_484 = arith.constant 0 : i32
        %dma_wait3A_485 = tpu.memref_slice %arg5[%dma_wait3A_482, %dma_wait3A_483, %dma_wait3A_484] : memref<4096x200x64xf32, #tpu.memory_space<hbm>> -> memref<2x200x64xf32, #tpu.memory_space<hbm>>
        %dma_wait3A_486 = arith.constant 0 : i32
        %dma_wait3A_487 = arith.constant 0 : i32
        %dma_wait3A_488 = arith.constant 0 : i32
        %dma_wait3A_489 = tpu.memref_slice %arg5[%dma_wait3A_486, %dma_wait3A_487, %dma_wait3A_488] : memref<4096x200x64xf32, #tpu.memory_space<hbm>> -> memref<2x200x64xf32, #tpu.memory_space<hbm>>
        %dma_wait3A_490 = arith.constant 0 : i32
        %dma_wait3A_491 = arith.constant 0 : i32
        %dma_wait3A_492 = arith.constant 0 : i32
        %dma_wait3A_493 = tpu.memref_slice %arg8[%dma_wait3A_476, %dma_wait3A_490, %dma_wait3A_491, %dma_wait3A_492] : memref<3x2x200x64xf32, #tpu.memory_space<vmem>> -> memref<1x2x200x64xf32, #tpu.memory_space<vmem>>
        %dma_wait3A_494 = tpu.memref_squeeze %dma_wait3A_493 : memref<1x2x200x64xf32, #tpu.memory_space<vmem>> -> memref<2x200x64xf32, #tpu.memory_space<vmem>>
        tpu.wait_dma2 semaphore(%arg12 : memref<!tpu.dma_semaphore, #tpu.memory_space<semaphore_mem>>) src(%dma_wait3A_494 : memref<2x200x64xf32, #tpu.memory_space<vmem>>) dst(%dma_wait3A_489 : memref<2x200x64xf32, #tpu.memory_space<hbm>>)
      } else {
      }
      %add3A_388 = arith.constant 2 : i32
      %add3A_389 = arith.addi %add3A_315, %add3A_388 : i32
      %lt3A_390 = arith.constant 64 : i32
      %lt3A_391 = arith.cmpi slt, %add3A_389, %lt3A_390 : i32
      %convert_element_type3A_392 = arith.extui %lt3A_391 : i1 to i32
      %cond3A_393 = arith.constant 0 : i32
      %cond3A_394 = arith.cmpi ne, %convert_element_type3A_392, %cond3A_393 : i32
      scf.if %cond3A_394 {
        %add3A_476 = arith.constant 2 : i32
        %add3A_477 = arith.addi %add3A_315, %add3A_476 : i32
        %mul3A_478 = arith.constant 2 : i32
        %mul3A_479 = arith.muli %add3A_477, %mul3A_478 : i32
        %add3A_480 = arith.constant 0 : i32
        %add3A_481 = arith.addi %mul3A_479, %add3A_480 : i32
        %dma_start3A_482 = arith.constant 0 : i32
        %dma_start3A_483 = arith.constant 0 : i32
        %dma_start3A_484 = arith.constant 0 : i32
        %dma_start3A_485 = arith.constant 0 : i32
        %dma_start3A_486 = tpu.memref_slice %arg8[%dma_start3A_482, %dma_start3A_483, %dma_start3A_484, %dma_start3A_485] : memref<3x2x200x64xf32, #tpu.memory_space<vmem>> -> memref<1x1x128x64xf32, #tpu.memory_space<vmem>>
        %dma_start3A_487 = tpu.memref_squeeze %dma_start3A_486 : memref<1x1x128x64xf32, #tpu.memory_space<vmem>> -> memref<128x64xf32, #tpu.memory_space<vmem>>
        %dma_start3A_488 = arith.constant 0 : i32
        %dma_start3A_489 = tpu.memref_slice %arg6[%add3A_481, %dma_start3A_488] : memref<128x200xi32, #tpu.memory_space<vmem>> -> memref<1x128xi32, #tpu.memory_space<vmem>>
        %dma_start3A_490 = tpu.memref_squeeze %dma_start3A_489 : memref<1x128xi32, #tpu.memory_space<vmem>> -> memref<128xi32, #tpu.memory_space<vmem>>
        %dma_start3A_491 = arith.constant 0 : i32
        %dma_start3A_492 = arith.constant 0 : i32
        %dma_start3A_493 = tpu.memref_slice %arg3[%dma_start3A_491, %dma_start3A_492] : memref<1000000x64xf32, #tpu.memory_space<hbm>> -> memref<1000000x64xf32, #tpu.memory_space<hbm>>
        tpu.enqueue_indirect_dma source(%dma_start3A_493 : memref<1000000x64xf32, #tpu.memory_space<hbm>>) target(%dma_start3A_487 : memref<128x64xf32, #tpu.memory_space<vmem>>) offsets(%dma_start3A_490 : memref<128xi32, #tpu.memory_space<vmem>>) semaphore(%arg9 : memref<!tpu.dma_semaphore, #tpu.memory_space<semaphore_mem>>)
        %dma_start3A_494 = arith.constant 0 : i32
        %dma_start3A_495 = arith.constant 0 : i32
        %dma_start3A_496 = arith.constant 128 : i32
        %dma_start3A_497 = arith.constant 0 : i32
        %dma_start3A_498 = tpu.memref_slice %arg8[%dma_start3A_494, %dma_start3A_495, %dma_start3A_496, %dma_start3A_497] : memref<3x2x200x64xf32, #tpu.memory_space<vmem>> -> memref<1x1x72x64xf32, #tpu.memory_space<vmem>>
        %dma_start3A_499 = tpu.memref_squeeze %dma_start3A_498 : memref<1x1x72x64xf32, #tpu.memory_space<vmem>> -> memref<72x64xf32, #tpu.memory_space<vmem>>
        %dma_start3A_500 = arith.constant 128 : i32
        %dma_start3A_501 = tpu.memref_slice %arg6[%add3A_481, %dma_start3A_500] : memref<128x200xi32, #tpu.memory_space<vmem>> -> memref<1x72xi32, #tpu.memory_space<vmem>>
        %dma_start3A_502 = tpu.memref_squeeze %dma_start3A_501 : memref<1x72xi32, #tpu.memory_space<vmem>> -> memref<72xi32, #tpu.memory_space<vmem>>
        %dma_start3A_503 = arith.constant 0 : i32
        %dma_start3A_504 = arith.constant 0 : i32
        %dma_start3A_505 = tpu.memref_slice %arg3[%dma_start3A_503, %dma_start3A_504] : memref<1000000x64xf32, #tpu.memory_space<hbm>> -> memref<1000000x64xf32, #tpu.memory_space<hbm>>
        tpu.enqueue_indirect_dma source(%dma_start3A_505 : memref<1000000x64xf32, #tpu.memory_space<hbm>>) target(%dma_start3A_499 : memref<72x64xf32, #tpu.memory_space<vmem>>) offsets(%dma_start3A_502 : memref<72xi32, #tpu.memory_space<vmem>>) semaphore(%arg9 : memref<!tpu.dma_semaphore, #tpu.memory_space<semaphore_mem>>)
        %mul3A_506 = arith.constant 2 : i32
        %mul3A_507 = arith.muli %add3A_477, %mul3A_506 : i32
        %add3A_508 = arith.constant 1 : i32
        %add3A_509 = arith.addi %mul3A_507, %add3A_508 : i32
        %dma_start3A_510 = arith.constant 0 : i32
        %dma_start3A_511 = arith.constant 1 : i32
        %dma_start3A_512 = arith.constant 0 : i32
        %dma_start3A_513 = arith.constant 0 : i32
        %dma_start3A_514 = tpu.memref_slice %arg8[%dma_start3A_510, %dma_start3A_511, %dma_start3A_512, %dma_start3A_513] : memref<3x2x200x64xf32, #tpu.memory_space<vmem>> -> memref<1x1x128x64xf32, #tpu.memory_space<vmem>>
        %dma_start3A_515 = tpu.memref_squeeze %dma_start3A_514 : memref<1x1x128x64xf32, #tpu.memory_space<vmem>> -> memref<128x64xf32, #tpu.memory_space<vmem>>
        %dma_start3A_516 = arith.constant 0 : i32
        %dma_start3A_517 = tpu.memref_slice %arg6[%add3A_509, %dma_start3A_516] : memref<128x200xi32, #tpu.memory_space<vmem>> -> memref<1x128xi32, #tpu.memory_space<vmem>>
        %dma_start3A_518 = tpu.memref_squeeze %dma_start3A_517 : memref<1x128xi32, #tpu.memory_space<vmem>> -> memref<128xi32, #tpu.memory_space<vmem>>
        %dma_start3A_519 = arith.constant 0 : i32
        %dma_start3A_520 = arith.constant 0 : i32
        %dma_start3A_521 = tpu.memref_slice %arg3[%dma_start3A_519, %dma_start3A_520] : memref<1000000x64xf32, #tpu.memory_space<hbm>> -> memref<1000000x64xf32, #tpu.memory_space<hbm>>
        tpu.enqueue_indirect_dma source(%dma_start3A_521 : memref<1000000x64xf32, #tpu.memory_space<hbm>>) target(%dma_start3A_515 : memref<128x64xf32, #tpu.memory_space<vmem>>) offsets(%dma_start3A_518 : memref<128xi32, #tpu.memory_space<vmem>>) semaphore(%arg9 : memref<!tpu.dma_semaphore, #tpu.memory_space<semaphore_mem>>)
        %dma_start3A_522 = arith.constant 0 : i32
        %dma_start3A_523 = arith.constant 1 : i32
        %dma_start3A_524 = arith.constant 128 : i32
        %dma_start3A_525 = arith.constant 0 : i32
        %dma_start3A_526 = tpu.memref_slice %arg8[%dma_start3A_522, %dma_start3A_523, %dma_start3A_524, %dma_start3A_525] : memref<3x2x200x64xf32, #tpu.memory_space<vmem>> -> memref<1x1x72x64xf32, #tpu.memory_space<vmem>>
        %dma_start3A_527 = tpu.memref_squeeze %dma_start3A_526 : memref<1x1x72x64xf32, #tpu.memory_space<vmem>> -> memref<72x64xf32, #tpu.memory_space<vmem>>
        %dma_start3A_528 = arith.constant 128 : i32
        %dma_start3A_529 = tpu.memref_slice %arg6[%add3A_509, %dma_start3A_528] : memref<128x200xi32, #tpu.memory_space<vmem>> -> memref<1x72xi32, #tpu.memory_space<vmem>>
        %dma_start3A_530 = tpu.memref_squeeze %dma_start3A_529 : memref<1x72xi32, #tpu.memory_space<vmem>> -> memref<72xi32, #tpu.memory_space<vmem>>
        %dma_start3A_531 = arith.constant 0 : i32
        %dma_start3A_532 = arith.constant 0 : i32
        %dma_start3A_533 = tpu.memref_slice %arg3[%dma_start3A_531, %dma_start3A_532] : memref<1000000x64xf32, #tpu.memory_space<hbm>> -> memref<1000000x64xf32, #tpu.memory_space<hbm>>
        tpu.enqueue_indirect_dma source(%dma_start3A_533 : memref<1000000x64xf32, #tpu.memory_space<hbm>>) target(%dma_start3A_527 : memref<72x64xf32, #tpu.memory_space<vmem>>) offsets(%dma_start3A_530 : memref<72xi32, #tpu.memory_space<vmem>>) semaphore(%arg9 : memref<!tpu.dma_semaphore, #tpu.memory_space<semaphore_mem>>)
      } else {
      }
      %add3A_395 = arith.constant 2 : i32
      %add3A_396 = arith.addi %add3A_234, %add3A_395 : i32
      %dma_wait3A_397 = arith.constant 2 : i32
      %dma_wait3A_398 = arith.constant 0 : i32
      %dma_wait3A_399 = arith.constant 0 : i32
      %dma_wait3A_400 = arith.constant 0 : i32
      %dma_wait3A_401 = tpu.memref_slice %arg8[%dma_wait3A_397, %dma_wait3A_398, %dma_wait3A_399, %dma_wait3A_400] : memref<3x2x200x64xf32, #tpu.memory_space<vmem>> -> memref<1x1x200x64xf32, #tpu.memory_space<vmem>>
      %dma_wait3A_402 = tpu.memref_squeeze %dma_wait3A_401 : memref<1x1x200x64xf32, #tpu.memory_space<vmem>> -> memref<200x64xf32, #tpu.memory_space<vmem>>
      %dma_wait3A_403 = arith.constant 0 : i32
      %dma_wait3A_404 = arith.constant 0 : i32
      %dma_wait3A_405 = tpu.memref_slice %arg3[%dma_wait3A_403, %dma_wait3A_404] : memref<1000000x64xf32, #tpu.memory_space<hbm>> -> memref<200x64xf32, #tpu.memory_space<hbm>>
      %dma_wait3A_406 = arith.constant 0 : i32
      %dma_wait3A_407 = arith.constant 0 : i32
      %dma_wait3A_408 = tpu.memref_slice %arg8[%dma_wait3A_397, %dma_wait3A_398, %dma_wait3A_406, %dma_wait3A_407] : memref<3x2x200x64xf32, #tpu.memory_space<vmem>> -> memref<1x1x200x64xf32, #tpu.memory_space<vmem>>
      %dma_wait3A_409 = tpu.memref_squeeze %dma_wait3A_408 : memref<1x1x200x64xf32, #tpu.memory_space<vmem>> -> memref<200x64xf32, #tpu.memory_space<vmem>>
      %dma_wait3A_410 = arith.constant 0 : i32
      %dma_wait3A_411 = arith.constant 0 : i32
      %dma_wait3A_412 = tpu.memref_slice %arg3[%dma_wait3A_410, %dma_wait3A_411] : memref<1000000x64xf32, #tpu.memory_space<hbm>> -> memref<200x64xf32, #tpu.memory_space<hbm>>
      tpu.wait_dma2 semaphore(%arg11 : memref<!tpu.dma_semaphore, #tpu.memory_space<semaphore_mem>>) src(%dma_wait3A_412 : memref<200x64xf32, #tpu.memory_space<hbm>>) dst(%dma_wait3A_409 : memref<200x64xf32, #tpu.memory_space<vmem>>)
      %dma_wait3A_413 = arith.constant 2 : i32
      %dma_wait3A_414 = arith.constant 1 : i32
      %dma_wait3A_415 = arith.constant 0 : i32
      %dma_wait3A_416 = arith.constant 0 : i32
      %dma_wait3A_417 = tpu.memref_slice %arg8[%dma_wait3A_413, %dma_wait3A_414, %dma_wait3A_415, %dma_wait3A_416] : memref<3x2x200x64xf32, #tpu.memory_space<vmem>> -> memref<1x1x200x64xf32, #tpu.memory_space<vmem>>
      %dma_wait3A_418 = tpu.memref_squeeze %dma_wait3A_417 : memref<1x1x200x64xf32, #tpu.memory_space<vmem>> -> memref<200x64xf32, #tpu.memory_space<vmem>>
      %dma_wait3A_419 = arith.constant 0 : i32
      %dma_wait3A_420 = arith.constant 0 : i32
      %dma_wait3A_421 = tpu.memref_slice %arg3[%dma_wait3A_419, %dma_wait3A_420] : memref<1000000x64xf32, #tpu.memory_space<hbm>> -> memref<200x64xf32, #tpu.memory_space<hbm>>
      %dma_wait3A_422 = arith.constant 0 : i32
      %dma_wait3A_423 = arith.constant 0 : i32
      %dma_wait3A_424 = tpu.memref_slice %arg8[%dma_wait3A_413, %dma_wait3A_414, %dma_wait3A_422, %dma_wait3A_423] : memref<3x2x200x64xf32, #tpu.memory_space<vmem>> -> memref<1x1x200x64xf32, #tpu.memory_space<vmem>>
      %dma_wait3A_425 = tpu.memref_squeeze %dma_wait3A_424 : memref<1x1x200x64xf32, #tpu.memory_space<vmem>> -> memref<200x64xf32, #tpu.memory_space<vmem>>
      %dma_wait3A_426 = arith.constant 0 : i32
      %dma_wait3A_427 = arith.constant 0 : i32
      %dma_wait3A_428 = tpu.memref_slice %arg3[%dma_wait3A_426, %dma_wait3A_427] : memref<1000000x64xf32, #tpu.memory_space<hbm>> -> memref<200x64xf32, #tpu.memory_space<hbm>>
      tpu.wait_dma2 semaphore(%arg11 : memref<!tpu.dma_semaphore, #tpu.memory_space<semaphore_mem>>) src(%dma_wait3A_428 : memref<200x64xf32, #tpu.memory_space<hbm>>) dst(%dma_wait3A_425 : memref<200x64xf32, #tpu.memory_space<vmem>>)
      %scan3A_429 = arith.constant 0 : i32
      %scan3A_430 = arith.constant 200 : i32
      %scan3A_431 = arith.addi %scan3A_429, %scan3A_430 : i32
      %scan3A_432 = arith.constant 4 : i32
      scf.for %scan3A_476 = %scan3A_429 to %scan3A_431 step %scan3A_432  : i32 {
        %mul3A_477 = arith.constant 1 : i32
        %mul3A_478 = arith.muli %scan3A_476, %mul3A_477 : i32
        %add3A_479 = arith.constant 0 : i32
        %add3A_480 = arith.addi %add3A_479, %mul3A_478 : i32
        %get3A = arith.index_cast %add3A_480 : i32 to index
        %get3A_481 = arith.constant 0 : index
        %get3A_482 = tpu.vector_load %arg7[%get3A, %get3A_481] {strides = array<i32>} : memref<200x64xf32, #tpu.memory_space<vmem>>, vector<1x16xf32>,
        %get3A_483 = vector.shape_cast %get3A_482 : vector<1x16xf32> to vector<16xf32>
        %swap3A = arith.constant 2 : i32
        %swap3A_484 = arith.constant 0 : i32
        %swap3A_485 = arith.index_cast %swap3A : i32 to index
        %swap3A_486 = arith.index_cast %swap3A_484 : i32 to index
        %swap3A_487 = arith.index_cast %add3A_480 : i32 to index
        %swap3A_488 = arith.constant 0 : index
        %swap3A_489 = tpu.vector_load %arg8[%swap3A_485, %swap3A_486, %swap3A_487, %swap3A_488] {strides = array<i32>} : memref<3x2x200x64xf32, #tpu.memory_space<vmem>>, vector<1x1x1x16xf32>,
        %swap3A_490 = vector.shape_cast %swap3A_489 : vector<1x1x1x16xf32> to vector<16xf32>
        %swap3A_491 = vector.shape_cast %get3A_483 : vector<16xf32> to vector<1x1x1x16xf32>
        tpu.vector_store %arg8[%swap3A_485, %swap3A_486, %swap3A_487, %swap3A_488], %swap3A_491 {add = true, strides = array<i32>} : memref<3x2x200x64xf32, #tpu.memory_space<vmem>>, vector<1x1x1x16xf32>,
        %get3A_492 = arith.index_cast %add3A_480 : i32 to index
        %get3A_493 = arith.constant 16 : index
        %get3A_494 = tpu.vector_load %arg7[%get3A_492, %get3A_493] {strides = array<i32>} : memref<200x64xf32, #tpu.memory_space<vmem>>, vector<1x16xf32>,
        %get3A_495 = vector.shape_cast %get3A_494 : vector<1x16xf32> to vector<16xf32>
        %swap3A_496 = arith.constant 2 : i32
        %swap3A_497 = arith.constant 0 : i32
        %swap3A_498 = arith.index_cast %swap3A_496 : i32 to index
        %swap3A_499 = arith.index_cast %swap3A_497 : i32 to index
        %swap3A_500 = arith.index_cast %add3A_480 : i32 to index
        %swap3A_501 = arith.constant 16 : index
        %swap3A_502 = tpu.vector_load %arg8[%swap3A_498, %swap3A_499, %swap3A_500, %swap3A_501] {strides = array<i32>} : memref<3x2x200x64xf32, #tpu.memory_space<vmem>>, vector<1x1x1x16xf32>,
        %swap3A_503 = vector.shape_cast %swap3A_502 : vector<1x1x1x16xf32> to vector<16xf32>
        %swap3A_504 = vector.shape_cast %get3A_495 : vector<16xf32> to vector<1x1x1x16xf32>
        tpu.vector_store %arg8[%swap3A_498, %swap3A_499, %swap3A_500, %swap3A_501], %swap3A_504 {add = true, strides = array<i32>} : memref<3x2x200x64xf32, #tpu.memory_space<vmem>>, vector<1x1x1x16xf32>,
        %get3A_505 = arith.index_cast %add3A_480 : i32 to index
        %get3A_506 = arith.constant 32 : index
        %get3A_507 = tpu.vector_load %arg7[%get3A_505, %get3A_506] {strides = array<i32>} : memref<200x64xf32, #tpu.memory_space<vmem>>, vector<1x16xf32>,
        %get3A_508 = vector.shape_cast %get3A_507 : vector<1x16xf32> to vector<16xf32>
        %swap3A_509 = arith.constant 2 : i32
        %swap3A_510 = arith.constant 0 : i32
        %swap3A_511 = arith.index_cast %swap3A_509 : i32 to index
        %swap3A_512 = arith.index_cast %swap3A_510 : i32 to index
        %swap3A_513 = arith.index_cast %add3A_480 : i32 to index
        %swap3A_514 = arith.constant 32 : index
        %swap3A_515 = tpu.vector_load %arg8[%swap3A_511, %swap3A_512, %swap3A_513, %swap3A_514] {strides = array<i32>} : memref<3x2x200x64xf32, #tpu.memory_space<vmem>>, vector<1x1x1x16xf32>,
        %swap3A_516 = vector.shape_cast %swap3A_515 : vector<1x1x1x16xf32> to vector<16xf32>
        %swap3A_517 = vector.shape_cast %get3A_508 : vector<16xf32> to vector<1x1x1x16xf32>
        tpu.vector_store %arg8[%swap3A_511, %swap3A_512, %swap3A_513, %swap3A_514], %swap3A_517 {add = true, strides = array<i32>} : memref<3x2x200x64xf32, #tpu.memory_space<vmem>>, vector<1x1x1x16xf32>,
        %get3A_518 = arith.index_cast %add3A_480 : i32 to index
        %get3A_519 = arith.constant 48 : index
        %get3A_520 = tpu.vector_load %arg7[%get3A_518, %get3A_519] {strides = array<i32>} : memref<200x64xf32, #tpu.memory_space<vmem>>, vector<1x16xf32>,
        %get3A_521 = vector.shape_cast %get3A_520 : vector<1x16xf32> to vector<16xf32>
        %swap3A_522 = arith.constant 2 : i32
        %swap3A_523 = arith.constant 0 : i32
        %swap3A_524 = arith.index_cast %swap3A_522 : i32 to index
        %swap3A_525 = arith.index_cast %swap3A_523 : i32 to index
        %swap3A_526 = arith.index_cast %add3A_480 : i32 to index
        %swap3A_527 = arith.constant 48 : index
        %swap3A_528 = tpu.vector_load %arg8[%swap3A_524, %swap3A_525, %swap3A_526, %swap3A_527] {strides = array<i32>} : memref<3x2x200x64xf32, #tpu.memory_space<vmem>>, vector<1x1x1x16xf32>,
        %swap3A_529 = vector.shape_cast %swap3A_528 : vector<1x1x1x16xf32> to vector<16xf32>
        %swap3A_530 = vector.shape_cast %get3A_521 : vector<16xf32> to vector<1x1x1x16xf32>
        tpu.vector_store %arg8[%swap3A_524, %swap3A_525, %swap3A_526, %swap3A_527], %swap3A_530 {add = true, strides = array<i32>} : memref<3x2x200x64xf32, #tpu.memory_space<vmem>>, vector<1x1x1x16xf32>,
        %scan3A_531 = arith.constant 1 : i32
        %scan3A_532 = arith.addi %scan3A_476, %scan3A_531 : i32
        %mul3A_533 = arith.constant 1 : i32
        %mul3A_534 = arith.muli %scan3A_532, %mul3A_533 : i32
        %add3A_535 = arith.constant 0 : i32
        %add3A_536 = arith.addi %add3A_535, %mul3A_534 : i32
        %get3A_537 = arith.index_cast %add3A_536 : i32 to index
        %get3A_538 = arith.constant 0 : index
        %get3A_539 = tpu.vector_load %arg7[%get3A_537, %get3A_538] {strides = array<i32>} : memref<200x64xf32, #tpu.memory_space<vmem>>, vector<1x16xf32>,
        %get3A_540 = vector.shape_cast %get3A_539 : vector<1x16xf32> to vector<16xf32>
        %swap3A_541 = arith.constant 2 : i32
        %swap3A_542 = arith.constant 0 : i32
        %swap3A_543 = arith.index_cast %swap3A_541 : i32 to index
        %swap3A_544 = arith.index_cast %swap3A_542 : i32 to index
        %swap3A_545 = arith.index_cast %add3A_536 : i32 to index
        %swap3A_546 = arith.constant 0 : index
        %swap3A_547 = tpu.vector_load %arg8[%swap3A_543, %swap3A_544, %swap3A_545, %swap3A_546] {strides = array<i32>} : memref<3x2x200x64xf32, #tpu.memory_space<vmem>>, vector<1x1x1x16xf32>,
        %swap3A_548 = vector.shape_cast %swap3A_547 : vector<1x1x1x16xf32> to vector<16xf32>
        %swap3A_549 = vector.shape_cast %get3A_540 : vector<16xf32> to vector<1x1x1x16xf32>
        tpu.vector_store %arg8[%swap3A_543, %swap3A_544, %swap3A_545, %swap3A_546], %swap3A_549 {add = true, strides = array<i32>} : memref<3x2x200x64xf32, #tpu.memory_space<vmem>>, vector<1x1x1x16xf32>,
        %get3A_550 = arith.index_cast %add3A_536 : i32 to index
        %get3A_551 = arith.constant 16 : index
        %get3A_552 = tpu.vector_load %arg7[%get3A_550, %get3A_551] {strides = array<i32>} : memref<200x64xf32, #tpu.memory_space<vmem>>, vector<1x16xf32>,
        %get3A_553 = vector.shape_cast %get3A_552 : vector<1x16xf32> to vector<16xf32>
        %swap3A_554 = arith.constant 2 : i32
        %swap3A_555 = arith.constant 0 : i32
        %swap3A_556 = arith.index_cast %swap3A_554 : i32 to index
        %swap3A_557 = arith.index_cast %swap3A_555 : i32 to index
        %swap3A_558 = arith.index_cast %add3A_536 : i32 to index
        %swap3A_559 = arith.constant 16 : index
        %swap3A_560 = tpu.vector_load %arg8[%swap3A_556, %swap3A_557, %swap3A_558, %swap3A_559] {strides = array<i32>} : memref<3x2x200x64xf32, #tpu.memory_space<vmem>>, vector<1x1x1x16xf32>,
        %swap3A_561 = vector.shape_cast %swap3A_560 : vector<1x1x1x16xf32> to vector<16xf32>
        %swap3A_562 = vector.shape_cast %get3A_553 : vector<16xf32> to vector<1x1x1x16xf32>
        tpu.vector_store %arg8[%swap3A_556, %swap3A_557, %swap3A_558, %swap3A_559], %swap3A_562 {add = true, strides = array<i32>} : memref<3x2x200x64xf32, #tpu.memory_space<vmem>>, vector<1x1x1x16xf32>,
        %get3A_563 = arith.index_cast %add3A_536 : i32 to index
        %get3A_564 = arith.constant 32 : index
        %get3A_565 = tpu.vector_load %arg7[%get3A_563, %get3A_564] {strides = array<i32>} : memref<200x64xf32, #tpu.memory_space<vmem>>, vector<1x16xf32>,
        %get3A_566 = vector.shape_cast %get3A_565 : vector<1x16xf32> to vector<16xf32>
        %swap3A_567 = arith.constant 2 : i32
        %swap3A_568 = arith.constant 0 : i32
        %swap3A_569 = arith.index_cast %swap3A_567 : i32 to index
        %swap3A_570 = arith.index_cast %swap3A_568 : i32 to index
        %swap3A_571 = arith.index_cast %add3A_536 : i32 to index
        %swap3A_572 = arith.constant 32 : index
        %swap3A_573 = tpu.vector_load %arg8[%swap3A_569, %swap3A_570, %swap3A_571, %swap3A_572] {strides = array<i32>} : memref<3x2x200x64xf32, #tpu.memory_space<vmem>>, vector<1x1x1x16xf32>,
        %swap3A_574 = vector.shape_cast %swap3A_573 : vector<1x1x1x16xf32> to vector<16xf32>
        %swap3A_575 = vector.shape_cast %get3A_566 : vector<16xf32> to vector<1x1x1x16xf32>
        tpu.vector_store %arg8[%swap3A_569, %swap3A_570, %swap3A_571, %swap3A_572], %swap3A_575 {add = true, strides = array<i32>} : memref<3x2x200x64xf32, #tpu.memory_space<vmem>>, vector<1x1x1x16xf32>,
        %get3A_576 = arith.index_cast %add3A_536 : i32 to index
        %get3A_577 = arith.constant 48 : index
        %get3A_578 = tpu.vector_load %arg7[%get3A_576, %get3A_577] {strides = array<i32>} : memref<200x64xf32, #tpu.memory_space<vmem>>, vector<1x16xf32>,
        %get3A_579 = vector.shape_cast %get3A_578 : vector<1x16xf32> to vector<16xf32>
        %swap3A_580 = arith.constant 2 : i32
        %swap3A_581 = arith.constant 0 : i32
        %swap3A_582 = arith.index_cast %swap3A_580 : i32 to index
        %swap3A_583 = arith.index_cast %swap3A_581 : i32 to index
        %swap3A_584 = arith.index_cast %add3A_536 : i32 to index
        %swap3A_585 = arith.constant 48 : index
        %swap3A_586 = tpu.vector_load %arg8[%swap3A_582, %swap3A_583, %swap3A_584, %swap3A_585] {strides = array<i32>} : memref<3x2x200x64xf32, #tpu.memory_space<vmem>>, vector<1x1x1x16xf32>,
        %swap3A_587 = vector.shape_cast %swap3A_586 : vector<1x1x1x16xf32> to vector<16xf32>
        %swap3A_588 = vector.shape_cast %get3A_579 : vector<16xf32> to vector<1x1x1x16xf32>
        tpu.vector_store %arg8[%swap3A_582, %swap3A_583, %swap3A_584, %swap3A_585], %swap3A_588 {add = true, strides = array<i32>} : memref<3x2x200x64xf32, #tpu.memory_space<vmem>>, vector<1x1x1x16xf32>,
        %scan3A_589 = arith.constant 2 : i32
        %scan3A_590 = arith.addi %scan3A_476, %scan3A_589 : i32
        %mul3A_591 = arith.constant 1 : i32
        %mul3A_592 = arith.muli %scan3A_590, %mul3A_591 : i32
        %add3A_593 = arith.constant 0 : i32
        %add3A_594 = arith.addi %add3A_593, %mul3A_592 : i32
        %get3A_595 = arith.index_cast %add3A_594 : i32 to index
        %get3A_596 = arith.constant 0 : index
        %get3A_597 = tpu.vector_load %arg7[%get3A_595, %get3A_596] {strides = array<i32>} : memref<200x64xf32, #tpu.memory_space<vmem>>, vector<1x16xf32>,
        %get3A_598 = vector.shape_cast %get3A_597 : vector<1x16xf32> to vector<16xf32>
        %swap3A_599 = arith.constant 2 : i32
        %swap3A_600 = arith.constant 0 : i32
        %swap3A_601 = arith.index_cast %swap3A_599 : i32 to index
        %swap3A_602 = arith.index_cast %swap3A_600 : i32 to index
        %swap3A_603 = arith.index_cast %add3A_594 : i32 to index
        %swap3A_604 = arith.constant 0 : index
        %swap3A_605 = tpu.vector_load %arg8[%swap3A_601, %swap3A_602, %swap3A_603, %swap3A_604] {strides = array<i32>} : memref<3x2x200x64xf32, #tpu.memory_space<vmem>>, vector<1x1x1x16xf32>,
        %swap3A_606 = vector.shape_cast %swap3A_605 : vector<1x1x1x16xf32> to vector<16xf32>
        %swap3A_607 = vector.shape_cast %get3A_598 : vector<16xf32> to vector<1x1x1x16xf32>
        tpu.vector_store %arg8[%swap3A_601, %swap3A_602, %swap3A_603, %swap3A_604], %swap3A_607 {add = true, strides = array<i32>} : memref<3x2x200x64xf32, #tpu.memory_space<vmem>>, vector<1x1x1x16xf32>,
        %get3A_608 = arith.index_cast %add3A_594 : i32 to index
        %get3A_609 = arith.constant 16 : index
        %get3A_610 = tpu.vector_load %arg7[%get3A_608, %get3A_609] {strides = array<i32>} : memref<200x64xf32, #tpu.memory_space<vmem>>, vector<1x16xf32>,
        %get3A_611 = vector.shape_cast %get3A_610 : vector<1x16xf32> to vector<16xf32>
        %swap3A_612 = arith.constant 2 : i32
        %swap3A_613 = arith.constant 0 : i32
        %swap3A_614 = arith.index_cast %swap3A_612 : i32 to index
        %swap3A_615 = arith.index_cast %swap3A_613 : i32 to index
        %swap3A_616 = arith.index_cast %add3A_594 : i32 to index
        %swap3A_617 = arith.constant 16 : index
        %swap3A_618 = tpu.vector_load %arg8[%swap3A_614, %swap3A_615, %swap3A_616, %swap3A_617] {strides = array<i32>} : memref<3x2x200x64xf32, #tpu.memory_space<vmem>>, vector<1x1x1x16xf32>,
        %swap3A_619 = vector.shape_cast %swap3A_618 : vector<1x1x1x16xf32> to vector<16xf32>
        %swap3A_620 = vector.shape_cast %get3A_611 : vector<16xf32> to vector<1x1x1x16xf32>
        tpu.vector_store %arg8[%swap3A_614, %swap3A_615, %swap3A_616, %swap3A_617], %swap3A_620 {add = true, strides = array<i32>} : memref<3x2x200x64xf32, #tpu.memory_space<vmem>>, vector<1x1x1x16xf32>,
        %get3A_621 = arith.index_cast %add3A_594 : i32 to index
        %get3A_622 = arith.constant 32 : index
        %get3A_623 = tpu.vector_load %arg7[%get3A_621, %get3A_622] {strides = array<i32>} : memref<200x64xf32, #tpu.memory_space<vmem>>, vector<1x16xf32>,
        %get3A_624 = vector.shape_cast %get3A_623 : vector<1x16xf32> to vector<16xf32>
        %swap3A_625 = arith.constant 2 : i32
        %swap3A_626 = arith.constant 0 : i32
        %swap3A_627 = arith.index_cast %swap3A_625 : i32 to index
        %swap3A_628 = arith.index_cast %swap3A_626 : i32 to index
        %swap3A_629 = arith.index_cast %add3A_594 : i32 to index
        %swap3A_630 = arith.constant 32 : index
        %swap3A_631 = tpu.vector_load %arg8[%swap3A_627, %swap3A_628, %swap3A_629, %swap3A_630] {strides = array<i32>} : memref<3x2x200x64xf32, #tpu.memory_space<vmem>>, vector<1x1x1x16xf32>,
        %swap3A_632 = vector.shape_cast %swap3A_631 : vector<1x1x1x16xf32> to vector<16xf32>
        %swap3A_633 = vector.shape_cast %get3A_624 : vector<16xf32> to vector<1x1x1x16xf32>
        tpu.vector_store %arg8[%swap3A_627, %swap3A_628, %swap3A_629, %swap3A_630], %swap3A_633 {add = true, strides = array<i32>} : memref<3x2x200x64xf32, #tpu.memory_space<vmem>>, vector<1x1x1x16xf32>,
        %get3A_634 = arith.index_cast %add3A_594 : i32 to index
        %get3A_635 = arith.constant 48 : index
        %get3A_636 = tpu.vector_load %arg7[%get3A_634, %get3A_635] {strides = array<i32>} : memref<200x64xf32, #tpu.memory_space<vmem>>, vector<1x16xf32>,
        %get3A_637 = vector.shape_cast %get3A_636 : vector<1x16xf32> to vector<16xf32>
        %swap3A_638 = arith.constant 2 : i32
        %swap3A_639 = arith.constant 0 : i32
        %swap3A_640 = arith.index_cast %swap3A_638 : i32 to index
        %swap3A_641 = arith.index_cast %swap3A_639 : i32 to index
        %swap3A_642 = arith.index_cast %add3A_594 : i32 to index
        %swap3A_643 = arith.constant 48 : index
        %swap3A_644 = tpu.vector_load %arg8[%swap3A_640, %swap3A_641, %swap3A_642, %swap3A_643] {strides = array<i32>} : memref<3x2x200x64xf32, #tpu.memory_space<vmem>>, vector<1x1x1x16xf32>,
        %swap3A_645 = vector.shape_cast %swap3A_644 : vector<1x1x1x16xf32> to vector<16xf32>
        %swap3A_646 = vector.shape_cast %get3A_637 : vector<16xf32> to vector<1x1x1x16xf32>
        tpu.vector_store %arg8[%swap3A_640, %swap3A_641, %swap3A_642, %swap3A_643], %swap3A_646 {add = true, strides = array<i32>} : memref<3x2x200x64xf32, #tpu.memory_space<vmem>>, vector<1x1x1x16xf32>,
        %scan3A_647 = arith.constant 3 : i32
        %scan3A_648 = arith.addi %scan3A_476, %scan3A_647 : i32
        %mul3A_649 = arith.constant 1 : i32
        %mul3A_650 = arith.muli %scan3A_648, %mul3A_649 : i32
        %add3A_651 = arith.constant 0 : i32
        %add3A_652 = arith.addi %add3A_651, %mul3A_650 : i32
        %get3A_653 = arith.index_cast %add3A_652 : i32 to index
        %get3A_654 = arith.constant 0 : index
        %get3A_655 = tpu.vector_load %arg7[%get3A_653, %get3A_654] {strides = array<i32>} : memref<200x64xf32, #tpu.memory_space<vmem>>, vector<1x16xf32>,
        %get3A_656 = vector.shape_cast %get3A_655 : vector<1x16xf32> to vector<16xf32>
        %swap3A_657 = arith.constant 2 : i32
        %swap3A_658 = arith.constant 0 : i32
        %swap3A_659 = arith.index_cast %swap3A_657 : i32 to index
        %swap3A_660 = arith.index_cast %swap3A_658 : i32 to index
        %swap3A_661 = arith.index_cast %add3A_652 : i32 to index
        %swap3A_662 = arith.constant 0 : index
        %swap3A_663 = tpu.vector_load %arg8[%swap3A_659, %swap3A_660, %swap3A_661, %swap3A_662] {strides = array<i32>} : memref<3x2x200x64xf32, #tpu.memory_space<vmem>>, vector<1x1x1x16xf32>,
        %swap3A_664 = vector.shape_cast %swap3A_663 : vector<1x1x1x16xf32> to vector<16xf32>
        %swap3A_665 = vector.shape_cast %get3A_656 : vector<16xf32> to vector<1x1x1x16xf32>
        tpu.vector_store %arg8[%swap3A_659, %swap3A_660, %swap3A_661, %swap3A_662], %swap3A_665 {add = true, strides = array<i32>} : memref<3x2x200x64xf32, #tpu.memory_space<vmem>>, vector<1x1x1x16xf32>,
        %get3A_666 = arith.index_cast %add3A_652 : i32 to index
        %get3A_667 = arith.constant 16 : index
        %get3A_668 = tpu.vector_load %arg7[%get3A_666, %get3A_667] {strides = array<i32>} : memref<200x64xf32, #tpu.memory_space<vmem>>, vector<1x16xf32>,
        %get3A_669 = vector.shape_cast %get3A_668 : vector<1x16xf32> to vector<16xf32>
        %swap3A_670 = arith.constant 2 : i32
        %swap3A_671 = arith.constant 0 : i32
        %swap3A_672 = arith.index_cast %swap3A_670 : i32 to index
        %swap3A_673 = arith.index_cast %swap3A_671 : i32 to index
        %swap3A_674 = arith.index_cast %add3A_652 : i32 to index
        %swap3A_675 = arith.constant 16 : index
        %swap3A_676 = tpu.vector_load %arg8[%swap3A_672, %swap3A_673, %swap3A_674, %swap3A_675] {strides = array<i32>} : memref<3x2x200x64xf32, #tpu.memory_space<vmem>>, vector<1x1x1x16xf32>,
        %swap3A_677 = vector.shape_cast %swap3A_676 : vector<1x1x1x16xf32> to vector<16xf32>
        %swap3A_678 = vector.shape_cast %get3A_669 : vector<16xf32> to vector<1x1x1x16xf32>
        tpu.vector_store %arg8[%swap3A_672, %swap3A_673, %swap3A_674, %swap3A_675], %swap3A_678 {add = true, strides = array<i32>} : memref<3x2x200x64xf32, #tpu.memory_space<vmem>>, vector<1x1x1x16xf32>,
        %get3A_679 = arith.index_cast %add3A_652 : i32 to index
        %get3A_680 = arith.constant 32 : index
        %get3A_681 = tpu.vector_load %arg7[%get3A_679, %get3A_680] {strides = array<i32>} : memref<200x64xf32, #tpu.memory_space<vmem>>, vector<1x16xf32>,
        %get3A_682 = vector.shape_cast %get3A_681 : vector<1x16xf32> to vector<16xf32>
        %swap3A_683 = arith.constant 2 : i32
        %swap3A_684 = arith.constant 0 : i32
        %swap3A_685 = arith.index_cast %swap3A_683 : i32 to index
        %swap3A_686 = arith.index_cast %swap3A_684 : i32 to index
        %swap3A_687 = arith.index_cast %add3A_652 : i32 to index
        %swap3A_688 = arith.constant 32 : index
        %swap3A_689 = tpu.vector_load %arg8[%swap3A_685, %swap3A_686, %swap3A_687, %swap3A_688] {strides = array<i32>} : memref<3x2x200x64xf32, #tpu.memory_space<vmem>>, vector<1x1x1x16xf32>,
        %swap3A_690 = vector.shape_cast %swap3A_689 : vector<1x1x1x16xf32> to vector<16xf32>
        %swap3A_691 = vector.shape_cast %get3A_682 : vector<16xf32> to vector<1x1x1x16xf32>
        tpu.vector_store %arg8[%swap3A_685, %swap3A_686, %swap3A_687, %swap3A_688], %swap3A_691 {add = true, strides = array<i32>} : memref<3x2x200x64xf32, #tpu.memory_space<vmem>>, vector<1x1x1x16xf32>,
        %get3A_692 = arith.index_cast %add3A_652 : i32 to index
        %get3A_693 = arith.constant 48 : index
        %get3A_694 = tpu.vector_load %arg7[%get3A_692, %get3A_693] {strides = array<i32>} : memref<200x64xf32, #tpu.memory_space<vmem>>, vector<1x16xf32>,
        %get3A_695 = vector.shape_cast %get3A_694 : vector<1x16xf32> to vector<16xf32>
        %swap3A_696 = arith.constant 2 : i32
        %swap3A_697 = arith.constant 0 : i32
        %swap3A_698 = arith.index_cast %swap3A_696 : i32 to index
        %swap3A_699 = arith.index_cast %swap3A_697 : i32 to index
        %swap3A_700 = arith.index_cast %add3A_652 : i32 to index
        %swap3A_701 = arith.constant 48 : index
        %swap3A_702 = tpu.vector_load %arg8[%swap3A_698, %swap3A_699, %swap3A_700, %swap3A_701] {strides = array<i32>} : memref<3x2x200x64xf32, #tpu.memory_space<vmem>>, vector<1x1x1x16xf32>,
        %swap3A_703 = vector.shape_cast %swap3A_702 : vector<1x1x1x16xf32> to vector<16xf32>
        %swap3A_704 = vector.shape_cast %get3A_695 : vector<16xf32> to vector<1x1x1x16xf32>
        tpu.vector_store %arg8[%swap3A_698, %swap3A_699, %swap3A_700, %swap3A_701], %swap3A_704 {add = true, strides = array<i32>} : memref<3x2x200x64xf32, #tpu.memory_space<vmem>>, vector<1x1x1x16xf32>,
      }
      %scan3A_433 = arith.constant 200 : i32
      %scan3A_434 = arith.constant 0 : i32
      %scan3A_435 = arith.constant 200 : i32
      %scan3A_436 = arith.addi %scan3A_434, %scan3A_435 : i32
      %scan3A_437 = arith.constant 4 : i32
      scf.for %scan3A_476 = %scan3A_434 to %scan3A_436 step %scan3A_437  : i32 {
        %mul3A_477 = arith.constant 1 : i32
        %mul3A_478 = arith.muli %scan3A_476, %mul3A_477 : i32
        %add3A_479 = arith.constant 0 : i32
        %add3A_480 = arith.addi %add3A_479, %mul3A_478 : i32
        %get3A = arith.index_cast %add3A_480 : i32 to index
        %get3A_481 = arith.constant 0 : index
        %get3A_482 = tpu.vector_load %arg7[%get3A, %get3A_481] {strides = array<i32>} : memref<200x64xf32, #tpu.memory_space<vmem>>, vector<1x16xf32>,
        %get3A_483 = vector.shape_cast %get3A_482 : vector<1x16xf32> to vector<16xf32>
        %swap3A = arith.constant 2 : i32
        %swap3A_484 = arith.constant 1 : i32
        %swap3A_485 = arith.index_cast %swap3A : i32 to index
        %swap3A_486 = arith.index_cast %swap3A_484 : i32 to index
        %swap3A_487 = arith.index_cast %add3A_480 : i32 to index
        %swap3A_488 = arith.constant 0 : index
        %swap3A_489 = tpu.vector_load %arg8[%swap3A_485, %swap3A_486, %swap3A_487, %swap3A_488] {strides = array<i32>} : memref<3x2x200x64xf32, #tpu.memory_space<vmem>>, vector<1x1x1x16xf32>,
        %swap3A_490 = vector.shape_cast %swap3A_489 : vector<1x1x1x16xf32> to vector<16xf32>
        %swap3A_491 = vector.shape_cast %get3A_483 : vector<16xf32> to vector<1x1x1x16xf32>
        tpu.vector_store %arg8[%swap3A_485, %swap3A_486, %swap3A_487, %swap3A_488], %swap3A_491 {add = true, strides = array<i32>} : memref<3x2x200x64xf32, #tpu.memory_space<vmem>>, vector<1x1x1x16xf32>,
        %get3A_492 = arith.index_cast %add3A_480 : i32 to index
        %get3A_493 = arith.constant 16 : index
        %get3A_494 = tpu.vector_load %arg7[%get3A_492, %get3A_493] {strides = array<i32>} : memref<200x64xf32, #tpu.memory_space<vmem>>, vector<1x16xf32>,
        %get3A_495 = vector.shape_cast %get3A_494 : vector<1x16xf32> to vector<16xf32>
        %swap3A_496 = arith.constant 2 : i32
        %swap3A_497 = arith.constant 1 : i32
        %swap3A_498 = arith.index_cast %swap3A_496 : i32 to index
        %swap3A_499 = arith.index_cast %swap3A_497 : i32 to index
        %swap3A_500 = arith.index_cast %add3A_480 : i32 to index
        %swap3A_501 = arith.constant 16 : index
        %swap3A_502 = tpu.vector_load %arg8[%swap3A_498, %swap3A_499, %swap3A_500, %swap3A_501] {strides = array<i32>} : memref<3x2x200x64xf32, #tpu.memory_space<vmem>>, vector<1x1x1x16xf32>,
        %swap3A_503 = vector.shape_cast %swap3A_502 : vector<1x1x1x16xf32> to vector<16xf32>
        %swap3A_504 = vector.shape_cast %get3A_495 : vector<16xf32> to vector<1x1x1x16xf32>
        tpu.vector_store %arg8[%swap3A_498, %swap3A_499, %swap3A_500, %swap3A_501], %swap3A_504 {add = true, strides = array<i32>} : memref<3x2x200x64xf32, #tpu.memory_space<vmem>>, vector<1x1x1x16xf32>,
        %get3A_505 = arith.index_cast %add3A_480 : i32 to index
        %get3A_506 = arith.constant 32 : index
        %get3A_507 = tpu.vector_load %arg7[%get3A_505, %get3A_506] {strides = array<i32>} : memref<200x64xf32, #tpu.memory_space<vmem>>, vector<1x16xf32>,
        %get3A_508 = vector.shape_cast %get3A_507 : vector<1x16xf32> to vector<16xf32>
        %swap3A_509 = arith.constant 2 : i32
        %swap3A_510 = arith.constant 1 : i32
        %swap3A_511 = arith.index_cast %swap3A_509 : i32 to index
        %swap3A_512 = arith.index_cast %swap3A_510 : i32 to index
        %swap3A_513 = arith.index_cast %add3A_480 : i32 to index
        %swap3A_514 = arith.constant 32 : index
        %swap3A_515 = tpu.vector_load %arg8[%swap3A_511, %swap3A_512, %swap3A_513, %swap3A_514] {strides = array<i32>} : memref<3x2x200x64xf32, #tpu.memory_space<vmem>>, vector<1x1x1x16xf32>,
        %swap3A_516 = vector.shape_cast %swap3A_515 : vector<1x1x1x16xf32> to vector<16xf32>
        %swap3A_517 = vector.shape_cast %get3A_508 : vector<16xf32> to vector<1x1x1x16xf32>
        tpu.vector_store %arg8[%swap3A_511, %swap3A_512, %swap3A_513, %swap3A_514], %swap3A_517 {add = true, strides = array<i32>} : memref<3x2x200x64xf32, #tpu.memory_space<vmem>>, vector<1x1x1x16xf32>,
        %get3A_518 = arith.index_cast %add3A_480 : i32 to index
        %get3A_519 = arith.constant 48 : index
        %get3A_520 = tpu.vector_load %arg7[%get3A_518, %get3A_519] {strides = array<i32>} : memref<200x64xf32, #tpu.memory_space<vmem>>, vector<1x16xf32>,
        %get3A_521 = vector.shape_cast %get3A_520 : vector<1x16xf32> to vector<16xf32>
        %swap3A_522 = arith.constant 2 : i32
        %swap3A_523 = arith.constant 1 : i32
        %swap3A_524 = arith.index_cast %swap3A_522 : i32 to index
        %swap3A_525 = arith.index_cast %swap3A_523 : i32 to index
        %swap3A_526 = arith.index_cast %add3A_480 : i32 to index
        %swap3A_527 = arith.constant 48 : index
        %swap3A_528 = tpu.vector_load %arg8[%swap3A_524, %swap3A_525, %swap3A_526, %swap3A_527] {strides = array<i32>} : memref<3x2x200x64xf32, #tpu.memory_space<vmem>>, vector<1x1x1x16xf32>,
        %swap3A_529 = vector.shape_cast %swap3A_528 : vector<1x1x1x16xf32> to vector<16xf32>
        %swap3A_530 = vector.shape_cast %get3A_521 : vector<16xf32> to vector<1x1x1x16xf32>
        tpu.vector_store %arg8[%swap3A_524, %swap3A_525, %swap3A_526, %swap3A_527], %swap3A_530 {add = true, strides = array<i32>} : memref<3x2x200x64xf32, #tpu.memory_space<vmem>>, vector<1x1x1x16xf32>,
        %scan3A_531 = arith.constant 1 : i32
        %scan3A_532 = arith.addi %scan3A_476, %scan3A_531 : i32
        %mul3A_533 = arith.constant 1 : i32
        %mul3A_534 = arith.muli %scan3A_532, %mul3A_533 : i32
        %add3A_535 = arith.constant 0 : i32
        %add3A_536 = arith.addi %add3A_535, %mul3A_534 : i32
        %get3A_537 = arith.index_cast %add3A_536 : i32 to index
        %get3A_538 = arith.constant 0 : index
        %get3A_539 = tpu.vector_load %arg7[%get3A_537, %get3A_538] {strides = array<i32>} : memref<200x64xf32, #tpu.memory_space<vmem>>, vector<1x16xf32>,
        %get3A_540 = vector.shape_cast %get3A_539 : vector<1x16xf32> to vector<16xf32>
        %swap3A_541 = arith.constant 2 : i32
        %swap3A_542 = arith.constant 1 : i32
        %swap3A_543 = arith.index_cast %swap3A_541 : i32 to index
        %swap3A_544 = arith.index_cast %swap3A_542 : i32 to index
        %swap3A_545 = arith.index_cast %add3A_536 : i32 to index
        %swap3A_546 = arith.constant 0 : index
        %swap3A_547 = tpu.vector_load %arg8[%swap3A_543, %swap3A_544, %swap3A_545, %swap3A_546] {strides = array<i32>} : memref<3x2x200x64xf32, #tpu.memory_space<vmem>>, vector<1x1x1x16xf32>,
        %swap3A_548 = vector.shape_cast %swap3A_547 : vector<1x1x1x16xf32> to vector<16xf32>
        %swap3A_549 = vector.shape_cast %get3A_540 : vector<16xf32> to vector<1x1x1x16xf32>
        tpu.vector_store %arg8[%swap3A_543, %swap3A_544, %swap3A_545, %swap3A_546], %swap3A_549 {add = true, strides = array<i32>} : memref<3x2x200x64xf32, #tpu.memory_space<vmem>>, vector<1x1x1x16xf32>,
        %get3A_550 = arith.index_cast %add3A_536 : i32 to index
        %get3A_551 = arith.constant 16 : index
        %get3A_552 = tpu.vector_load %arg7[%get3A_550, %get3A_551] {strides = array<i32>} : memref<200x64xf32, #tpu.memory_space<vmem>>, vector<1x16xf32>,
        %get3A_553 = vector.shape_cast %get3A_552 : vector<1x16xf32> to vector<16xf32>
        %swap3A_554 = arith.constant 2 : i32
        %swap3A_555 = arith.constant 1 : i32
        %swap3A_556 = arith.index_cast %swap3A_554 : i32 to index
        %swap3A_557 = arith.index_cast %swap3A_555 : i32 to index
        %swap3A_558 = arith.index_cast %add3A_536 : i32 to index
        %swap3A_559 = arith.constant 16 : index
        %swap3A_560 = tpu.vector_load %arg8[%swap3A_556, %swap3A_557, %swap3A_558, %swap3A_559] {strides = array<i32>} : memref<3x2x200x64xf32, #tpu.memory_space<vmem>>, vector<1x1x1x16xf32>,
        %swap3A_561 = vector.shape_cast %swap3A_560 : vector<1x1x1x16xf32> to vector<16xf32>
        %swap3A_562 = vector.shape_cast %get3A_553 : vector<16xf32> to vector<1x1x1x16xf32>
        tpu.vector_store %arg8[%swap3A_556, %swap3A_557, %swap3A_558, %swap3A_559], %swap3A_562 {add = true, strides = array<i32>} : memref<3x2x200x64xf32, #tpu.memory_space<vmem>>, vector<1x1x1x16xf32>,
        %get3A_563 = arith.index_cast %add3A_536 : i32 to index
        %get3A_564 = arith.constant 32 : index
        %get3A_565 = tpu.vector_load %arg7[%get3A_563, %get3A_564] {strides = array<i32>} : memref<200x64xf32, #tpu.memory_space<vmem>>, vector<1x16xf32>,
        %get3A_566 = vector.shape_cast %get3A_565 : vector<1x16xf32> to vector<16xf32>
        %swap3A_567 = arith.constant 2 : i32
        %swap3A_568 = arith.constant 1 : i32
        %swap3A_569 = arith.index_cast %swap3A_567 : i32 to index
        %swap3A_570 = arith.index_cast %swap3A_568 : i32 to index
        %swap3A_571 = arith.index_cast %add3A_536 : i32 to index
        %swap3A_572 = arith.constant 32 : index
        %swap3A_573 = tpu.vector_load %arg8[%swap3A_569, %swap3A_570, %swap3A_571, %swap3A_572] {strides = array<i32>} : memref<3x2x200x64xf32, #tpu.memory_space<vmem>>, vector<1x1x1x16xf32>,
        %swap3A_574 = vector.shape_cast %swap3A_573 : vector<1x1x1x16xf32> to vector<16xf32>
        %swap3A_575 = vector.shape_cast %get3A_566 : vector<16xf32> to vector<1x1x1x16xf32>
        tpu.vector_store %arg8[%swap3A_569, %swap3A_570, %swap3A_571, %swap3A_572], %swap3A_575 {add = true, strides = array<i32>} : memref<3x2x200x64xf32, #tpu.memory_space<vmem>>, vector<1x1x1x16xf32>,
        %get3A_576 = arith.index_cast %add3A_536 : i32 to index
        %get3A_577 = arith.constant 48 : index
        %get3A_578 = tpu.vector_load %arg7[%get3A_576, %get3A_577] {strides = array<i32>} : memref<200x64xf32, #tpu.memory_space<vmem>>, vector<1x16xf32>,
        %get3A_579 = vector.shape_cast %get3A_578 : vector<1x16xf32> to vector<16xf32>
        %swap3A_580 = arith.constant 2 : i32
        %swap3A_581 = arith.constant 1 : i32
        %swap3A_582 = arith.index_cast %swap3A_580 : i32 to index
        %swap3A_583 = arith.index_cast %swap3A_581 : i32 to index
        %swap3A_584 = arith.index_cast %add3A_536 : i32 to index
        %swap3A_585 = arith.constant 48 : index
        %swap3A_586 = tpu.vector_load %arg8[%swap3A_582, %swap3A_583, %swap3A_584, %swap3A_585] {strides = array<i32>} : memref<3x2x200x64xf32, #tpu.memory_space<vmem>>, vector<1x1x1x16xf32>,
        %swap3A_587 = vector.shape_cast %swap3A_586 : vector<1x1x1x16xf32> to vector<16xf32>
        %swap3A_588 = vector.shape_cast %get3A_579 : vector<16xf32> to vector<1x1x1x16xf32>
        tpu.vector_store %arg8[%swap3A_582, %swap3A_583, %swap3A_584, %swap3A_585], %swap3A_588 {add = true, strides = array<i32>} : memref<3x2x200x64xf32, #tpu.memory_space<vmem>>, vector<1x1x1x16xf32>,
        %scan3A_589 = arith.constant 2 : i32
        %scan3A_590 = arith.addi %scan3A_476, %scan3A_589 : i32
        %mul3A_591 = arith.constant 1 : i32
        %mul3A_592 = arith.muli %scan3A_590, %mul3A_591 : i32
        %add3A_593 = arith.constant 0 : i32
        %add3A_594 = arith.addi %add3A_593, %mul3A_592 : i32
        %get3A_595 = arith.index_cast %add3A_594 : i32 to index
        %get3A_596 = arith.constant 0 : index
        %get3A_597 = tpu.vector_load %arg7[%get3A_595, %get3A_596] {strides = array<i32>} : memref<200x64xf32, #tpu.memory_space<vmem>>, vector<1x16xf32>,
        %get3A_598 = vector.shape_cast %get3A_597 : vector<1x16xf32> to vector<16xf32>
        %swap3A_599 = arith.constant 2 : i32
        %swap3A_600 = arith.constant 1 : i32
        %swap3A_601 = arith.index_cast %swap3A_599 : i32 to index
        %swap3A_602 = arith.index_cast %swap3A_600 : i32 to index
        %swap3A_603 = arith.index_cast %add3A_594 : i32 to index
        %swap3A_604 = arith.constant 0 : index
        %swap3A_605 = tpu.vector_load %arg8[%swap3A_601, %swap3A_602, %swap3A_603, %swap3A_604] {strides = array<i32>} : memref<3x2x200x64xf32, #tpu.memory_space<vmem>>, vector<1x1x1x16xf32>,
        %swap3A_606 = vector.shape_cast %swap3A_605 : vector<1x1x1x16xf32> to vector<16xf32>
        %swap3A_607 = vector.shape_cast %get3A_598 : vector<16xf32> to vector<1x1x1x16xf32>
        tpu.vector_store %arg8[%swap3A_601, %swap3A_602, %swap3A_603, %swap3A_604], %swap3A_607 {add = true, strides = array<i32>} : memref<3x2x200x64xf32, #tpu.memory_space<vmem>>, vector<1x1x1x16xf32>,
        %get3A_608 = arith.index_cast %add3A_594 : i32 to index
        %get3A_609 = arith.constant 16 : index
        %get3A_610 = tpu.vector_load %arg7[%get3A_608, %get3A_609] {strides = array<i32>} : memref<200x64xf32, #tpu.memory_space<vmem>>, vector<1x16xf32>,
        %get3A_611 = vector.shape_cast %get3A_610 : vector<1x16xf32> to vector<16xf32>
        %swap3A_612 = arith.constant 2 : i32
        %swap3A_613 = arith.constant 1 : i32
        %swap3A_614 = arith.index_cast %swap3A_612 : i32 to index
        %swap3A_615 = arith.index_cast %swap3A_613 : i32 to index
        %swap3A_616 = arith.index_cast %add3A_594 : i32 to index
        %swap3A_617 = arith.constant 16 : index
        %swap3A_618 = tpu.vector_load %arg8[%swap3A_614, %swap3A_615, %swap3A_616, %swap3A_617] {strides = array<i32>} : memref<3x2x200x64xf32, #tpu.memory_space<vmem>>, vector<1x1x1x16xf32>,
        %swap3A_619 = vector.shape_cast %swap3A_618 : vector<1x1x1x16xf32> to vector<16xf32>
        %swap3A_620 = vector.shape_cast %get3A_611 : vector<16xf32> to vector<1x1x1x16xf32>
        tpu.vector_store %arg8[%swap3A_614, %swap3A_615, %swap3A_616, %swap3A_617], %swap3A_620 {add = true, strides = array<i32>} : memref<3x2x200x64xf32, #tpu.memory_space<vmem>>, vector<1x1x1x16xf32>,
        %get3A_621 = arith.index_cast %add3A_594 : i32 to index
        %get3A_622 = arith.constant 32 : index
        %get3A_623 = tpu.vector_load %arg7[%get3A_621, %get3A_622] {strides = array<i32>} : memref<200x64xf32, #tpu.memory_space<vmem>>, vector<1x16xf32>,
        %get3A_624 = vector.shape_cast %get3A_623 : vector<1x16xf32> to vector<16xf32>
        %swap3A_625 = arith.constant 2 : i32
        %swap3A_626 = arith.constant 1 : i32
        %swap3A_627 = arith.index_cast %swap3A_625 : i32 to index
        %swap3A_628 = arith.index_cast %swap3A_626 : i32 to index
        %swap3A_629 = arith.index_cast %add3A_594 : i32 to index
        %swap3A_630 = arith.constant 32 : index
        %swap3A_631 = tpu.vector_load %arg8[%swap3A_627, %swap3A_628, %swap3A_629, %swap3A_630] {strides = array<i32>} : memref<3x2x200x64xf32, #tpu.memory_space<vmem>>, vector<1x1x1x16xf32>,
        %swap3A_632 = vector.shape_cast %swap3A_631 : vector<1x1x1x16xf32> to vector<16xf32>
        %swap3A_633 = vector.shape_cast %get3A_624 : vector<16xf32> to vector<1x1x1x16xf32>
        tpu.vector_store %arg8[%swap3A_627, %swap3A_628, %swap3A_629, %swap3A_630], %swap3A_633 {add = true, strides = array<i32>} : memref<3x2x200x64xf32, #tpu.memory_space<vmem>>, vector<1x1x1x16xf32>,
        %get3A_634 = arith.index_cast %add3A_594 : i32 to index
        %get3A_635 = arith.constant 48 : index
        %get3A_636 = tpu.vector_load %arg7[%get3A_634, %get3A_635] {strides = array<i32>} : memref<200x64xf32, #tpu.memory_space<vmem>>, vector<1x16xf32>,
        %get3A_637 = vector.shape_cast %get3A_636 : vector<1x16xf32> to vector<16xf32>
        %swap3A_638 = arith.constant 2 : i32
        %swap3A_639 = arith.constant 1 : i32
        %swap3A_640 = arith.index_cast %swap3A_638 : i32 to index
        %swap3A_641 = arith.index_cast %swap3A_639 : i32 to index
        %swap3A_642 = arith.index_cast %add3A_594 : i32 to index
        %swap3A_643 = arith.constant 48 : index
        %swap3A_644 = tpu.vector_load %arg8[%swap3A_640, %swap3A_641, %swap3A_642, %swap3A_643] {strides = array<i32>} : memref<3x2x200x64xf32, #tpu.memory_space<vmem>>, vector<1x1x1x16xf32>,
        %swap3A_645 = vector.shape_cast %swap3A_644 : vector<1x1x1x16xf32> to vector<16xf32>
        %swap3A_646 = vector.shape_cast %get3A_637 : vector<16xf32> to vector<1x1x1x16xf32>
        tpu.vector_store %arg8[%swap3A_640, %swap3A_641, %swap3A_642, %swap3A_643], %swap3A_646 {add = true, strides = array<i32>} : memref<3x2x200x64xf32, #tpu.memory_space<vmem>>, vector<1x1x1x16xf32>,
        %scan3A_647 = arith.constant 3 : i32
        %scan3A_648 = arith.addi %scan3A_476, %scan3A_647 : i32
        %mul3A_649 = arith.constant 1 : i32
        %mul3A_650 = arith.muli %scan3A_648, %mul3A_649 : i32
        %add3A_651 = arith.constant 0 : i32
        %add3A_652 = arith.addi %add3A_651, %mul3A_650 : i32
        %get3A_653 = arith.index_cast %add3A_652 : i32 to index
        %get3A_654 = arith.constant 0 : index
        %get3A_655 = tpu.vector_load %arg7[%get3A_653, %get3A_654] {strides = array<i32>} : memref<200x64xf32, #tpu.memory_space<vmem>>, vector<1x16xf32>,
        %get3A_656 = vector.shape_cast %get3A_655 : vector<1x16xf32> to vector<16xf32>
        %swap3A_657 = arith.constant 2 : i32
        %swap3A_658 = arith.constant 1 : i32
        %swap3A_659 = arith.index_cast %swap3A_657 : i32 to index
        %swap3A_660 = arith.index_cast %swap3A_658 : i32 to index
        %swap3A_661 = arith.index_cast %add3A_652 : i32 to index
        %swap3A_662 = arith.constant 0 : index
        %swap3A_663 = tpu.vector_load %arg8[%swap3A_659, %swap3A_660, %swap3A_661, %swap3A_662] {strides = array<i32>} : memref<3x2x200x64xf32, #tpu.memory_space<vmem>>, vector<1x1x1x16xf32>,
        %swap3A_664 = vector.shape_cast %swap3A_663 : vector<1x1x1x16xf32> to vector<16xf32>
        %swap3A_665 = vector.shape_cast %get3A_656 : vector<16xf32> to vector<1x1x1x16xf32>
        tpu.vector_store %arg8[%swap3A_659, %swap3A_660, %swap3A_661, %swap3A_662], %swap3A_665 {add = true, strides = array<i32>} : memref<3x2x200x64xf32, #tpu.memory_space<vmem>>, vector<1x1x1x16xf32>,
        %get3A_666 = arith.index_cast %add3A_652 : i32 to index
        %get3A_667 = arith.constant 16 : index
        %get3A_668 = tpu.vector_load %arg7[%get3A_666, %get3A_667] {strides = array<i32>} : memref<200x64xf32, #tpu.memory_space<vmem>>, vector<1x16xf32>,
        %get3A_669 = vector.shape_cast %get3A_668 : vector<1x16xf32> to vector<16xf32>
        %swap3A_670 = arith.constant 2 : i32
        %swap3A_671 = arith.constant 1 : i32
        %swap3A_672 = arith.index_cast %swap3A_670 : i32 to index
        %swap3A_673 = arith.index_cast %swap3A_671 : i32 to index
        %swap3A_674 = arith.index_cast %add3A_652 : i32 to index
        %swap3A_675 = arith.constant 16 : index
        %swap3A_676 = tpu.vector_load %arg8[%swap3A_672, %swap3A_673, %swap3A_674, %swap3A_675] {strides = array<i32>} : memref<3x2x200x64xf32, #tpu.memory_space<vmem>>, vector<1x1x1x16xf32>,
        %swap3A_677 = vector.shape_cast %swap3A_676 : vector<1x1x1x16xf32> to vector<16xf32>
        %swap3A_678 = vector.shape_cast %get3A_669 : vector<16xf32> to vector<1x1x1x16xf32>
        tpu.vector_store %arg8[%swap3A_672, %swap3A_673, %swap3A_674, %swap3A_675], %swap3A_678 {add = true, strides = array<i32>} : memref<3x2x200x64xf32, #tpu.memory_space<vmem>>, vector<1x1x1x16xf32>,
        %get3A_679 = arith.index_cast %add3A_652 : i32 to index
        %get3A_680 = arith.constant 32 : index
        %get3A_681 = tpu.vector_load %arg7[%get3A_679, %get3A_680] {strides = array<i32>} : memref<200x64xf32, #tpu.memory_space<vmem>>, vector<1x16xf32>,
        %get3A_682 = vector.shape_cast %get3A_681 : vector<1x16xf32> to vector<16xf32>
        %swap3A_683 = arith.constant 2 : i32
        %swap3A_684 = arith.constant 1 : i32
        %swap3A_685 = arith.index_cast %swap3A_683 : i32 to index
        %swap3A_686 = arith.index_cast %swap3A_684 : i32 to index
        %swap3A_687 = arith.index_cast %add3A_652 : i32 to index
        %swap3A_688 = arith.constant 32 : index
        %swap3A_689 = tpu.vector_load %arg8[%swap3A_685, %swap3A_686, %swap3A_687, %swap3A_688] {strides = array<i32>} : memref<3x2x200x64xf32, #tpu.memory_space<vmem>>, vector<1x1x1x16xf32>,
        %swap3A_690 = vector.shape_cast %swap3A_689 : vector<1x1x1x16xf32> to vector<16xf32>
        %swap3A_691 = vector.shape_cast %get3A_682 : vector<16xf32> to vector<1x1x1x16xf32>
        tpu.vector_store %arg8[%swap3A_685, %swap3A_686, %swap3A_687, %swap3A_688], %swap3A_691 {add = true, strides = array<i32>} : memref<3x2x200x64xf32, #tpu.memory_space<vmem>>, vector<1x1x1x16xf32>,
        %get3A_692 = arith.index_cast %add3A_652 : i32 to index
        %get3A_693 = arith.constant 48 : index
        %get3A_694 = tpu.vector_load %arg7[%get3A_692, %get3A_693] {strides = array<i32>} : memref<200x64xf32, #tpu.memory_space<vmem>>, vector<1x16xf32>,
        %get3A_695 = vector.shape_cast %get3A_694 : vector<1x16xf32> to vector<16xf32>
        %swap3A_696 = arith.constant 2 : i32
        %swap3A_697 = arith.constant 1 : i32
        %swap3A_698 = arith.index_cast %swap3A_696 : i32 to index
        %swap3A_699 = arith.index_cast %swap3A_697 : i32 to index
        %swap3A_700 = arith.index_cast %add3A_652 : i32 to index
        %swap3A_701 = arith.constant 48 : index
        %swap3A_702 = tpu.vector_load %arg8[%swap3A_698, %swap3A_699, %swap3A_700, %swap3A_701] {strides = array<i32>} : memref<3x2x200x64xf32, #tpu.memory_space<vmem>>, vector<1x1x1x16xf32>,
        %swap3A_703 = vector.shape_cast %swap3A_702 : vector<1x1x1x16xf32> to vector<16xf32>
        %swap3A_704 = vector.shape_cast %get3A_695 : vector<16xf32> to vector<1x1x1x16xf32>
        tpu.vector_store %arg8[%swap3A_698, %swap3A_699, %swap3A_700, %swap3A_701], %swap3A_704 {add = true, strides = array<i32>} : memref<3x2x200x64xf32, #tpu.memory_space<vmem>>, vector<1x1x1x16xf32>,
      }
      %scan3A_438 = arith.constant 200 : i32
      %mul3A_439 = arith.constant 2 : i32
      %mul3A_440 = arith.muli %add3A_396, %mul3A_439 : i32
      %add3A_441 = arith.addi %mul3A_2, %mul3A_440 : i32
      %dma_start3A_442 = arith.constant 2 : i32
      %dma_start3A_443 = arith.constant 0 : i32
      %dma_start3A_444 = arith.constant 0 : i32
      %dma_start3A_445 = arith.constant 0 : i32
      %dma_start3A_446 = tpu.memref_slice %arg8[%dma_start3A_442, %dma_start3A_443, %dma_start3A_444, %dma_start3A_445] : memref<3x2x200x64xf32, #tpu.memory_space<vmem>> -> memref<1x2x200x64xf32, #tpu.memory_space<vmem>>
      %dma_start3A_447 = tpu.memref_squeeze %dma_start3A_446 : memref<1x2x200x64xf32, #tpu.memory_space<vmem>> -> memref<2x200x64xf32, #tpu.memory_space<vmem>>
      %dma_start3A_448 = arith.constant 0 : i32
      %dma_start3A_449 = arith.constant 0 : i32
      %dma_start3A_450 = tpu.memref_slice %arg5[%add3A_441, %dma_start3A_448, %dma_start3A_449] : memref<4096x200x64xf32, #tpu.memory_space<hbm>> -> memref<2x200x64xf32, #tpu.memory_space<hbm>>
      %dma_start3A_451 = arith.constant 0 : i32
      %dma_start3A_452 = arith.constant 0 : i32
      %dma_start3A_453 = tpu.memref_slice %arg5[%add3A_441, %dma_start3A_451, %dma_start3A_452] : memref<4096x200x64xf32, #tpu.memory_space<hbm>> -> memref<2x200x64xf32, #tpu.memory_space<hbm>>
      %dma_start3A_454 = arith.constant 0 : i32
      %dma_start3A_455 = arith.constant 0 : i32
      %dma_start3A_456 = arith.constant 0 : i32
      %dma_start3A_457 = tpu.memref_slice %arg8[%dma_start3A_442, %dma_start3A_454, %dma_start3A_455, %dma_start3A_456] : memref<3x2x200x64xf32, #tpu.memory_space<vmem>> -> memref<1x2x200x64xf32, #tpu.memory_space<vmem>>
      %dma_start3A_458 = tpu.memref_squeeze %dma_start3A_457 : memref<1x2x200x64xf32, #tpu.memory_space<vmem>> -> memref<2x200x64xf32, #tpu.memory_space<vmem>>
      tpu.enqueue_dma source(%dma_start3A_458 : memref<2x200x64xf32, #tpu.memory_space<vmem>>) target(%dma_start3A_453 : memref<2x200x64xf32, #tpu.memory_space<hbm>>) target_semaphore(%arg14 : memref<!tpu.dma_semaphore, #tpu.memory_space<semaphore_mem>>)
      %ge3A_459 = arith.constant 1 : i32
      %ge3A_460 = arith.cmpi sge, %add3A_396, %ge3A_459 : i32
      %add3A_461 = arith.constant 2 : i32
      %add3A_462 = arith.addi %add3A_396, %add3A_461 : i32
      %lt3A_463 = arith.constant 64 : i32
      %lt3A_464 = arith.cmpi slt, %add3A_462, %lt3A_463 : i32
      %and3A_465 = arith.andi %ge3A_460, %lt3A_464 : i1
      %convert_element_type3A_466 = arith.extui %and3A_465 : i1 to i32
      %cond3A_467 = arith.constant 0 : i32
      %cond3A_468 = arith.cmpi ne, %convert_element_type3A_466, %cond3A_467 : i32
      scf.if %cond3A_468 {
        %dma_wait3A_476 = arith.constant 1 : i32
        %dma_wait3A_477 = arith.constant 0 : i32
        %dma_wait3A_478 = arith.constant 0 : i32
        %dma_wait3A_479 = arith.constant 0 : i32
        %dma_wait3A_480 = tpu.memref_slice %arg8[%dma_wait3A_476, %dma_wait3A_477, %dma_wait3A_478, %dma_wait3A_479] : memref<3x2x200x64xf32, #tpu.memory_space<vmem>> -> memref<1x2x200x64xf32, #tpu.memory_space<vmem>>
        %dma_wait3A_481 = tpu.memref_squeeze %dma_wait3A_480 : memref<1x2x200x64xf32, #tpu.memory_space<vmem>> -> memref<2x200x64xf32, #tpu.memory_space<vmem>>
        %dma_wait3A_482 = arith.constant 0 : i32
        %dma_wait3A_483 = arith.constant 0 : i32
        %dma_wait3A_484 = arith.constant 0 : i32
        %dma_wait3A_485 = tpu.memref_slice %arg5[%dma_wait3A_482, %dma_wait3A_483, %dma_wait3A_484] : memref<4096x200x64xf32, #tpu.memory_space<hbm>> -> memref<2x200x64xf32, #tpu.memory_space<hbm>>
        %dma_wait3A_486 = arith.constant 0 : i32
        %dma_wait3A_487 = arith.constant 0 : i32
        %dma_wait3A_488 = arith.constant 0 : i32
        %dma_wait3A_489 = tpu.memref_slice %arg5[%dma_wait3A_486, %dma_wait3A_487, %dma_wait3A_488] : memref<4096x200x64xf32, #tpu.memory_space<hbm>> -> memref<2x200x64xf32, #tpu.memory_space<hbm>>
        %dma_wait3A_490 = arith.constant 0 : i32
        %dma_wait3A_491 = arith.constant 0 : i32
        %dma_wait3A_492 = arith.constant 0 : i32
        %dma_wait3A_493 = tpu.memref_slice %arg8[%dma_wait3A_476, %dma_wait3A_490, %dma_wait3A_491, %dma_wait3A_492] : memref<3x2x200x64xf32, #tpu.memory_space<vmem>> -> memref<1x2x200x64xf32, #tpu.memory_space<vmem>>
        %dma_wait3A_494 = tpu.memref_squeeze %dma_wait3A_493 : memref<1x2x200x64xf32, #tpu.memory_space<vmem>> -> memref<2x200x64xf32, #tpu.memory_space<vmem>>
        tpu.wait_dma2 semaphore(%arg13 : memref<!tpu.dma_semaphore, #tpu.memory_space<semaphore_mem>>) src(%dma_wait3A_494 : memref<2x200x64xf32, #tpu.memory_space<vmem>>) dst(%dma_wait3A_489 : memref<2x200x64xf32, #tpu.memory_space<hbm>>)
      } else {
      }
      %add3A_469 = arith.constant 2 : i32
      %add3A_470 = arith.addi %add3A_396, %add3A_469 : i32
      %lt3A_471 = arith.constant 64 : i32
      %lt3A_472 = arith.cmpi slt, %add3A_470, %lt3A_471 : i32
      %convert_element_type3A_473 = arith.extui %lt3A_472 : i1 to i32
      %cond3A_474 = arith.constant 0 : i32
      %cond3A_475 = arith.cmpi ne, %convert_element_type3A_473, %cond3A_474 : i32
      scf.if %cond3A_475 {
        %add3A_476 = arith.constant 2 : i32
        %add3A_477 = arith.addi %add3A_396, %add3A_476 : i32
        %mul3A_478 = arith.constant 2 : i32
        %mul3A_479 = arith.muli %add3A_477, %mul3A_478 : i32
        %add3A_480 = arith.constant 0 : i32
        %add3A_481 = arith.addi %mul3A_479, %add3A_480 : i32
        %dma_start3A_482 = arith.constant 1 : i32
        %dma_start3A_483 = arith.constant 0 : i32
        %dma_start3A_484 = arith.constant 0 : i32
        %dma_start3A_485 = arith.constant 0 : i32
        %dma_start3A_486 = tpu.memref_slice %arg8[%dma_start3A_482, %dma_start3A_483, %dma_start3A_484, %dma_start3A_485] : memref<3x2x200x64xf32, #tpu.memory_space<vmem>> -> memref<1x1x128x64xf32, #tpu.memory_space<vmem>>
        %dma_start3A_487 = tpu.memref_squeeze %dma_start3A_486 : memref<1x1x128x64xf32, #tpu.memory_space<vmem>> -> memref<128x64xf32, #tpu.memory_space<vmem>>
        %dma_start3A_488 = arith.constant 0 : i32
        %dma_start3A_489 = tpu.memref_slice %arg6[%add3A_481, %dma_start3A_488] : memref<128x200xi32, #tpu.memory_space<vmem>> -> memref<1x128xi32, #tpu.memory_space<vmem>>
        %dma_start3A_490 = tpu.memref_squeeze %dma_start3A_489 : memref<1x128xi32, #tpu.memory_space<vmem>> -> memref<128xi32, #tpu.memory_space<vmem>>
        %dma_start3A_491 = arith.constant 0 : i32
        %dma_start3A_492 = arith.constant 0 : i32
        %dma_start3A_493 = tpu.memref_slice %arg3[%dma_start3A_491, %dma_start3A_492] : memref<1000000x64xf32, #tpu.memory_space<hbm>> -> memref<1000000x64xf32, #tpu.memory_space<hbm>>
        tpu.enqueue_indirect_dma source(%dma_start3A_493 : memref<1000000x64xf32, #tpu.memory_space<hbm>>) target(%dma_start3A_487 : memref<128x64xf32, #tpu.memory_space<vmem>>) offsets(%dma_start3A_490 : memref<128xi32, #tpu.memory_space<vmem>>) semaphore(%arg10 : memref<!tpu.dma_semaphore, #tpu.memory_space<semaphore_mem>>)
        %dma_start3A_494 = arith.constant 1 : i32
        %dma_start3A_495 = arith.constant 0 : i32
        %dma_start3A_496 = arith.constant 128 : i32
        %dma_start3A_497 = arith.constant 0 : i32
        %dma_start3A_498 = tpu.memref_slice %arg8[%dma_start3A_494, %dma_start3A_495, %dma_start3A_496, %dma_start3A_497] : memref<3x2x200x64xf32, #tpu.memory_space<vmem>> -> memref<1x1x72x64xf32, #tpu.memory_space<vmem>>
        %dma_start3A_499 = tpu.memref_squeeze %dma_start3A_498 : memref<1x1x72x64xf32, #tpu.memory_space<vmem>> -> memref<72x64xf32, #tpu.memory_space<vmem>>
        %dma_start3A_500 = arith.constant 128 : i32
        %dma_start3A_501 = tpu.memref_slice %arg6[%add3A_481, %dma_start3A_500] : memref<128x200xi32, #tpu.memory_space<vmem>> -> memref<1x72xi32, #tpu.memory_space<vmem>>
        %dma_start3A_502 = tpu.memref_squeeze %dma_start3A_501 : memref<1x72xi32, #tpu.memory_space<vmem>> -> memref<72xi32, #tpu.memory_space<vmem>>
        %dma_start3A_503 = arith.constant 0 : i32
        %dma_start3A_504 = arith.constant 0 : i32
        %dma_start3A_505 = tpu.memref_slice %arg3[%dma_start3A_503, %dma_start3A_504] : memref<1000000x64xf32, #tpu.memory_space<hbm>> -> memref<1000000x64xf32, #tpu.memory_space<hbm>>
        tpu.enqueue_indirect_dma source(%dma_start3A_505 : memref<1000000x64xf32, #tpu.memory_space<hbm>>) target(%dma_start3A_499 : memref<72x64xf32, #tpu.memory_space<vmem>>) offsets(%dma_start3A_502 : memref<72xi32, #tpu.memory_space<vmem>>) semaphore(%arg10 : memref<!tpu.dma_semaphore, #tpu.memory_space<semaphore_mem>>)
        %mul3A_506 = arith.constant 2 : i32
        %mul3A_507 = arith.muli %add3A_477, %mul3A_506 : i32
        %add3A_508 = arith.constant 1 : i32
        %add3A_509 = arith.addi %mul3A_507, %add3A_508 : i32
        %dma_start3A_510 = arith.constant 1 : i32
        %dma_start3A_511 = arith.constant 1 : i32
        %dma_start3A_512 = arith.constant 0 : i32
        %dma_start3A_513 = arith.constant 0 : i32
        %dma_start3A_514 = tpu.memref_slice %arg8[%dma_start3A_510, %dma_start3A_511, %dma_start3A_512, %dma_start3A_513] : memref<3x2x200x64xf32, #tpu.memory_space<vmem>> -> memref<1x1x128x64xf32, #tpu.memory_space<vmem>>
        %dma_start3A_515 = tpu.memref_squeeze %dma_start3A_514 : memref<1x1x128x64xf32, #tpu.memory_space<vmem>> -> memref<128x64xf32, #tpu.memory_space<vmem>>
        %dma_start3A_516 = arith.constant 0 : i32
        %dma_start3A_517 = tpu.memref_slice %arg6[%add3A_509, %dma_start3A_516] : memref<128x200xi32, #tpu.memory_space<vmem>> -> memref<1x128xi32, #tpu.memory_space<vmem>>
        %dma_start3A_518 = tpu.memref_squeeze %dma_start3A_517 : memref<1x128xi32, #tpu.memory_space<vmem>> -> memref<128xi32, #tpu.memory_space<vmem>>
        %dma_start3A_519 = arith.constant 0 : i32
        %dma_start3A_520 = arith.constant 0 : i32
        %dma_start3A_521 = tpu.memref_slice %arg3[%dma_start3A_519, %dma_start3A_520] : memref<1000000x64xf32, #tpu.memory_space<hbm>> -> memref<1000000x64xf32, #tpu.memory_space<hbm>>
        tpu.enqueue_indirect_dma source(%dma_start3A_521 : memref<1000000x64xf32, #tpu.memory_space<hbm>>) target(%dma_start3A_515 : memref<128x64xf32, #tpu.memory_space<vmem>>) offsets(%dma_start3A_518 : memref<128xi32, #tpu.memory_space<vmem>>) semaphore(%arg10 : memref<!tpu.dma_semaphore, #tpu.memory_space<semaphore_mem>>)
        %dma_start3A_522 = arith.constant 1 : i32
        %dma_start3A_523 = arith.constant 1 : i32
        %dma_start3A_524 = arith.constant 128 : i32
        %dma_start3A_525 = arith.constant 0 : i32
        %dma_start3A_526 = tpu.memref_slice %arg8[%dma_start3A_522, %dma_start3A_523, %dma_start3A_524, %dma_start3A_525] : memref<3x2x200x64xf32, #tpu.memory_space<vmem>> -> memref<1x1x72x64xf32, #tpu.memory_space<vmem>>
        %dma_start3A_527 = tpu.memref_squeeze %dma_start3A_526 : memref<1x1x72x64xf32, #tpu.memory_space<vmem>> -> memref<72x64xf32, #tpu.memory_space<vmem>>
        %dma_start3A_528 = arith.constant 128 : i32
        %dma_start3A_529 = tpu.memref_slice %arg6[%add3A_509, %dma_start3A_528] : memref<128x200xi32, #tpu.memory_space<vmem>> -> memref<1x72xi32, #tpu.memory_space<vmem>>
        %dma_start3A_530 = tpu.memref_squeeze %dma_start3A_529 : memref<1x72xi32, #tpu.memory_space<vmem>> -> memref<72xi32, #tpu.memory_space<vmem>>
        %dma_start3A_531 = arith.constant 0 : i32
        %dma_start3A_532 = arith.constant 0 : i32
        %dma_start3A_533 = tpu.memref_slice %arg3[%dma_start3A_531, %dma_start3A_532] : memref<1000000x64xf32, #tpu.memory_space<hbm>> -> memref<1000000x64xf32, #tpu.memory_space<hbm>>
        tpu.enqueue_indirect_dma source(%dma_start3A_533 : memref<1000000x64xf32, #tpu.memory_space<hbm>>) target(%dma_start3A_527 : memref<72x64xf32, #tpu.memory_space<vmem>>) offsets(%dma_start3A_530 : memref<72xi32, #tpu.memory_space<vmem>>) semaphore(%arg10 : memref<!tpu.dma_semaphore, #tpu.memory_space<semaphore_mem>>)
      } else {
      }
    }
    %scan3A_109 = arith.constant 21 : i32
    %dma_wait3A = arith.constant 0 : i32
    %dma_wait3A_110 = arith.constant 0 : i32
    %dma_wait3A_111 = arith.constant 0 : i32
    %dma_wait3A_112 = arith.constant 0 : i32
    %dma_wait3A_113 = tpu.memref_slice %arg8[%dma_wait3A, %dma_wait3A_110, %dma_wait3A_111, %dma_wait3A_112] : memref<3x2x200x64xf32, #tpu.memory_space<vmem>> -> memref<1x1x200x64xf32, #tpu.memory_space<vmem>>
    %dma_wait3A_114 = tpu.memref_squeeze %dma_wait3A_113 : memref<1x1x200x64xf32, #tpu.memory_space<vmem>> -> memref<200x64xf32, #tpu.memory_space<vmem>>
    %dma_wait3A_115 = arith.constant 0 : i32
    %dma_wait3A_116 = arith.constant 0 : i32
    %dma_wait3A_117 = tpu.memref_slice %arg3[%dma_wait3A_115, %dma_wait3A_116] : memref<1000000x64xf32, #tpu.memory_space<hbm>> -> memref<200x64xf32, #tpu.memory_space<hbm>>
    %dma_wait3A_118 = arith.constant 0 : i32
    %dma_wait3A_119 = arith.constant 0 : i32
    %dma_wait3A_120 = tpu.memref_slice %arg8[%dma_wait3A, %dma_wait3A_110, %dma_wait3A_118, %dma_wait3A_119] : memref<3x2x200x64xf32, #tpu.memory_space<vmem>> -> memref<1x1x200x64xf32, #tpu.memory_space<vmem>>
    %dma_wait3A_121 = tpu.memref_squeeze %dma_wait3A_120 : memref<1x1x200x64xf32, #tpu.memory_space<vmem>> -> memref<200x64xf32, #tpu.memory_space<vmem>>
    %dma_wait3A_122 = arith.constant 0 : i32
    %dma_wait3A_123 = arith.constant 0 : i32
    %dma_wait3A_124 = tpu.memref_slice %arg3[%dma_wait3A_122, %dma_wait3A_123] : memref<1000000x64xf32, #tpu.memory_space<hbm>> -> memref<200x64xf32, #tpu.memory_space<hbm>>
    tpu.wait_dma2 semaphore(%arg9 : memref<!tpu.dma_semaphore, #tpu.memory_space<semaphore_mem>>) src(%dma_wait3A_124 : memref<200x64xf32, #tpu.memory_space<hbm>>) dst(%dma_wait3A_121 : memref<200x64xf32, #tpu.memory_space<vmem>>)
    %dma_wait3A_125 = arith.constant 0 : i32
    %dma_wait3A_126 = arith.constant 1 : i32
    %dma_wait3A_127 = arith.constant 0 : i32
    %dma_wait3A_128 = arith.constant 0 : i32
    %dma_wait3A_129 = tpu.memref_slice %arg8[%dma_wait3A_125, %dma_wait3A_126, %dma_wait3A_127, %dma_wait3A_128] : memref<3x2x200x64xf32, #tpu.memory_space<vmem>> -> memref<1x1x200x64xf32, #tpu.memory_space<vmem>>
    %dma_wait3A_130 = tpu.memref_squeeze %dma_wait3A_129 : memref<1x1x200x64xf32, #tpu.memory_space<vmem>> -> memref<200x64xf32, #tpu.memory_space<vmem>>
    %dma_wait3A_131 = arith.constant 0 : i32
    %dma_wait3A_132 = arith.constant 0 : i32
    %dma_wait3A_133 = tpu.memref_slice %arg3[%dma_wait3A_131, %dma_wait3A_132] : memref<1000000x64xf32, #tpu.memory_space<hbm>> -> memref<200x64xf32, #tpu.memory_space<hbm>>
    %dma_wait3A_134 = arith.constant 0 : i32
    %dma_wait3A_135 = arith.constant 0 : i32
    %dma_wait3A_136 = tpu.memref_slice %arg8[%dma_wait3A_125, %dma_wait3A_126, %dma_wait3A_134, %dma_wait3A_135] : memref<3x2x200x64xf32, #tpu.memory_space<vmem>> -> memref<1x1x200x64xf32, #tpu.memory_space<vmem>>
    %dma_wait3A_137 = tpu.memref_squeeze %dma_wait3A_136 : memref<1x1x200x64xf32, #tpu.memory_space<vmem>> -> memref<200x64xf32, #tpu.memory_space<vmem>>
    %dma_wait3A_138 = arith.constant 0 : i32
    %dma_wait3A_139 = arith.constant 0 : i32
    %dma_wait3A_140 = tpu.memref_slice %arg3[%dma_wait3A_138, %dma_wait3A_139] : memref<1000000x64xf32, #tpu.memory_space<hbm>> -> memref<200x64xf32, #tpu.memory_space<hbm>>
    tpu.wait_dma2 semaphore(%arg9 : memref<!tpu.dma_semaphore, #tpu.memory_space<semaphore_mem>>) src(%dma_wait3A_140 : memref<200x64xf32, #tpu.memory_space<hbm>>) dst(%dma_wait3A_137 : memref<200x64xf32, #tpu.memory_space<vmem>>)
    %scan3A_141 = arith.constant 0 : i32
    %scan3A_142 = arith.constant 200 : i32
    %scan3A_143 = arith.addi %scan3A_141, %scan3A_142 : i32
    %scan3A_144 = arith.constant 4 : i32
    scf.for %scan3A_230 = %scan3A_141 to %scan3A_143 step %scan3A_144  : i32 {
      %mul3A_231 = arith.constant 1 : i32
      %mul3A_232 = arith.muli %scan3A_230, %mul3A_231 : i32
      %add3A_233 = arith.constant 0 : i32
      %add3A_234 = arith.addi %add3A_233, %mul3A_232 : i32
      %get3A = arith.index_cast %add3A_234 : i32 to index
      %get3A_235 = arith.constant 0 : index
      %get3A_236 = tpu.vector_load %arg7[%get3A, %get3A_235] {strides = array<i32>} : memref<200x64xf32, #tpu.memory_space<vmem>>, vector<1x16xf32>,
      %get3A_237 = vector.shape_cast %get3A_236 : vector<1x16xf32> to vector<16xf32>
      %swap3A = arith.constant 0 : i32
      %swap3A_238 = arith.constant 0 : i32
      %swap3A_239 = arith.index_cast %swap3A : i32 to index
      %swap3A_240 = arith.index_cast %swap3A_238 : i32 to index
      %swap3A_241 = arith.index_cast %add3A_234 : i32 to index
      %swap3A_242 = arith.constant 0 : index
      %swap3A_243 = tpu.vector_load %arg8[%swap3A_239, %swap3A_240, %swap3A_241, %swap3A_242] {strides = array<i32>} : memref<3x2x200x64xf32, #tpu.memory_space<vmem>>, vector<1x1x1x16xf32>,
      %swap3A_244 = vector.shape_cast %swap3A_243 : vector<1x1x1x16xf32> to vector<16xf32>
      %swap3A_245 = vector.shape_cast %get3A_237 : vector<16xf32> to vector<1x1x1x16xf32>
      tpu.vector_store %arg8[%swap3A_239, %swap3A_240, %swap3A_241, %swap3A_242], %swap3A_245 {add = true, strides = array<i32>} : memref<3x2x200x64xf32, #tpu.memory_space<vmem>>, vector<1x1x1x16xf32>,
      %get3A_246 = arith.index_cast %add3A_234 : i32 to index
      %get3A_247 = arith.constant 16 : index
      %get3A_248 = tpu.vector_load %arg7[%get3A_246, %get3A_247] {strides = array<i32>} : memref<200x64xf32, #tpu.memory_space<vmem>>, vector<1x16xf32>,
      %get3A_249 = vector.shape_cast %get3A_248 : vector<1x16xf32> to vector<16xf32>
      %swap3A_250 = arith.constant 0 : i32
      %swap3A_251 = arith.constant 0 : i32
      %swap3A_252 = arith.index_cast %swap3A_250 : i32 to index
      %swap3A_253 = arith.index_cast %swap3A_251 : i32 to index
      %swap3A_254 = arith.index_cast %add3A_234 : i32 to index
      %swap3A_255 = arith.constant 16 : index
      %swap3A_256 = tpu.vector_load %arg8[%swap3A_252, %swap3A_253, %swap3A_254, %swap3A_255] {strides = array<i32>} : memref<3x2x200x64xf32, #tpu.memory_space<vmem>>, vector<1x1x1x16xf32>,
      %swap3A_257 = vector.shape_cast %swap3A_256 : vector<1x1x1x16xf32> to vector<16xf32>
      %swap3A_258 = vector.shape_cast %get3A_249 : vector<16xf32> to vector<1x1x1x16xf32>
      tpu.vector_store %arg8[%swap3A_252, %swap3A_253, %swap3A_254, %swap3A_255], %swap3A_258 {add = true, strides = array<i32>} : memref<3x2x200x64xf32, #tpu.memory_space<vmem>>, vector<1x1x1x16xf32>,
      %get3A_259 = arith.index_cast %add3A_234 : i32 to index
      %get3A_260 = arith.constant 32 : index
      %get3A_261 = tpu.vector_load %arg7[%get3A_259, %get3A_260] {strides = array<i32>} : memref<200x64xf32, #tpu.memory_space<vmem>>, vector<1x16xf32>,
      %get3A_262 = vector.shape_cast %get3A_261 : vector<1x16xf32> to vector<16xf32>
      %swap3A_263 = arith.constant 0 : i32
      %swap3A_264 = arith.constant 0 : i32
      %swap3A_265 = arith.index_cast %swap3A_263 : i32 to index
      %swap3A_266 = arith.index_cast %swap3A_264 : i32 to index
      %swap3A_267 = arith.index_cast %add3A_234 : i32 to index
      %swap3A_268 = arith.constant 32 : index
      %swap3A_269 = tpu.vector_load %arg8[%swap3A_265, %swap3A_266, %swap3A_267, %swap3A_268] {strides = array<i32>} : memref<3x2x200x64xf32, #tpu.memory_space<vmem>>, vector<1x1x1x16xf32>,
      %swap3A_270 = vector.shape_cast %swap3A_269 : vector<1x1x1x16xf32> to vector<16xf32>
      %swap3A_271 = vector.shape_cast %get3A_262 : vector<16xf32> to vector<1x1x1x16xf32>
      tpu.vector_store %arg8[%swap3A_265, %swap3A_266, %swap3A_267, %swap3A_268], %swap3A_271 {add = true, strides = array<i32>} : memref<3x2x200x64xf32, #tpu.memory_space<vmem>>, vector<1x1x1x16xf32>,
      %get3A_272 = arith.index_cast %add3A_234 : i32 to index
      %get3A_273 = arith.constant 48 : index
      %get3A_274 = tpu.vector_load %arg7[%get3A_272, %get3A_273] {strides = array<i32>} : memref<200x64xf32, #tpu.memory_space<vmem>>, vector<1x16xf32>,
      %get3A_275 = vector.shape_cast %get3A_274 : vector<1x16xf32> to vector<16xf32>
      %swap3A_276 = arith.constant 0 : i32
      %swap3A_277 = arith.constant 0 : i32
      %swap3A_278 = arith.index_cast %swap3A_276 : i32 to index
      %swap3A_279 = arith.index_cast %swap3A_277 : i32 to index
      %swap3A_280 = arith.index_cast %add3A_234 : i32 to index
      %swap3A_281 = arith.constant 48 : index
      %swap3A_282 = tpu.vector_load %arg8[%swap3A_278, %swap3A_279, %swap3A_280, %swap3A_281] {strides = array<i32>} : memref<3x2x200x64xf32, #tpu.memory_space<vmem>>, vector<1x1x1x16xf32>,
      %swap3A_283 = vector.shape_cast %swap3A_282 : vector<1x1x1x16xf32> to vector<16xf32>
      %swap3A_284 = vector.shape_cast %get3A_275 : vector<16xf32> to vector<1x1x1x16xf32>
      tpu.vector_store %arg8[%swap3A_278, %swap3A_279, %swap3A_280, %swap3A_281], %swap3A_284 {add = true, strides = array<i32>} : memref<3x2x200x64xf32, #tpu.memory_space<vmem>>, vector<1x1x1x16xf32>,
      %scan3A_285 = arith.constant 1 : i32
      %scan3A_286 = arith.addi %scan3A_230, %scan3A_285 : i32
      %mul3A_287 = arith.constant 1 : i32
      %mul3A_288 = arith.muli %scan3A_286, %mul3A_287 : i32
      %add3A_289 = arith.constant 0 : i32
      %add3A_290 = arith.addi %add3A_289, %mul3A_288 : i32
      %get3A_291 = arith.index_cast %add3A_290 : i32 to index
      %get3A_292 = arith.constant 0 : index
      %get3A_293 = tpu.vector_load %arg7[%get3A_291, %get3A_292] {strides = array<i32>} : memref<200x64xf32, #tpu.memory_space<vmem>>, vector<1x16xf32>,
      %get3A_294 = vector.shape_cast %get3A_293 : vector<1x16xf32> to vector<16xf32>
      %swap3A_295 = arith.constant 0 : i32
      %swap3A_296 = arith.constant 0 : i32
      %swap3A_297 = arith.index_cast %swap3A_295 : i32 to index
      %swap3A_298 = arith.index_cast %swap3A_296 : i32 to index
      %swap3A_299 = arith.index_cast %add3A_290 : i32 to index
      %swap3A_300 = arith.constant 0 : index
      %swap3A_301 = tpu.vector_load %arg8[%swap3A_297, %swap3A_298, %swap3A_299, %swap3A_300] {strides = array<i32>} : memref<3x2x200x64xf32, #tpu.memory_space<vmem>>, vector<1x1x1x16xf32>,
      %swap3A_302 = vector.shape_cast %swap3A_301 : vector<1x1x1x16xf32> to vector<16xf32>
      %swap3A_303 = vector.shape_cast %get3A_294 : vector<16xf32> to vector<1x1x1x16xf32>
      tpu.vector_store %arg8[%swap3A_297, %swap3A_298, %swap3A_299, %swap3A_300], %swap3A_303 {add = true, strides = array<i32>} : memref<3x2x200x64xf32, #tpu.memory_space<vmem>>, vector<1x1x1x16xf32>,
      %get3A_304 = arith.index_cast %add3A_290 : i32 to index
      %get3A_305 = arith.constant 16 : index
      %get3A_306 = tpu.vector_load %arg7[%get3A_304, %get3A_305] {strides = array<i32>} : memref<200x64xf32, #tpu.memory_space<vmem>>, vector<1x16xf32>,
      %get3A_307 = vector.shape_cast %get3A_306 : vector<1x16xf32> to vector<16xf32>
      %swap3A_308 = arith.constant 0 : i32
      %swap3A_309 = arith.constant 0 : i32
      %swap3A_310 = arith.index_cast %swap3A_308 : i32 to index
      %swap3A_311 = arith.index_cast %swap3A_309 : i32 to index
      %swap3A_312 = arith.index_cast %add3A_290 : i32 to index
      %swap3A_313 = arith.constant 16 : index
      %swap3A_314 = tpu.vector_load %arg8[%swap3A_310, %swap3A_311, %swap3A_312, %swap3A_313] {strides = array<i32>} : memref<3x2x200x64xf32, #tpu.memory_space<vmem>>, vector<1x1x1x16xf32>,
      %swap3A_315 = vector.shape_cast %swap3A_314 : vector<1x1x1x16xf32> to vector<16xf32>
      %swap3A_316 = vector.shape_cast %get3A_307 : vector<16xf32> to vector<1x1x1x16xf32>
      tpu.vector_store %arg8[%swap3A_310, %swap3A_311, %swap3A_312, %swap3A_313], %swap3A_316 {add = true, strides = array<i32>} : memref<3x2x200x64xf32, #tpu.memory_space<vmem>>, vector<1x1x1x16xf32>,
      %get3A_317 = arith.index_cast %add3A_290 : i32 to index
      %get3A_318 = arith.constant 32 : index
      %get3A_319 = tpu.vector_load %arg7[%get3A_317, %get3A_318] {strides = array<i32>} : memref<200x64xf32, #tpu.memory_space<vmem>>, vector<1x16xf32>,
      %get3A_320 = vector.shape_cast %get3A_319 : vector<1x16xf32> to vector<16xf32>
      %swap3A_321 = arith.constant 0 : i32
      %swap3A_322 = arith.constant 0 : i32
      %swap3A_323 = arith.index_cast %swap3A_321 : i32 to index
      %swap3A_324 = arith.index_cast %swap3A_322 : i32 to index
      %swap3A_325 = arith.index_cast %add3A_290 : i32 to index
      %swap3A_326 = arith.constant 32 : index
      %swap3A_327 = tpu.vector_load %arg8[%swap3A_323, %swap3A_324, %swap3A_325, %swap3A_326] {strides = array<i32>} : memref<3x2x200x64xf32, #tpu.memory_space<vmem>>, vector<1x1x1x16xf32>,
      %swap3A_328 = vector.shape_cast %swap3A_327 : vector<1x1x1x16xf32> to vector<16xf32>
      %swap3A_329 = vector.shape_cast %get3A_320 : vector<16xf32> to vector<1x1x1x16xf32>
      tpu.vector_store %arg8[%swap3A_323, %swap3A_324, %swap3A_325, %swap3A_326], %swap3A_329 {add = true, strides = array<i32>} : memref<3x2x200x64xf32, #tpu.memory_space<vmem>>, vector<1x1x1x16xf32>,
      %get3A_330 = arith.index_cast %add3A_290 : i32 to index
      %get3A_331 = arith.constant 48 : index
      %get3A_332 = tpu.vector_load %arg7[%get3A_330, %get3A_331] {strides = array<i32>} : memref<200x64xf32, #tpu.memory_space<vmem>>, vector<1x16xf32>,
      %get3A_333 = vector.shape_cast %get3A_332 : vector<1x16xf32> to vector<16xf32>
      %swap3A_334 = arith.constant 0 : i32
      %swap3A_335 = arith.constant 0 : i32
      %swap3A_336 = arith.index_cast %swap3A_334 : i32 to index
      %swap3A_337 = arith.index_cast %swap3A_335 : i32 to index
      %swap3A_338 = arith.index_cast %add3A_290 : i32 to index
      %swap3A_339 = arith.constant 48 : index
      %swap3A_340 = tpu.vector_load %arg8[%swap3A_336, %swap3A_337, %swap3A_338, %swap3A_339] {strides = array<i32>} : memref<3x2x200x64xf32, #tpu.memory_space<vmem>>, vector<1x1x1x16xf32>,
      %swap3A_341 = vector.shape_cast %swap3A_340 : vector<1x1x1x16xf32> to vector<16xf32>
      %swap3A_342 = vector.shape_cast %get3A_333 : vector<16xf32> to vector<1x1x1x16xf32>
      tpu.vector_store %arg8[%swap3A_336, %swap3A_337, %swap3A_338, %swap3A_339], %swap3A_342 {add = true, strides = array<i32>} : memref<3x2x200x64xf32, #tpu.memory_space<vmem>>, vector<1x1x1x16xf32>,
      %scan3A_343 = arith.constant 2 : i32
      %scan3A_344 = arith.addi %scan3A_230, %scan3A_343 : i32
      %mul3A_345 = arith.constant 1 : i32
      %mul3A_346 = arith.muli %scan3A_344, %mul3A_345 : i32
      %add3A_347 = arith.constant 0 : i32
      %add3A_348 = arith.addi %add3A_347, %mul3A_346 : i32
      %get3A_349 = arith.index_cast %add3A_348 : i32 to index
      %get3A_350 = arith.constant 0 : index
      %get3A_351 = tpu.vector_load %arg7[%get3A_349, %get3A_350] {strides = array<i32>} : memref<200x64xf32, #tpu.memory_space<vmem>>, vector<1x16xf32>,
      %get3A_352 = vector.shape_cast %get3A_351 : vector<1x16xf32> to vector<16xf32>
      %swap3A_353 = arith.constant 0 : i32
      %swap3A_354 = arith.constant 0 : i32
      %swap3A_355 = arith.index_cast %swap3A_353 : i32 to index
      %swap3A_356 = arith.index_cast %swap3A_354 : i32 to index
      %swap3A_357 = arith.index_cast %add3A_348 : i32 to index
      %swap3A_358 = arith.constant 0 : index
      %swap3A_359 = tpu.vector_load %arg8[%swap3A_355, %swap3A_356, %swap3A_357, %swap3A_358] {strides = array<i32>} : memref<3x2x200x64xf32, #tpu.memory_space<vmem>>, vector<1x1x1x16xf32>,
      %swap3A_360 = vector.shape_cast %swap3A_359 : vector<1x1x1x16xf32> to vector<16xf32>
      %swap3A_361 = vector.shape_cast %get3A_352 : vector<16xf32> to vector<1x1x1x16xf32>
      tpu.vector_store %arg8[%swap3A_355, %swap3A_356, %swap3A_357, %swap3A_358], %swap3A_361 {add = true, strides = array<i32>} : memref<3x2x200x64xf32, #tpu.memory_space<vmem>>, vector<1x1x1x16xf32>,
      %get3A_362 = arith.index_cast %add3A_348 : i32 to index
      %get3A_363 = arith.constant 16 : index
      %get3A_364 = tpu.vector_load %arg7[%get3A_362, %get3A_363] {strides = array<i32>} : memref<200x64xf32, #tpu.memory_space<vmem>>, vector<1x16xf32>,
      %get3A_365 = vector.shape_cast %get3A_364 : vector<1x16xf32> to vector<16xf32>
      %swap3A_366 = arith.constant 0 : i32
      %swap3A_367 = arith.constant 0 : i32
      %swap3A_368 = arith.index_cast %swap3A_366 : i32 to index
      %swap3A_369 = arith.index_cast %swap3A_367 : i32 to index
      %swap3A_370 = arith.index_cast %add3A_348 : i32 to index
      %swap3A_371 = arith.constant 16 : index
      %swap3A_372 = tpu.vector_load %arg8[%swap3A_368, %swap3A_369, %swap3A_370, %swap3A_371] {strides = array<i32>} : memref<3x2x200x64xf32, #tpu.memory_space<vmem>>, vector<1x1x1x16xf32>,
      %swap3A_373 = vector.shape_cast %swap3A_372 : vector<1x1x1x16xf32> to vector<16xf32>
      %swap3A_374 = vector.shape_cast %get3A_365 : vector<16xf32> to vector<1x1x1x16xf32>
      tpu.vector_store %arg8[%swap3A_368, %swap3A_369, %swap3A_370, %swap3A_371], %swap3A_374 {add = true, strides = array<i32>} : memref<3x2x200x64xf32, #tpu.memory_space<vmem>>, vector<1x1x1x16xf32>,
      %get3A_375 = arith.index_cast %add3A_348 : i32 to index
      %get3A_376 = arith.constant 32 : index
      %get3A_377 = tpu.vector_load %arg7[%get3A_375, %get3A_376] {strides = array<i32>} : memref<200x64xf32, #tpu.memory_space<vmem>>, vector<1x16xf32>,
      %get3A_378 = vector.shape_cast %get3A_377 : vector<1x16xf32> to vector<16xf32>
      %swap3A_379 = arith.constant 0 : i32
      %swap3A_380 = arith.constant 0 : i32
      %swap3A_381 = arith.index_cast %swap3A_379 : i32 to index
      %swap3A_382 = arith.index_cast %swap3A_380 : i32 to index
      %swap3A_383 = arith.index_cast %add3A_348 : i32 to index
      %swap3A_384 = arith.constant 32 : index
      %swap3A_385 = tpu.vector_load %arg8[%swap3A_381, %swap3A_382, %swap3A_383, %swap3A_384] {strides = array<i32>} : memref<3x2x200x64xf32, #tpu.memory_space<vmem>>, vector<1x1x1x16xf32>,
      %swap3A_386 = vector.shape_cast %swap3A_385 : vector<1x1x1x16xf32> to vector<16xf32>
      %swap3A_387 = vector.shape_cast %get3A_378 : vector<16xf32> to vector<1x1x1x16xf32>
      tpu.vector_store %arg8[%swap3A_381, %swap3A_382, %swap3A_383, %swap3A_384], %swap3A_387 {add = true, strides = array<i32>} : memref<3x2x200x64xf32, #tpu.memory_space<vmem>>, vector<1x1x1x16xf32>,
      %get3A_388 = arith.index_cast %add3A_348 : i32 to index
      %get3A_389 = arith.constant 48 : index
      %get3A_390 = tpu.vector_load %arg7[%get3A_388, %get3A_389] {strides = array<i32>} : memref<200x64xf32, #tpu.memory_space<vmem>>, vector<1x16xf32>,
      %get3A_391 = vector.shape_cast %get3A_390 : vector<1x16xf32> to vector<16xf32>
      %swap3A_392 = arith.constant 0 : i32
      %swap3A_393 = arith.constant 0 : i32
      %swap3A_394 = arith.index_cast %swap3A_392 : i32 to index
      %swap3A_395 = arith.index_cast %swap3A_393 : i32 to index
      %swap3A_396 = arith.index_cast %add3A_348 : i32 to index
      %swap3A_397 = arith.constant 48 : index
      %swap3A_398 = tpu.vector_load %arg8[%swap3A_394, %swap3A_395, %swap3A_396, %swap3A_397] {strides = array<i32>} : memref<3x2x200x64xf32, #tpu.memory_space<vmem>>, vector<1x1x1x16xf32>,
      %swap3A_399 = vector.shape_cast %swap3A_398 : vector<1x1x1x16xf32> to vector<16xf32>
      %swap3A_400 = vector.shape_cast %get3A_391 : vector<16xf32> to vector<1x1x1x16xf32>
      tpu.vector_store %arg8[%swap3A_394, %swap3A_395, %swap3A_396, %swap3A_397], %swap3A_400 {add = true, strides = array<i32>} : memref<3x2x200x64xf32, #tpu.memory_space<vmem>>, vector<1x1x1x16xf32>,
      %scan3A_401 = arith.constant 3 : i32
      %scan3A_402 = arith.addi %scan3A_230, %scan3A_401 : i32
      %mul3A_403 = arith.constant 1 : i32
      %mul3A_404 = arith.muli %scan3A_402, %mul3A_403 : i32
      %add3A_405 = arith.constant 0 : i32
      %add3A_406 = arith.addi %add3A_405, %mul3A_404 : i32
      %get3A_407 = arith.index_cast %add3A_406 : i32 to index
      %get3A_408 = arith.constant 0 : index
      %get3A_409 = tpu.vector_load %arg7[%get3A_407, %get3A_408] {strides = array<i32>} : memref<200x64xf32, #tpu.memory_space<vmem>>, vector<1x16xf32>,
      %get3A_410 = vector.shape_cast %get3A_409 : vector<1x16xf32> to vector<16xf32>
      %swap3A_411 = arith.constant 0 : i32
      %swap3A_412 = arith.constant 0 : i32
      %swap3A_413 = arith.index_cast %swap3A_411 : i32 to index
      %swap3A_414 = arith.index_cast %swap3A_412 : i32 to index
      %swap3A_415 = arith.index_cast %add3A_406 : i32 to index
      %swap3A_416 = arith.constant 0 : index
      %swap3A_417 = tpu.vector_load %arg8[%swap3A_413, %swap3A_414, %swap3A_415, %swap3A_416] {strides = array<i32>} : memref<3x2x200x64xf32, #tpu.memory_space<vmem>>, vector<1x1x1x16xf32>,
      %swap3A_418 = vector.shape_cast %swap3A_417 : vector<1x1x1x16xf32> to vector<16xf32>
      %swap3A_419 = vector.shape_cast %get3A_410 : vector<16xf32> to vector<1x1x1x16xf32>
      tpu.vector_store %arg8[%swap3A_413, %swap3A_414, %swap3A_415, %swap3A_416], %swap3A_419 {add = true, strides = array<i32>} : memref<3x2x200x64xf32, #tpu.memory_space<vmem>>, vector<1x1x1x16xf32>,
      %get3A_420 = arith.index_cast %add3A_406 : i32 to index
      %get3A_421 = arith.constant 16 : index
      %get3A_422 = tpu.vector_load %arg7[%get3A_420, %get3A_421] {strides = array<i32>} : memref<200x64xf32, #tpu.memory_space<vmem>>, vector<1x16xf32>,
      %get3A_423 = vector.shape_cast %get3A_422 : vector<1x16xf32> to vector<16xf32>
      %swap3A_424 = arith.constant 0 : i32
      %swap3A_425 = arith.constant 0 : i32
      %swap3A_426 = arith.index_cast %swap3A_424 : i32 to index
      %swap3A_427 = arith.index_cast %swap3A_425 : i32 to index
      %swap3A_428 = arith.index_cast %add3A_406 : i32 to index
      %swap3A_429 = arith.constant 16 : index
      %swap3A_430 = tpu.vector_load %arg8[%swap3A_426, %swap3A_427, %swap3A_428, %swap3A_429] {strides = array<i32>} : memref<3x2x200x64xf32, #tpu.memory_space<vmem>>, vector<1x1x1x16xf32>,
      %swap3A_431 = vector.shape_cast %swap3A_430 : vector<1x1x1x16xf32> to vector<16xf32>
      %swap3A_432 = vector.shape_cast %get3A_423 : vector<16xf32> to vector<1x1x1x16xf32>
      tpu.vector_store %arg8[%swap3A_426, %swap3A_427, %swap3A_428, %swap3A_429], %swap3A_432 {add = true, strides = array<i32>} : memref<3x2x200x64xf32, #tpu.memory_space<vmem>>, vector<1x1x1x16xf32>,
      %get3A_433 = arith.index_cast %add3A_406 : i32 to index
      %get3A_434 = arith.constant 32 : index
      %get3A_435 = tpu.vector_load %arg7[%get3A_433, %get3A_434] {strides = array<i32>} : memref<200x64xf32, #tpu.memory_space<vmem>>, vector<1x16xf32>,
      %get3A_436 = vector.shape_cast %get3A_435 : vector<1x16xf32> to vector<16xf32>
      %swap3A_437 = arith.constant 0 : i32
      %swap3A_438 = arith.constant 0 : i32
      %swap3A_439 = arith.index_cast %swap3A_437 : i32 to index
      %swap3A_440 = arith.index_cast %swap3A_438 : i32 to index
      %swap3A_441 = arith.index_cast %add3A_406 : i32 to index
      %swap3A_442 = arith.constant 32 : index
      %swap3A_443 = tpu.vector_load %arg8[%swap3A_439, %swap3A_440, %swap3A_441, %swap3A_442] {strides = array<i32>} : memref<3x2x200x64xf32, #tpu.memory_space<vmem>>, vector<1x1x1x16xf32>,
      %swap3A_444 = vector.shape_cast %swap3A_443 : vector<1x1x1x16xf32> to vector<16xf32>
      %swap3A_445 = vector.shape_cast %get3A_436 : vector<16xf32> to vector<1x1x1x16xf32>
      tpu.vector_store %arg8[%swap3A_439, %swap3A_440, %swap3A_441, %swap3A_442], %swap3A_445 {add = true, strides = array<i32>} : memref<3x2x200x64xf32, #tpu.memory_space<vmem>>, vector<1x1x1x16xf32>,
      %get3A_446 = arith.index_cast %add3A_406 : i32 to index
      %get3A_447 = arith.constant 48 : index
      %get3A_448 = tpu.vector_load %arg7[%get3A_446, %get3A_447] {strides = array<i32>} : memref<200x64xf32, #tpu.memory_space<vmem>>, vector<1x16xf32>,
      %get3A_449 = vector.shape_cast %get3A_448 : vector<1x16xf32> to vector<16xf32>
      %swap3A_450 = arith.constant 0 : i32
      %swap3A_451 = arith.constant 0 : i32
      %swap3A_452 = arith.index_cast %swap3A_450 : i32 to index
      %swap3A_453 = arith.index_cast %swap3A_451 : i32 to index
      %swap3A_454 = arith.index_cast %add3A_406 : i32 to index
      %swap3A_455 = arith.constant 48 : index
      %swap3A_456 = tpu.vector_load %arg8[%swap3A_452, %swap3A_453, %swap3A_454, %swap3A_455] {strides = array<i32>} : memref<3x2x200x64xf32, #tpu.memory_space<vmem>>, vector<1x1x1x16xf32>,
      %swap3A_457 = vector.shape_cast %swap3A_456 : vector<1x1x1x16xf32> to vector<16xf32>
      %swap3A_458 = vector.shape_cast %get3A_449 : vector<16xf32> to vector<1x1x1x16xf32>
      tpu.vector_store %arg8[%swap3A_452, %swap3A_453, %swap3A_454, %swap3A_455], %swap3A_458 {add = true, strides = array<i32>} : memref<3x2x200x64xf32, #tpu.memory_space<vmem>>, vector<1x1x1x16xf32>,
    }
    %scan3A_145 = arith.constant 200 : i32
    %scan3A_146 = arith.constant 0 : i32
    %scan3A_147 = arith.constant 200 : i32
    %scan3A_148 = arith.addi %scan3A_146, %scan3A_147 : i32
    %scan3A_149 = arith.constant 4 : i32
    scf.for %scan3A_230 = %scan3A_146 to %scan3A_148 step %scan3A_149  : i32 {
      %mul3A_231 = arith.constant 1 : i32
      %mul3A_232 = arith.muli %scan3A_230, %mul3A_231 : i32
      %add3A_233 = arith.constant 0 : i32
      %add3A_234 = arith.addi %add3A_233, %mul3A_232 : i32
      %get3A = arith.index_cast %add3A_234 : i32 to index
      %get3A_235 = arith.constant 0 : index
      %get3A_236 = tpu.vector_load %arg7[%get3A, %get3A_235] {strides = array<i32>} : memref<200x64xf32, #tpu.memory_space<vmem>>, vector<1x16xf32>,
      %get3A_237 = vector.shape_cast %get3A_236 : vector<1x16xf32> to vector<16xf32>
      %swap3A = arith.constant 0 : i32
      %swap3A_238 = arith.constant 1 : i32
      %swap3A_239 = arith.index_cast %swap3A : i32 to index
      %swap3A_240 = arith.index_cast %swap3A_238 : i32 to index
      %swap3A_241 = arith.index_cast %add3A_234 : i32 to index
      %swap3A_242 = arith.constant 0 : index
      %swap3A_243 = tpu.vector_load %arg8[%swap3A_239, %swap3A_240, %swap3A_241, %swap3A_242] {strides = array<i32>} : memref<3x2x200x64xf32, #tpu.memory_space<vmem>>, vector<1x1x1x16xf32>,
      %swap3A_244 = vector.shape_cast %swap3A_243 : vector<1x1x1x16xf32> to vector<16xf32>
      %swap3A_245 = vector.shape_cast %get3A_237 : vector<16xf32> to vector<1x1x1x16xf32>
      tpu.vector_store %arg8[%swap3A_239, %swap3A_240, %swap3A_241, %swap3A_242], %swap3A_245 {add = true, strides = array<i32>} : memref<3x2x200x64xf32, #tpu.memory_space<vmem>>, vector<1x1x1x16xf32>,
      %get3A_246 = arith.index_cast %add3A_234 : i32 to index
      %get3A_247 = arith.constant 16 : index
      %get3A_248 = tpu.vector_load %arg7[%get3A_246, %get3A_247] {strides = array<i32>} : memref<200x64xf32, #tpu.memory_space<vmem>>, vector<1x16xf32>,
      %get3A_249 = vector.shape_cast %get3A_248 : vector<1x16xf32> to vector<16xf32>
      %swap3A_250 = arith.constant 0 : i32
      %swap3A_251 = arith.constant 1 : i32
      %swap3A_252 = arith.index_cast %swap3A_250 : i32 to index
      %swap3A_253 = arith.index_cast %swap3A_251 : i32 to index
      %swap3A_254 = arith.index_cast %add3A_234 : i32 to index
      %swap3A_255 = arith.constant 16 : index
      %swap3A_256 = tpu.vector_load %arg8[%swap3A_252, %swap3A_253, %swap3A_254, %swap3A_255] {strides = array<i32>} : memref<3x2x200x64xf32, #tpu.memory_space<vmem>>, vector<1x1x1x16xf32>,
      %swap3A_257 = vector.shape_cast %swap3A_256 : vector<1x1x1x16xf32> to vector<16xf32>
      %swap3A_258 = vector.shape_cast %get3A_249 : vector<16xf32> to vector<1x1x1x16xf32>
      tpu.vector_store %arg8[%swap3A_252, %swap3A_253, %swap3A_254, %swap3A_255], %swap3A_258 {add = true, strides = array<i32>} : memref<3x2x200x64xf32, #tpu.memory_space<vmem>>, vector<1x1x1x16xf32>,
      %get3A_259 = arith.index_cast %add3A_234 : i32 to index
      %get3A_260 = arith.constant 32 : index
      %get3A_261 = tpu.vector_load %arg7[%get3A_259, %get3A_260] {strides = array<i32>} : memref<200x64xf32, #tpu.memory_space<vmem>>, vector<1x16xf32>,
      %get3A_262 = vector.shape_cast %get3A_261 : vector<1x16xf32> to vector<16xf32>
      %swap3A_263 = arith.constant 0 : i32
      %swap3A_264 = arith.constant 1 : i32
      %swap3A_265 = arith.index_cast %swap3A_263 : i32 to index
      %swap3A_266 = arith.index_cast %swap3A_264 : i32 to index
      %swap3A_267 = arith.index_cast %add3A_234 : i32 to index
      %swap3A_268 = arith.constant 32 : index
      %swap3A_269 = tpu.vector_load %arg8[%swap3A_265, %swap3A_266, %swap3A_267, %swap3A_268] {strides = array<i32>} : memref<3x2x200x64xf32, #tpu.memory_space<vmem>>, vector<1x1x1x16xf32>,
      %swap3A_270 = vector.shape_cast %swap3A_269 : vector<1x1x1x16xf32> to vector<16xf32>
      %swap3A_271 = vector.shape_cast %get3A_262 : vector<16xf32> to vector<1x1x1x16xf32>
      tpu.vector_store %arg8[%swap3A_265, %swap3A_266, %swap3A_267, %swap3A_268], %swap3A_271 {add = true, strides = array<i32>} : memref<3x2x200x64xf32, #tpu.memory_space<vmem>>, vector<1x1x1x16xf32>,
      %get3A_272 = arith.index_cast %add3A_234 : i32 to index
      %get3A_273 = arith.constant 48 : index
      %get3A_274 = tpu.vector_load %arg7[%get3A_272, %get3A_273] {strides = array<i32>} : memref<200x64xf32, #tpu.memory_space<vmem>>, vector<1x16xf32>,
      %get3A_275 = vector.shape_cast %get3A_274 : vector<1x16xf32> to vector<16xf32>
      %swap3A_276 = arith.constant 0 : i32
      %swap3A_277 = arith.constant 1 : i32
      %swap3A_278 = arith.index_cast %swap3A_276 : i32 to index
      %swap3A_279 = arith.index_cast %swap3A_277 : i32 to index
      %swap3A_280 = arith.index_cast %add3A_234 : i32 to index
      %swap3A_281 = arith.constant 48 : index
      %swap3A_282 = tpu.vector_load %arg8[%swap3A_278, %swap3A_279, %swap3A_280, %swap3A_281] {strides = array<i32>} : memref<3x2x200x64xf32, #tpu.memory_space<vmem>>, vector<1x1x1x16xf32>,
      %swap3A_283 = vector.shape_cast %swap3A_282 : vector<1x1x1x16xf32> to vector<16xf32>
      %swap3A_284 = vector.shape_cast %get3A_275 : vector<16xf32> to vector<1x1x1x16xf32>
      tpu.vector_store %arg8[%swap3A_278, %swap3A_279, %swap3A_280, %swap3A_281], %swap3A_284 {add = true, strides = array<i32>} : memref<3x2x200x64xf32, #tpu.memory_space<vmem>>, vector<1x1x1x16xf32>,
      %scan3A_285 = arith.constant 1 : i32
      %scan3A_286 = arith.addi %scan3A_230, %scan3A_285 : i32
      %mul3A_287 = arith.constant 1 : i32
      %mul3A_288 = arith.muli %scan3A_286, %mul3A_287 : i32
      %add3A_289 = arith.constant 0 : i32
      %add3A_290 = arith.addi %add3A_289, %mul3A_288 : i32
      %get3A_291 = arith.index_cast %add3A_290 : i32 to index
      %get3A_292 = arith.constant 0 : index
      %get3A_293 = tpu.vector_load %arg7[%get3A_291, %get3A_292] {strides = array<i32>} : memref<200x64xf32, #tpu.memory_space<vmem>>, vector<1x16xf32>,
      %get3A_294 = vector.shape_cast %get3A_293 : vector<1x16xf32> to vector<16xf32>
      %swap3A_295 = arith.constant 0 : i32
      %swap3A_296 = arith.constant 1 : i32
      %swap3A_297 = arith.index_cast %swap3A_295 : i32 to index
      %swap3A_298 = arith.index_cast %swap3A_296 : i32 to index
      %swap3A_299 = arith.index_cast %add3A_290 : i32 to index
      %swap3A_300 = arith.constant 0 : index
      %swap3A_301 = tpu.vector_load %arg8[%swap3A_297, %swap3A_298, %swap3A_299, %swap3A_300] {strides = array<i32>} : memref<3x2x200x64xf32, #tpu.memory_space<vmem>>, vector<1x1x1x16xf32>,
      %swap3A_302 = vector.shape_cast %swap3A_301 : vector<1x1x1x16xf32> to vector<16xf32>
      %swap3A_303 = vector.shape_cast %get3A_294 : vector<16xf32> to vector<1x1x1x16xf32>
      tpu.vector_store %arg8[%swap3A_297, %swap3A_298, %swap3A_299, %swap3A_300], %swap3A_303 {add = true, strides = array<i32>} : memref<3x2x200x64xf32, #tpu.memory_space<vmem>>, vector<1x1x1x16xf32>,
      %get3A_304 = arith.index_cast %add3A_290 : i32 to index
      %get3A_305 = arith.constant 16 : index
      %get3A_306 = tpu.vector_load %arg7[%get3A_304, %get3A_305] {strides = array<i32>} : memref<200x64xf32, #tpu.memory_space<vmem>>, vector<1x16xf32>,
      %get3A_307 = vector.shape_cast %get3A_306 : vector<1x16xf32> to vector<16xf32>
      %swap3A_308 = arith.constant 0 : i32
      %swap3A_309 = arith.constant 1 : i32
      %swap3A_310 = arith.index_cast %swap3A_308 : i32 to index
      %swap3A_311 = arith.index_cast %swap3A_309 : i32 to index
      %swap3A_312 = arith.index_cast %add3A_290 : i32 to index
      %swap3A_313 = arith.constant 16 : index
      %swap3A_314 = tpu.vector_load %arg8[%swap3A_310, %swap3A_311, %swap3A_312, %swap3A_313] {strides = array<i32>} : memref<3x2x200x64xf32, #tpu.memory_space<vmem>>, vector<1x1x1x16xf32>,
      %swap3A_315 = vector.shape_cast %swap3A_314 : vector<1x1x1x16xf32> to vector<16xf32>
      %swap3A_316 = vector.shape_cast %get3A_307 : vector<16xf32> to vector<1x1x1x16xf32>
      tpu.vector_store %arg8[%swap3A_310, %swap3A_311, %swap3A_312, %swap3A_313], %swap3A_316 {add = true, strides = array<i32>} : memref<3x2x200x64xf32, #tpu.memory_space<vmem>>, vector<1x1x1x16xf32>,
      %get3A_317 = arith.index_cast %add3A_290 : i32 to index
      %get3A_318 = arith.constant 32 : index
      %get3A_319 = tpu.vector_load %arg7[%get3A_317, %get3A_318] {strides = array<i32>} : memref<200x64xf32, #tpu.memory_space<vmem>>, vector<1x16xf32>,
      %get3A_320 = vector.shape_cast %get3A_319 : vector<1x16xf32> to vector<16xf32>
      %swap3A_321 = arith.constant 0 : i32
      %swap3A_322 = arith.constant 1 : i32
      %swap3A_323 = arith.index_cast %swap3A_321 : i32 to index
      %swap3A_324 = arith.index_cast %swap3A_322 : i32 to index
      %swap3A_325 = arith.index_cast %add3A_290 : i32 to index
      %swap3A_326 = arith.constant 32 : index
      %swap3A_327 = tpu.vector_load %arg8[%swap3A_323, %swap3A_324, %swap3A_325, %swap3A_326] {strides = array<i32>} : memref<3x2x200x64xf32, #tpu.memory_space<vmem>>, vector<1x1x1x16xf32>,
      %swap3A_328 = vector.shape_cast %swap3A_327 : vector<1x1x1x16xf32> to vector<16xf32>
      %swap3A_329 = vector.shape_cast %get3A_320 : vector<16xf32> to vector<1x1x1x16xf32>
      tpu.vector_store %arg8[%swap3A_323, %swap3A_324, %swap3A_325, %swap3A_326], %swap3A_329 {add = true, strides = array<i32>} : memref<3x2x200x64xf32, #tpu.memory_space<vmem>>, vector<1x1x1x16xf32>,
      %get3A_330 = arith.index_cast %add3A_290 : i32 to index
      %get3A_331 = arith.constant 48 : index
      %get3A_332 = tpu.vector_load %arg7[%get3A_330, %get3A_331] {strides = array<i32>} : memref<200x64xf32, #tpu.memory_space<vmem>>, vector<1x16xf32>,
      %get3A_333 = vector.shape_cast %get3A_332 : vector<1x16xf32> to vector<16xf32>
      %swap3A_334 = arith.constant 0 : i32
      %swap3A_335 = arith.constant 1 : i32
      %swap3A_336 = arith.index_cast %swap3A_334 : i32 to index
      %swap3A_337 = arith.index_cast %swap3A_335 : i32 to index
      %swap3A_338 = arith.index_cast %add3A_290 : i32 to index
      %swap3A_339 = arith.constant 48 : index
      %swap3A_340 = tpu.vector_load %arg8[%swap3A_336, %swap3A_337, %swap3A_338, %swap3A_339] {strides = array<i32>} : memref<3x2x200x64xf32, #tpu.memory_space<vmem>>, vector<1x1x1x16xf32>,
      %swap3A_341 = vector.shape_cast %swap3A_340 : vector<1x1x1x16xf32> to vector<16xf32>
      %swap3A_342 = vector.shape_cast %get3A_333 : vector<16xf32> to vector<1x1x1x16xf32>
      tpu.vector_store %arg8[%swap3A_336, %swap3A_337, %swap3A_338, %swap3A_339], %swap3A_342 {add = true, strides = array<i32>} : memref<3x2x200x64xf32, #tpu.memory_space<vmem>>, vector<1x1x1x16xf32>,
      %scan3A_343 = arith.constant 2 : i32
      %scan3A_344 = arith.addi %scan3A_230, %scan3A_343 : i32
      %mul3A_345 = arith.constant 1 : i32
      %mul3A_346 = arith.muli %scan3A_344, %mul3A_345 : i32
      %add3A_347 = arith.constant 0 : i32
      %add3A_348 = arith.addi %add3A_347, %mul3A_346 : i32
      %get3A_349 = arith.index_cast %add3A_348 : i32 to index
      %get3A_350 = arith.constant 0 : index
      %get3A_351 = tpu.vector_load %arg7[%get3A_349, %get3A_350] {strides = array<i32>} : memref<200x64xf32, #tpu.memory_space<vmem>>, vector<1x16xf32>,
      %get3A_352 = vector.shape_cast %get3A_351 : vector<1x16xf32> to vector<16xf32>
      %swap3A_353 = arith.constant 0 : i32
      %swap3A_354 = arith.constant 1 : i32
      %swap3A_355 = arith.index_cast %swap3A_353 : i32 to index
      %swap3A_356 = arith.index_cast %swap3A_354 : i32 to index
      %swap3A_357 = arith.index_cast %add3A_348 : i32 to index
      %swap3A_358 = arith.constant 0 : index
      %swap3A_359 = tpu.vector_load %arg8[%swap3A_355, %swap3A_356, %swap3A_357, %swap3A_358] {strides = array<i32>} : memref<3x2x200x64xf32, #tpu.memory_space<vmem>>, vector<1x1x1x16xf32>,
      %swap3A_360 = vector.shape_cast %swap3A_359 : vector<1x1x1x16xf32> to vector<16xf32>
      %swap3A_361 = vector.shape_cast %get3A_352 : vector<16xf32> to vector<1x1x1x16xf32>
      tpu.vector_store %arg8[%swap3A_355, %swap3A_356, %swap3A_357, %swap3A_358], %swap3A_361 {add = true, strides = array<i32>} : memref<3x2x200x64xf32, #tpu.memory_space<vmem>>, vector<1x1x1x16xf32>,
      %get3A_362 = arith.index_cast %add3A_348 : i32 to index
      %get3A_363 = arith.constant 16 : index
      %get3A_364 = tpu.vector_load %arg7[%get3A_362, %get3A_363] {strides = array<i32>} : memref<200x64xf32, #tpu.memory_space<vmem>>, vector<1x16xf32>,
      %get3A_365 = vector.shape_cast %get3A_364 : vector<1x16xf32> to vector<16xf32>
      %swap3A_366 = arith.constant 0 : i32
      %swap3A_367 = arith.constant 1 : i32
      %swap3A_368 = arith.index_cast %swap3A_366 : i32 to index
      %swap3A_369 = arith.index_cast %swap3A_367 : i32 to index
      %swap3A_370 = arith.index_cast %add3A_348 : i32 to index
      %swap3A_371 = arith.constant 16 : index
      %swap3A_372 = tpu.vector_load %arg8[%swap3A_368, %swap3A_369, %swap3A_370, %swap3A_371] {strides = array<i32>} : memref<3x2x200x64xf32, #tpu.memory_space<vmem>>, vector<1x1x1x16xf32>,
      %swap3A_373 = vector.shape_cast %swap3A_372 : vector<1x1x1x16xf32> to vector<16xf32>
      %swap3A_374 = vector.shape_cast %get3A_365 : vector<16xf32> to vector<1x1x1x16xf32>
      tpu.vector_store %arg8[%swap3A_368, %swap3A_369, %swap3A_370, %swap3A_371], %swap3A_374 {add = true, strides = array<i32>} : memref<3x2x200x64xf32, #tpu.memory_space<vmem>>, vector<1x1x1x16xf32>,
      %get3A_375 = arith.index_cast %add3A_348 : i32 to index
      %get3A_376 = arith.constant 32 : index
      %get3A_377 = tpu.vector_load %arg7[%get3A_375, %get3A_376] {strides = array<i32>} : memref<200x64xf32, #tpu.memory_space<vmem>>, vector<1x16xf32>,
      %get3A_378 = vector.shape_cast %get3A_377 : vector<1x16xf32> to vector<16xf32>
      %swap3A_379 = arith.constant 0 : i32
      %swap3A_380 = arith.constant 1 : i32
      %swap3A_381 = arith.index_cast %swap3A_379 : i32 to index
      %swap3A_382 = arith.index_cast %swap3A_380 : i32 to index
      %swap3A_383 = arith.index_cast %add3A_348 : i32 to index
      %swap3A_384 = arith.constant 32 : index
      %swap3A_385 = tpu.vector_load %arg8[%swap3A_381, %swap3A_382, %swap3A_383, %swap3A_384] {strides = array<i32>} : memref<3x2x200x64xf32, #tpu.memory_space<vmem>>, vector<1x1x1x16xf32>,
      %swap3A_386 = vector.shape_cast %swap3A_385 : vector<1x1x1x16xf32> to vector<16xf32>
      %swap3A_387 = vector.shape_cast %get3A_378 : vector<16xf32> to vector<1x1x1x16xf32>
      tpu.vector_store %arg8[%swap3A_381, %swap3A_382, %swap3A_383, %swap3A_384], %swap3A_387 {add = true, strides = array<i32>} : memref<3x2x200x64xf32, #tpu.memory_space<vmem>>, vector<1x1x1x16xf32>,
      %get3A_388 = arith.index_cast %add3A_348 : i32 to index
      %get3A_389 = arith.constant 48 : index
      %get3A_390 = tpu.vector_load %arg7[%get3A_388, %get3A_389] {strides = array<i32>} : memref<200x64xf32, #tpu.memory_space<vmem>>, vector<1x16xf32>,
      %get3A_391 = vector.shape_cast %get3A_390 : vector<1x16xf32> to vector<16xf32>
      %swap3A_392 = arith.constant 0 : i32
      %swap3A_393 = arith.constant 1 : i32
      %swap3A_394 = arith.index_cast %swap3A_392 : i32 to index
      %swap3A_395 = arith.index_cast %swap3A_393 : i32 to index
      %swap3A_396 = arith.index_cast %add3A_348 : i32 to index
      %swap3A_397 = arith.constant 48 : index
      %swap3A_398 = tpu.vector_load %arg8[%swap3A_394, %swap3A_395, %swap3A_396, %swap3A_397] {strides = array<i32>} : memref<3x2x200x64xf32, #tpu.memory_space<vmem>>, vector<1x1x1x16xf32>,
      %swap3A_399 = vector.shape_cast %swap3A_398 : vector<1x1x1x16xf32> to vector<16xf32>
      %swap3A_400 = vector.shape_cast %get3A_391 : vector<16xf32> to vector<1x1x1x16xf32>
      tpu.vector_store %arg8[%swap3A_394, %swap3A_395, %swap3A_396, %swap3A_397], %swap3A_400 {add = true, strides = array<i32>} : memref<3x2x200x64xf32, #tpu.memory_space<vmem>>, vector<1x1x1x16xf32>,
      %scan3A_401 = arith.constant 3 : i32
      %scan3A_402 = arith.addi %scan3A_230, %scan3A_401 : i32
      %mul3A_403 = arith.constant 1 : i32
      %mul3A_404 = arith.muli %scan3A_402, %mul3A_403 : i32
      %add3A_405 = arith.constant 0 : i32
      %add3A_406 = arith.addi %add3A_405, %mul3A_404 : i32
      %get3A_407 = arith.index_cast %add3A_406 : i32 to index
      %get3A_408 = arith.constant 0 : index
      %get3A_409 = tpu.vector_load %arg7[%get3A_407, %get3A_408] {strides = array<i32>} : memref<200x64xf32, #tpu.memory_space<vmem>>, vector<1x16xf32>,
      %get3A_410 = vector.shape_cast %get3A_409 : vector<1x16xf32> to vector<16xf32>
      %swap3A_411 = arith.constant 0 : i32
      %swap3A_412 = arith.constant 1 : i32
      %swap3A_413 = arith.index_cast %swap3A_411 : i32 to index
      %swap3A_414 = arith.index_cast %swap3A_412 : i32 to index
      %swap3A_415 = arith.index_cast %add3A_406 : i32 to index
      %swap3A_416 = arith.constant 0 : index
      %swap3A_417 = tpu.vector_load %arg8[%swap3A_413, %swap3A_414, %swap3A_415, %swap3A_416] {strides = array<i32>} : memref<3x2x200x64xf32, #tpu.memory_space<vmem>>, vector<1x1x1x16xf32>,
      %swap3A_418 = vector.shape_cast %swap3A_417 : vector<1x1x1x16xf32> to vector<16xf32>
      %swap3A_419 = vector.shape_cast %get3A_410 : vector<16xf32> to vector<1x1x1x16xf32>
      tpu.vector_store %arg8[%swap3A_413, %swap3A_414, %swap3A_415, %swap3A_416], %swap3A_419 {add = true, strides = array<i32>} : memref<3x2x200x64xf32, #tpu.memory_space<vmem>>, vector<1x1x1x16xf32>,
      %get3A_420 = arith.index_cast %add3A_406 : i32 to index
      %get3A_421 = arith.constant 16 : index
      %get3A_422 = tpu.vector_load %arg7[%get3A_420, %get3A_421] {strides = array<i32>} : memref<200x64xf32, #tpu.memory_space<vmem>>, vector<1x16xf32>,
      %get3A_423 = vector.shape_cast %get3A_422 : vector<1x16xf32> to vector<16xf32>
      %swap3A_424 = arith.constant 0 : i32
      %swap3A_425 = arith.constant 1 : i32
      %swap3A_426 = arith.index_cast %swap3A_424 : i32 to index
      %swap3A_427 = arith.index_cast %swap3A_425 : i32 to index
      %swap3A_428 = arith.index_cast %add3A_406 : i32 to index
      %swap3A_429 = arith.constant 16 : index
      %swap3A_430 = tpu.vector_load %arg8[%swap3A_426, %swap3A_427, %swap3A_428, %swap3A_429] {strides = array<i32>} : memref<3x2x200x64xf32, #tpu.memory_space<vmem>>, vector<1x1x1x16xf32>,
      %swap3A_431 = vector.shape_cast %swap3A_430 : vector<1x1x1x16xf32> to vector<16xf32>
      %swap3A_432 = vector.shape_cast %get3A_423 : vector<16xf32> to vector<1x1x1x16xf32>
      tpu.vector_store %arg8[%swap3A_426, %swap3A_427, %swap3A_428, %swap3A_429], %swap3A_432 {add = true, strides = array<i32>} : memref<3x2x200x64xf32, #tpu.memory_space<vmem>>, vector<1x1x1x16xf32>,
      %get3A_433 = arith.index_cast %add3A_406 : i32 to index
      %get3A_434 = arith.constant 32 : index
      %get3A_435 = tpu.vector_load %arg7[%get3A_433, %get3A_434] {strides = array<i32>} : memref<200x64xf32, #tpu.memory_space<vmem>>, vector<1x16xf32>,
      %get3A_436 = vector.shape_cast %get3A_435 : vector<1x16xf32> to vector<16xf32>
      %swap3A_437 = arith.constant 0 : i32
      %swap3A_438 = arith.constant 1 : i32
      %swap3A_439 = arith.index_cast %swap3A_437 : i32 to index
      %swap3A_440 = arith.index_cast %swap3A_438 : i32 to index
      %swap3A_441 = arith.index_cast %add3A_406 : i32 to index
      %swap3A_442 = arith.constant 32 : index
      %swap3A_443 = tpu.vector_load %arg8[%swap3A_439, %swap3A_440, %swap3A_441, %swap3A_442] {strides = array<i32>} : memref<3x2x200x64xf32, #tpu.memory_space<vmem>>, vector<1x1x1x16xf32>,
      %swap3A_444 = vector.shape_cast %swap3A_443 : vector<1x1x1x16xf32> to vector<16xf32>
      %swap3A_445 = vector.shape_cast %get3A_436 : vector<16xf32> to vector<1x1x1x16xf32>
      tpu.vector_store %arg8[%swap3A_439, %swap3A_440, %swap3A_441, %swap3A_442], %swap3A_445 {add = true, strides = array<i32>} : memref<3x2x200x64xf32, #tpu.memory_space<vmem>>, vector<1x1x1x16xf32>,
      %get3A_446 = arith.index_cast %add3A_406 : i32 to index
      %get3A_447 = arith.constant 48 : index
      %get3A_448 = tpu.vector_load %arg7[%get3A_446, %get3A_447] {strides = array<i32>} : memref<200x64xf32, #tpu.memory_space<vmem>>, vector<1x16xf32>,
      %get3A_449 = vector.shape_cast %get3A_448 : vector<1x16xf32> to vector<16xf32>
      %swap3A_450 = arith.constant 0 : i32
      %swap3A_451 = arith.constant 1 : i32
      %swap3A_452 = arith.index_cast %swap3A_450 : i32 to index
      %swap3A_453 = arith.index_cast %swap3A_451 : i32 to index
      %swap3A_454 = arith.index_cast %add3A_406 : i32 to index
      %swap3A_455 = arith.constant 48 : index
      %swap3A_456 = tpu.vector_load %arg8[%swap3A_452, %swap3A_453, %swap3A_454, %swap3A_455] {strides = array<i32>} : memref<3x2x200x64xf32, #tpu.memory_space<vmem>>, vector<1x1x1x16xf32>,
      %swap3A_457 = vector.shape_cast %swap3A_456 : vector<1x1x1x16xf32> to vector<16xf32>
      %swap3A_458 = vector.shape_cast %get3A_449 : vector<16xf32> to vector<1x1x1x16xf32>
      tpu.vector_store %arg8[%swap3A_452, %swap3A_453, %swap3A_454, %swap3A_455], %swap3A_458 {add = true, strides = array<i32>} : memref<3x2x200x64xf32, #tpu.memory_space<vmem>>, vector<1x1x1x16xf32>,
    }
    %scan3A_150 = arith.constant 200 : i32
    %add3A_151 = arith.constant 126 : i32
    %add3A_152 = arith.addi %mul3A_2, %add3A_151 : i32
    %dma_start3A_153 = arith.constant 0 : i32
    %dma_start3A_154 = arith.constant 0 : i32
    %dma_start3A_155 = arith.constant 0 : i32
    %dma_start3A_156 = arith.constant 0 : i32
    %dma_start3A_157 = tpu.memref_slice %arg8[%dma_start3A_153, %dma_start3A_154, %dma_start3A_155, %dma_start3A_156] : memref<3x2x200x64xf32, #tpu.memory_space<vmem>> -> memref<1x2x200x64xf32, #tpu.memory_space<vmem>>
    %dma_start3A_158 = tpu.memref_squeeze %dma_start3A_157 : memref<1x2x200x64xf32, #tpu.memory_space<vmem>> -> memref<2x200x64xf32, #tpu.memory_space<vmem>>
    %dma_start3A_159 = arith.constant 0 : i32
    %dma_start3A_160 = arith.constant 0 : i32
    %dma_start3A_161 = tpu.memref_slice %arg5[%add3A_152, %dma_start3A_159, %dma_start3A_160] : memref<4096x200x64xf32, #tpu.memory_space<hbm>> -> memref<2x200x64xf32, #tpu.memory_space<hbm>>
    %dma_start3A_162 = arith.constant 0 : i32
    %dma_start3A_163 = arith.constant 0 : i32
    %dma_start3A_164 = tpu.memref_slice %arg5[%add3A_152, %dma_start3A_162, %dma_start3A_163] : memref<4096x200x64xf32, #tpu.memory_space<hbm>> -> memref<2x200x64xf32, #tpu.memory_space<hbm>>
    %dma_start3A_165 = arith.constant 0 : i32
    %dma_start3A_166 = arith.constant 0 : i32
    %dma_start3A_167 = arith.constant 0 : i32
    %dma_start3A_168 = tpu.memref_slice %arg8[%dma_start3A_153, %dma_start3A_165, %dma_start3A_166, %dma_start3A_167] : memref<3x2x200x64xf32, #tpu.memory_space<vmem>> -> memref<1x2x200x64xf32, #tpu.memory_space<vmem>>
    %dma_start3A_169 = tpu.memref_squeeze %dma_start3A_168 : memref<1x2x200x64xf32, #tpu.memory_space<vmem>> -> memref<2x200x64xf32, #tpu.memory_space<vmem>>
    tpu.enqueue_dma source(%dma_start3A_169 : memref<2x200x64xf32, #tpu.memory_space<vmem>>) target(%dma_start3A_164 : memref<2x200x64xf32, #tpu.memory_space<hbm>>) target_semaphore(%arg12 : memref<!tpu.dma_semaphore, #tpu.memory_space<semaphore_mem>>)
    %and3A = arith.constant true
    %and3A_170 = arith.constant false
    %and3A_171 = arith.andi %and3A, %and3A_170 : i1
    %convert_element_type3A = arith.extui %and3A_171 : i1 to i32
    %cond3A = arith.constant 0 : i32
    %cond3A_172 = arith.cmpi ne, %convert_element_type3A, %cond3A : i32
    scf.if %cond3A_172 {
      %dma_wait3A_230 = arith.constant 2 : i32
      %dma_wait3A_231 = arith.constant 0 : i32
      %dma_wait3A_232 = arith.constant 0 : i32
      %dma_wait3A_233 = arith.constant 0 : i32
      %dma_wait3A_234 = tpu.memref_slice %arg8[%dma_wait3A_230, %dma_wait3A_231, %dma_wait3A_232, %dma_wait3A_233] : memref<3x2x200x64xf32, #tpu.memory_space<vmem>> -> memref<1x2x200x64xf32, #tpu.memory_space<vmem>>
      %dma_wait3A_235 = tpu.memref_squeeze %dma_wait3A_234 : memref<1x2x200x64xf32, #tpu.memory_space<vmem>> -> memref<2x200x64xf32, #tpu.memory_space<vmem>>
      %dma_wait3A_236 = arith.constant 0 : i32
      %dma_wait3A_237 = arith.constant 0 : i32
      %dma_wait3A_238 = arith.constant 0 : i32
      %dma_wait3A_239 = tpu.memref_slice %arg5[%dma_wait3A_236, %dma_wait3A_237, %dma_wait3A_238] : memref<4096x200x64xf32, #tpu.memory_space<hbm>> -> memref<2x200x64xf32, #tpu.memory_space<hbm>>
      %dma_wait3A_240 = arith.constant 0 : i32
      %dma_wait3A_241 = arith.constant 0 : i32
      %dma_wait3A_242 = arith.constant 0 : i32
      %dma_wait3A_243 = tpu.memref_slice %arg5[%dma_wait3A_240, %dma_wait3A_241, %dma_wait3A_242] : memref<4096x200x64xf32, #tpu.memory_space<hbm>> -> memref<2x200x64xf32, #tpu.memory_space<hbm>>
      %dma_wait3A_244 = arith.constant 0 : i32
      %dma_wait3A_245 = arith.constant 0 : i32
      %dma_wait3A_246 = arith.constant 0 : i32
      %dma_wait3A_247 = tpu.memref_slice %arg8[%dma_wait3A_230, %dma_wait3A_244, %dma_wait3A_245, %dma_wait3A_246] : memref<3x2x200x64xf32, #tpu.memory_space<vmem>> -> memref<1x2x200x64xf32, #tpu.memory_space<vmem>>
      %dma_wait3A_248 = tpu.memref_squeeze %dma_wait3A_247 : memref<1x2x200x64xf32, #tpu.memory_space<vmem>> -> memref<2x200x64xf32, #tpu.memory_space<vmem>>
      tpu.wait_dma2 semaphore(%arg14 : memref<!tpu.dma_semaphore, #tpu.memory_space<semaphore_mem>>) src(%dma_wait3A_248 : memref<2x200x64xf32, #tpu.memory_space<vmem>>) dst(%dma_wait3A_243 : memref<2x200x64xf32, #tpu.memory_space<hbm>>)
    } else {
    }
    %dma_wait3A_173 = arith.constant 1 : i32
    %dma_wait3A_174 = arith.constant 0 : i32
    %dma_wait3A_175 = arith.constant 0 : i32
    %dma_wait3A_176 = arith.constant 0 : i32
    %dma_wait3A_177 = tpu.memref_slice %arg8[%dma_wait3A_173, %dma_wait3A_174, %dma_wait3A_175, %dma_wait3A_176] : memref<3x2x200x64xf32, #tpu.memory_space<vmem>> -> memref<1x2x200x64xf32, #tpu.memory_space<vmem>>
    %dma_wait3A_178 = tpu.memref_squeeze %dma_wait3A_177 : memref<1x2x200x64xf32, #tpu.memory_space<vmem>> -> memref<2x200x64xf32, #tpu.memory_space<vmem>>
    %dma_wait3A_179 = arith.constant 0 : i32
    %dma_wait3A_180 = arith.constant 0 : i32
    %dma_wait3A_181 = arith.constant 0 : i32
    %dma_wait3A_182 = tpu.memref_slice %arg5[%dma_wait3A_179, %dma_wait3A_180, %dma_wait3A_181] : memref<4096x200x64xf32, #tpu.memory_space<hbm>> -> memref<2x200x64xf32, #tpu.memory_space<hbm>>
    %dma_wait3A_183 = arith.constant 0 : i32
    %dma_wait3A_184 = arith.constant 0 : i32
    %dma_wait3A_185 = arith.constant 0 : i32
    %dma_wait3A_186 = tpu.memref_slice %arg5[%dma_wait3A_183, %dma_wait3A_184, %dma_wait3A_185] : memref<4096x200x64xf32, #tpu.memory_space<hbm>> -> memref<2x200x64xf32, #tpu.memory_space<hbm>>
    %dma_wait3A_187 = arith.constant 0 : i32
    %dma_wait3A_188 = arith.constant 0 : i32
    %dma_wait3A_189 = arith.constant 0 : i32
    %dma_wait3A_190 = tpu.memref_slice %arg8[%dma_wait3A_173, %dma_wait3A_187, %dma_wait3A_188, %dma_wait3A_189] : memref<3x2x200x64xf32, #tpu.memory_space<vmem>> -> memref<1x2x200x64xf32, #tpu.memory_space<vmem>>
    %dma_wait3A_191 = tpu.memref_squeeze %dma_wait3A_190 : memref<1x2x200x64xf32, #tpu.memory_space<vmem>> -> memref<2x200x64xf32, #tpu.memory_space<vmem>>
    tpu.wait_dma2 semaphore(%arg13 : memref<!tpu.dma_semaphore, #tpu.memory_space<semaphore_mem>>) src(%dma_wait3A_191 : memref<2x200x64xf32, #tpu.memory_space<vmem>>) dst(%dma_wait3A_186 : memref<2x200x64xf32, #tpu.memory_space<hbm>>)
    %dma_wait3A_192 = arith.constant 2 : i32
    %dma_wait3A_193 = arith.constant 0 : i32
    %dma_wait3A_194 = arith.constant 0 : i32
    %dma_wait3A_195 = arith.constant 0 : i32
    %dma_wait3A_196 = tpu.memref_slice %arg8[%dma_wait3A_192, %dma_wait3A_193, %dma_wait3A_194, %dma_wait3A_195] : memref<3x2x200x64xf32, #tpu.memory_space<vmem>> -> memref<1x2x200x64xf32, #tpu.memory_space<vmem>>
    %dma_wait3A_197 = tpu.memref_squeeze %dma_wait3A_196 : memref<1x2x200x64xf32, #tpu.memory_space<vmem>> -> memref<2x200x64xf32, #tpu.memory_space<vmem>>
    %dma_wait3A_198 = arith.constant 0 : i32
    %dma_wait3A_199 = arith.constant 0 : i32
    %dma_wait3A_200 = arith.constant 0 : i32
    %dma_wait3A_201 = tpu.memref_slice %arg5[%dma_wait3A_198, %dma_wait3A_199, %dma_wait3A_200] : memref<4096x200x64xf32, #tpu.memory_space<hbm>> -> memref<2x200x64xf32, #tpu.memory_space<hbm>>
    %dma_wait3A_202 = arith.constant 0 : i32
    %dma_wait3A_203 = arith.constant 0 : i32
    %dma_wait3A_204 = arith.constant 0 : i32
    %dma_wait3A_205 = tpu.memref_slice %arg5[%dma_wait3A_202, %dma_wait3A_203, %dma_wait3A_204] : memref<4096x200x64xf32, #tpu.memory_space<hbm>> -> memref<2x200x64xf32, #tpu.memory_space<hbm>>
    %dma_wait3A_206 = arith.constant 0 : i32
    %dma_wait3A_207 = arith.constant 0 : i32
    %dma_wait3A_208 = arith.constant 0 : i32
    %dma_wait3A_209 = tpu.memref_slice %arg8[%dma_wait3A_192, %dma_wait3A_206, %dma_wait3A_207, %dma_wait3A_208] : memref<3x2x200x64xf32, #tpu.memory_space<vmem>> -> memref<1x2x200x64xf32, #tpu.memory_space<vmem>>
    %dma_wait3A_210 = tpu.memref_squeeze %dma_wait3A_209 : memref<1x2x200x64xf32, #tpu.memory_space<vmem>> -> memref<2x200x64xf32, #tpu.memory_space<vmem>>
    tpu.wait_dma2 semaphore(%arg14 : memref<!tpu.dma_semaphore, #tpu.memory_space<semaphore_mem>>) src(%dma_wait3A_210 : memref<2x200x64xf32, #tpu.memory_space<vmem>>) dst(%dma_wait3A_205 : memref<2x200x64xf32, #tpu.memory_space<hbm>>)
    %dma_wait3A_211 = arith.constant 0 : i32
    %dma_wait3A_212 = arith.constant 0 : i32
    %dma_wait3A_213 = arith.constant 0 : i32
    %dma_wait3A_214 = arith.constant 0 : i32
    %dma_wait3A_215 = tpu.memref_slice %arg8[%dma_wait3A_211, %dma_wait3A_212, %dma_wait3A_213, %dma_wait3A_214] : memref<3x2x200x64xf32, #tpu.memory_space<vmem>> -> memref<1x2x200x64xf32, #tpu.memory_space<vmem>>
    %dma_wait3A_216 = tpu.memref_squeeze %dma_wait3A_215 : memref<1x2x200x64xf32, #tpu.memory_space<vmem>> -> memref<2x200x64xf32, #tpu.memory_space<vmem>>
    %dma_wait3A_217 = arith.constant 0 : i32
    %dma_wait3A_218 = arith.constant 0 : i32
    %dma_wait3A_219 = arith.constant 0 : i32
    %dma_wait3A_220 = tpu.memref_slice %arg5[%dma_wait3A_217, %dma_wait3A_218, %dma_wait3A_219] : memref<4096x200x64xf32, #tpu.memory_space<hbm>> -> memref<2x200x64xf32, #tpu.memory_space<hbm>>
    %dma_wait3A_221 = arith.constant 0 : i32
    %dma_wait3A_222 = arith.constant 0 : i32
    %dma_wait3A_223 = arith.constant 0 : i32
    %dma_wait3A_224 = tpu.memref_slice %arg5[%dma_wait3A_221, %dma_wait3A_222, %dma_wait3A_223] : memref<4096x200x64xf32, #tpu.memory_space<hbm>> -> memref<2x200x64xf32, #tpu.memory_space<hbm>>
    %dma_wait3A_225 = arith.constant 0 : i32
    %dma_wait3A_226 = arith.constant 0 : i32
    %dma_wait3A_227 = arith.constant 0 : i32
    %dma_wait3A_228 = tpu.memref_slice %arg8[%dma_wait3A_211, %dma_wait3A_225, %dma_wait3A_226, %dma_wait3A_227] : memref<3x2x200x64xf32, #tpu.memory_space<vmem>> -> memref<1x2x200x64xf32, #tpu.memory_space<vmem>>
    %dma_wait3A_229 = tpu.memref_squeeze %dma_wait3A_228 : memref<1x2x200x64xf32, #tpu.memory_space<vmem>> -> memref<2x200x64xf32, #tpu.memory_space<vmem>>
    tpu.wait_dma2 semaphore(%arg12 : memref<!tpu.dma_semaphore, #tpu.memory_space<semaphore_mem>>) src(%dma_wait3A_229 : memref<2x200x64xf32, #tpu.memory_space<vmem>>) dst(%dma_wait3A_224 : memref<2x200x64xf32, #tpu.memory_space<hbm>>)
    return
  }
}

</mosaic_0001>

<sc_bundles>
// kernel: kernel.3.cloned.1.call-start
scs
__scs_entry_jumppad:
0x0: {  	(pc) =	sbr.rel $0x88, $3  }
0x1: {  	(tag) =	ssettag $0x0;
	lr =	simm.s32 $0x1  }
0x2: {  	[smem:$0x3F9E] =	sst lr;
	_ =	strace $0xD0000000  }
0x3: {  	_ = 	snop  }
0x4: {  	_ = 	snop  }
0x5: {  	_ = 	snop  }
0x6: {  	_ = 	snop  }
0x7: {  	_ = 	snop  }
__scs_overlays_trampoline_lowered:
0x8: {  	[smem:$0x3FAD] =	sst s0  }
0x9: {  	[smem:$0x3FAE] =	sst s1  }
0xa: {  	[smem:$0x3FAF] =	sst s2  }
0xb: {  	[smem:$0x3FB0] =	sst s3  }
0xc: {  	[smem:$0x3FB1] =	sst s4  }
0xd: {  	[smem:$0x3FB2] =	sst s5  }
0xe: {  	[smem:$0x3FB3] =	sst s6  }
0xf: {  	[smem:$0x3FB4] =	sst s7  }
0x10: {  	[smem:$0x3FB5] =	sst s8  }
0x11: {  	[smem:$0x3FB6] =	sst s9;
	s0 =	simm.s32 @!p0 $0x0  }
0x12: {  	s1 =	sld [smem:$0x3F9C];
	s0 =	simm.s32 @p0 $0x1  }
0x13: {  	[smem:$0x3FB7] =	sst s0;
	s0 =	simm.s32 @!p1 $0x0  }
0x14: {  	s2 =	sld [smem:$0x3F9B];
	s0 =	simm.s32 @p1 $0x1  }
0x15: {  	[smem:$0x3FB8] =	sst s0;
	s0 =	simm.s32 @!p2 $0x0  }
0x16: {  	s3 =	sld [smem:$0x3FDB];
	s0 =	simm.s32 @p2 $0x1  }
0x17: {  	s4 =	simm.s32 $0x1BF5;
	[smem:$0x3FBA] =	sst s0  }
0x18: {  	s0 =	sld [smem:$0x3F9D];
	_ =	swait.ge [sflag:s4], $0x0  }
0x19: {  	s7 =	sld [smem:$0x3F9E]  }
0x1a: {  	s8 =	sadd.s32 $0xFFFFE003, lr  }
0x1b: {  	s9 =	sadd.s32 $0xFFFFFEF7, lr;
	s5 =	simm.s32 $0xFFFFFFFF;
	p2 =	slt.u32 s8, $0xFFFFF086  }
0x1c: {  	p1 =	slt.u32 s9, $0xF7A;
	s5 =	simm.s32 @!p2 $0x0  }
0x1d: {  	s5 =	simm.s32 @p1 $0x1;
	p0 =	seq.s32 s7, s2  }
0x1e: {  	s7 =	smul.u32 @!p0 $0xF7A, s2;
	p2 =	seq.s32 @!p0 s5, $0x0  }
0x1f: {  	s9 =	smul.u32 $0xF7A, s1;
	s8 =	simm.s32 @!p0 $0x1BF5;
	p2 =	por !p2, p0  }
0x20: {  	[sflag:s8] =	ssyncset.s32 @!p0 $0xFFFFF086;
	s6 =	sadd.s32 @!p0 s3, s7;
	s7 =	simm.s32 @!p0 $0x108  }
0x21: {  	s3 =	sadd.s32 s3, s9;
	s6 =	sadd.s32 @!p0 $0x88, s6;
	s7 =	simm.s32 @p2 $0x1082  }
0x22: {  	[simem:s7], [sflag:s8] =	dma.local @!p0 [hbm:s6], $0xF7A  }
0x23: {  	s9 =	sor.u32 $0xD0000000, s2;
	s6 =	simm.s32 $0x108;
	_ =	swait.ge @!p0 [sflag:s8], $0x0  }
0x24: {  	s3 =	sadd.s32 $0x88, s3;
	s6 =	simm.s32 @!p1 $0x1082;
	[sflag:s4] =	ssyncset.s32 $0xFFFFF086  }
0x25: {  	[simem:s6], [sflag:s4] =	dma.local [hbm:s3], $0xF7A  }
0x26: {  	[smem:$0x3F9E] =	sst s1;
	(tag) =	ssettag s2;
	_ =	strace s9  }
0x27: {  	s1 =	sld [smem:$0x3FAE]  }
0x28: {  	s2 =	sld [smem:$0x3FAF]  }
0x29: {  	s4 =	sld [smem:$0x3FB1]  }
0x2a: {  	p0 =	seq.s32 s5, $0x0;
	s5 =	sld [smem:$0x3FB2]  }
0x2b: {  	s6 =	sld [smem:$0x3FB3]  }
0x2c: {  	s7 =	sld [smem:$0x3FB4]  }
0x2d: {  	s3 =	simm.s32 $0x108;
	s8 =	sld [smem:$0x3FB5]  }
0x2e: {  	s3 =	simm.s32 @!p0 $0x1082;
	s9 =	sld [smem:$0x3FB6]  }
0x2f: {  	lr =	sadd.s32 s0, s3;
	s0 =	sld [smem:$0x3FAD]  }
0x30: {  	s3 =	sld [smem:$0x3FB0]  }
0x31: {  	[smem:$0x3FB9] =	sst s10  }
0x32: {  	s10 =	sld [smem:$0x3FB7];
	_ =	sdelay $0x3  }
0x33: {  	p0 =	seq.s32 s10, $0x1;
	s10 =	sld [smem:$0x3FB9];
	_ =	sdelay $0x3  }
0x34: {  	[smem:$0x3FB9] =	sst s10  }
0x35: {  	s10 =	sld [smem:$0x3FB8];
	_ =	sdelay $0x3  }
0x36: {  	p1 =	seq.s32 s10, $0x1;
	s10 =	sld [smem:$0x3FB9];
	_ =	sdelay $0x3  }
0x37: {  	[smem:$0x3FB9] =	sst s10  }
0x38: {  	s10 =	sld [smem:$0x3FBA]  }
0x39: {  	_ = 	snop;
	(pc) =	sbr.ind lr, $3  }
0x3a: {  	_ = 	snop  }
0x3b: {  	_ = 	snop  }
0x3c: {  	p2 =	seq.s32 s10, $0x1;
	s10 =	sld [smem:$0x3FB9]  }
0x3d: {  	_ =	shalt  }
0x3e: {  	_ =	shalt  }
0x3f: {  	_ =	shalt  }
0x40: {  	_ =	shalt  }
0x41: {  	_ =	shalt  }
0x42: {  	_ =	shalt  }
0x43: {  	_ =	shalt  }
0x44: {  	_ =	shalt  }
0x45: {  	_ =	shalt  }
0x46: {  	_ =	shalt  }
0x47: {  	_ =	shalt  }
0x48: {  	_ =	shalt  }
0x49: {  	_ =	shalt  }
0x4a: {  	_ =	shalt  }
0x4b: {  	_ =	shalt  }
0x4c: {  	_ =	shalt  }
0x4d: {  	_ =	shalt  }
0x4e: {  	_ =	shalt  }
0x4f: {  	_ =	shalt  }
0x50: {  	_ =	shalt  }
0x51: {  	_ =	shalt  }
0x52: {  	_ =	shalt  }
0x53: {  	_ =	shalt  }
0x54: {  	_ =	shalt  }
0x55: {  	_ =	shalt  }
0x56: {  	_ =	shalt  }
0x57: {  	_ =	shalt  }
0x58: {  	_ =	shalt  }
0x59: {  	_ =	shalt  }
0x5a: {  	_ =	shalt  }
0x5b: {  	_ =	shalt  }
0x5c: {  	_ =	shalt  }
0x5d: {  	_ =	shalt  }
0x5e: {  	_ =	shalt  }
0x5f: {  	_ =	shalt  }
0x60: {  	_ =	shalt  }
0x61: {  	_ =	shalt  }
0x62: {  	_ =	shalt  }
0x63: {  	_ =	shalt  }
0x64: {  	_ =	shalt  }
0x65: {  	_ =	shalt  }
0x66: {  	_ =	shalt  }
0x67: {  	_ =	shalt  }
0x68: {  	_ =	shalt  }
0x69: {  	_ =	shalt  }
0x6a: {  	_ =	shalt  }
0x6b: {  	_ =	shalt  }
0x6c: {  	_ =	shalt  }
0x6d: {  	_ =	shalt  }
0x6e: {  	_ =	shalt  }
0x6f: {  	_ =	shalt  }
0x70: {  	_ =	shalt  }
0x71: {  	_ =	shalt  }
0x72: {  	_ =	shalt  }
0x73: {  	_ =	shalt  }
0x74: {  	_ =	shalt  }
0x75: {  	_ =	shalt  }
0x76: {  	_ =	shalt  }
0x77: {  	_ =	shalt  }
0x78: {  	_ =	shalt  }
0x79: {  	_ =	shalt  }
0x7a: {  	_ =	shalt  }
0x7b: {  	_ =	shalt  }
0x7c: {  	_ =	shalt  }
0x7d: {  	_ =	shalt  }
0x7e: {  	_ =	shalt  }
0x7f: {  	_ =	shalt  }
0x80: {  	_ =	shalt  }
0x81: {  	_ =	shalt  }
0x82: {  	_ =	shalt  }
0x83: {  	_ =	shalt  }
0x84: {  	_ =	shalt  }
0x85: {  	_ =	shalt  }
0x86: {  	_ =	shalt  }
0x87: {  	_ =	shalt  }
.Lfunc_end0:
.L_simem_size_0:
called_computation.1_lowered:
.L_overlay_start_0:
0x88: {  	s2 =	sld [smem:$0x3FD9]  }
0x89: {  	s3 =	sld [smem:$0x3FFE];
	_ =	sdelay $0x1  }
0x8a: {  	s1 =	srdreg.scid  }
0x8b: {  	s0 =	sand.u32 $0x1, s1  }
0x8c: {  	s17 =	sshll.u32 s0, $0xA;
	s2 =	sadd.s32 s3, s2  }
0x8d: {  	s2 =	sadd.s32 s2, s17  }
0x8e: {  	[smem:$0x3FC5] =	sst s2  }
0x8f: {  	_ = 	snop  }
0x90: {  	s2 =	sld [smem:$0x3FD0];
	(tm) =	ssettm $0x1  }
0x91: {  	s18 =	sld [smem:$0x3FFB];
	_ =	sdelay $0x3  }
0x92: {  	_ =	strace s18  }
0x93: {  	s3 =	sld [smem:$0x3FFC];
	_ =	sdelay $0x3  }
0x94: {  	_ =	strace s3  }
0x95: {  	s3 =	sld [smem:$0x3FFD];
	_ =	sdelay $0x3  }
0x96: {  	_ =	strace s3  }
0x97: {  	_ =	strace $0x8FFFFFFF  }
0x98: {  	s19 =	sld [smem:$0x3FDB];
	_ =	sdelay $0x1  }
0x99: {  	s4 =	simm.s32 $_scs_section_size  }
0x9a: {  	s5 =	simm.s32 $_size__tile_overlayer_lowered;
	s6 =	simm.s32 $_tile_overlayer_lowered  }
0x9b: {  	s22 =	simm.s32 $0x1BFF;
	s21 =	sshll.u32 s6, $0x1;
	s3 =	sadd.s32 s4, s19  }
0x9c: {  	s7 =	simm.s32 $0x0;
	s20 =	sshll.u32 s5, $0x1;
	s5 =	sadd.s32 s21, s3  }
0x9d: {  	[timem:s7], [sflag:s22] =	dma.local [hbm:s5], s20  }
0x9e: {  	_ =	swait.ge [sflag:s22], s20  }
0x9f: {  	s4 =	ssub.s32 $0x0, s20;
	[sflag:s22] =	ssyncset.done $0x0  }
0xa0: {  	[sflag:s22] =	ssyncadd.s32 s4;
	_ =	sdelay $0x1  }
0xa1: {  	s23 =	simm.s32 $0x1B8B  }
0xa2: {  	_ =	swait.ge [sflag:s23], $0x1  }
0xa3: {  	[sflag:s23] =	ssyncset.done $0x0  }
0xa4: {  	s25 =	simm.s32 $0x1B8E;
	s24 =	sld [smem:$0x3FFE];
	[sflag:s23] =	ssyncadd.s32 $0xFFFFFFFF  }
0xa5: {  	s26 =	simm.s32 $execute0_lowered;
	[smem:$0x3FD2] =	sst s25  }
0xa6: {  	s5 =	sshll.u32 s26, $0x1;
	_ =	strace $0x80000046;
	[dreg:$0x1] =	wrdreg $0xFFFFFFFF  }
0xa7: {  	s28 =	simm.s32 $_size_execute0_lowered;
	s3 =	sadd.s32 s3, s5;
	[dreg:$0x0] =	wrdreg $0x0  }
0xa8: {  	s5 =	sshll.u32 s28, $0x1;
	[dreg:$0x2] =	wrdreg s3  }
0xa9: {  	[dreg:$0x3] =	wrdreg s5  }
0xaa: {  	[dreg:$0x4] =	wrdreg $0xC0  }
0xab: {  	_ =	task [dreg:s7], $0x5FFFF  }
0xac: {  	[dreg:$0x1] =	wrdreg $0xFFFFFFFF  }
0xad: {  	[dreg:$0x0] =	wrdreg $0x60  }
0xae: {  	[dreg:$0x2] =	wrdreg s24  }
0xaf: {  	[dreg:$0x3] =	wrdreg s2  }
0xb0: {  	[dreg:$0x4] =	wrdreg $0x9  }
0xb1: {  	_ =	task.clear_ibuf [dreg:s7], $0x5FFFF;
	_ =	strace $0x90000046  }
0xb2: {  	s29 =	simm.s32 $0x9;
	_ =	strace $0x80000048  }
0xb3: {  	_ =	swait.ge [sflag:s29], $0x1  }
0xb4: {  	[sflag:s29] =	ssyncadd.s32 $0xFFFFFFFF  }
0xb5: {  	_ =	strace $0x90000048  }
0xb6: {  	_ =	sfence  }
0xb7: {  	s30 =	sld [smem:$0x0];
	_ =	sdelay $0x2  }
0xb8: {  	s31 =	sshll.u32 s1, $0xD;
	s1 =	sshrl.u32 s1, $0x2  }
0xb9: {  	s3 =	sand.u32 $0x4000, s31;
	s1 =	sadd.s32 s1, s30  }
0xba: {  	s0 =	sor.u32 s3, s0;
	s1 =	sshll.u32 s1, $0x11  }
0xbb: {  	s0 =	sor.u32 s1, s0  }
0xbc: {  	s0 =	sadd.s32 $0x8F2B, s0  }
0xbd: {  	[sflag:s0] =	ssyncadd.remote.s32 $0x1  }
0xbe: {  	_ =	sfence.sel $0xFFFF  }
0xbf: {  	[dreg:$0x0] =	wrdreg $0xFFFFFFFF;
	(pc) =	sbr.abs _section_cstart, $3  }
0xc0: {  	[dreg:$0x1] =	wrdreg $0xFFFFFFFF  }
0xc1: {  	_ =	task.clear_ibuf [dreg:s7], $0x2FFFF;
	_ =	strace $0x9FFFFFFF  }
0xc2: {  	(tm) =	ssettm $0x7FFFFFFF  }
0xc3: {  	_ =	shalt  }
tec
execute0_lowered:
.L_overlay_start_1:
0x0: {  	(tag) =	ssettag $0x1  }
0x1: {  	s0 =	srdreg.scid  }
0x2: {  	s2 =	stileid.u32;
	s1 =	rddreg [dreg:$0x0];
	s13 =	simm.s32 $0x80  }
0x3: {  	s14 =	simm.s32 $0x9600;
	s15 =	simm.s32 $0x48;
	s16 =	simm.s32 $0xB600  }
0x4: {  	s18 =	simm.s32 $0xC800;
	s20 =	simm.s32 $0xE800;
	s22 =	simm.s32 $0xFA00  }
0x5: {  	s24 =	simm.s32 $0x11A00;
	s29 =	simm.s32 $0x14C00;
	s30 =	simm.s32 $0x1  }
0x6: {  	s31 =	simm.s32 $0x15E00;
	s11 =	simm.s32 $0x1B000;
	s17 =	simm.s32 $0x2  }
0x7: {  	s19 =	simm.s32 $0x4;
	s21 =	simm.s32 $0x3;
	s0 =	sand.u32 $0x1, s0  }
0x8: {  	s23 =	simm.s32 $0x5;
	s3 =	sshll.u32 s2, $0x8;
	s4 =	sshll.u32 s0, $0x7  }
0x9: {  	s28 =	simm.s32 $0x0;
	s2 =	rddreg [dreg:$0x1];
	s3 =	sor.u32 s4, s3  }
0xa: {  	s0 =	ssub.s32 $0x2, s0;
	s4 =	simm.s32 $0x0;
	s5 =	smul.u32 $0x19, s3  }
0xb: {  	s8 =	sshrl.u32 s0, $0x1;
	[smem:$0x7FF] =	sst s4;
	s6 =	smul.u32 $0x3200, s3  }
0xc: {  	s0 =	ssub.s32 s0, s8;
	s8 =	sor.u32 $0x2, s3;
	_ =	strace $0x80000047  }
0xd: {  	s0 =	smax.u32 s0, $0x1;
	s7 =	sadd.s32 s5, s1;
	s5 =	sadd.s32 $0xF43000, s1  }
0xe: {  	s6 =	sshrl.u32 s6, $0x3;
	s1 =	sadd.s32 $0x19C00, s1;
	[dreg:$0x6] =	wrdreg s0  }
0xf: {  	[dreg:$0x3] =	wrdreg s1;
	s25 =	sadd.s32 s2, s6;
	s26 =	sadd.s32 $0xC00, s7  }
0x10: {  	s0 =	simm.s32 $0x19000;
	[dreg:$0x4] =	wrdreg s26;
	s1 =	sadd.s32 $0x31380, s25  }
0x11: {  	s26 =	simm.s32 $0x12C00;
	[dreg:$0x5] =	wrdreg s1;
	s1 =	simm.s32 $0x17E00  }
.LBB2_1:
0x12: {  	s6 =	rddreg [dreg:$0x3];
	s7 =	simm.s32 $0x6400;
	s10 =	simm.s32 $0x7  }
0x13: {  	[tilespmem:s7], [sflag:$0x7] =	stream.linear.gather [hbm4b:s6+s4], $0x3200, $0x38;
	[tilespmem:$0x1C200] =	vst v63  }
0x14: {  	_ =	swait.ge [sflag:s10], $0x3200  }
0x15: {  	[sflag:s10] =	ssyncset.done $0x0  }
0x16: {  	s12 =	rddreg [dreg:$0x4];
	[sflag:s10] =	ssyncadd.s32 $0xFFFFCE00  }
0x17: {  	[tilespmem:s4], [sflag:$0x7] =	stream.linear.gather [hbm4b:s12+s4], $0x6400, $0x38;
	[tilespmem:$0x1C200] =	vst v63  }
0x18: {  	_ =	swait.ge [sflag:s10], $0x6400  }
0x19: {  	[sflag:s10] =	ssyncset.done $0x0  }
0x1a: {  	[sflag:s10] =	ssyncadd.s32 $0xFFFF9C00  }
0x1b: {  	[tilespmem:s14], [sflag:$0x1] =	stream.indirect.gather [hbm4b:s5+s13], $0x40, s4, s13, $0xb8;
	[tilespmem:$0x1C200] =	vst v63  }
0x1c: {  	_ = 	snop  }
0x1d: {  	[tilespmem:s16], [sflag:$0x1] =	stream.indirect.gather [hbm4b:s5+s15], $0x40, s13, s15, $0xb8;
	[tilespmem:$0x1C200] =	vst v63  }
0x1e: {  	s25 =	simm.s32 $0xC8  }
0x1f: {  	[tilespmem:s18], [sflag:$0x1] =	stream.indirect.gather [hbm4b:s5+s13], $0x40, s25, s13, $0xb8;
	[tilespmem:$0x1C200] =	vst v63  }
0x20: {  	s7 =	simm.s32 $0x148  }
0x21: {  	[tilespmem:s20], [sflag:$0x1] =	stream.indirect.gather [hbm4b:s5+s15], $0x40, s7, s15, $0xb8;
	[tilespmem:$0x1C200] =	vst v63  }
0x22: {  	s9 =	simm.s32 $0x190  }
0x23: {  	[tilespmem:s22], [sflag:$0x2] =	stream.indirect.gather [hbm4b:s5+s13], $0x40, s9, s13, $0xb8;
	[tilespmem:$0x1C200] =	vst v63  }
0x24: {  	s10 =	simm.s32 $0x210  }
0x25: {  	[tilespmem:s24], [sflag:$0x2] =	stream.indirect.gather [hbm4b:s5+s15], $0x40, s10, s15, $0xb8;
	[tilespmem:$0x1C200] =	vst v63  }
0x26: {  	s12 =	simm.s32 $0x258  }
0x27: {  	[tilespmem:s26], [sflag:$0x2] =	stream.indirect.gather [hbm4b:s5+s13], $0x40, s12, s13, $0xb8;
	[tilespmem:$0x1C200] =	vst v63  }
0x28: {  	s6 =	simm.s32 $0x0;
	s25 =	simm.s32 $0x2D8  }
0x29: {  	[tilespmem:s29], [sflag:$0x2] =	stream.indirect.gather [hbm4b:s5+s15], $0x40, s25, s15, $0xb8;
	[tilespmem:$0x1C200] =	vst v63  }
.LBB2_2:
0x2a: {  	_ =	swait.ge [sflag:s30], $0x3200  }
0x2b: {  	[sflag:s30] =	ssyncset.done $0x0  }
0x2c: {  	[sflag:s30] =	ssyncadd.s32 $0xFFFFCE00  }
0x2d: {  	_ =	swait.ge [sflag:s30], $0x3200  }
0x2e: {  	[sflag:s30] =	ssyncset.done $0x0  }
0x2f: {  	s7 =	simm.s32 $0x0;
	[sflag:s30] =	ssyncadd.s32 $0xFFFFCE00  }
0x30: {  	v0 =	vld [tilespmem:s7+$0x64F0]  }
0x31: {  	v1 =	vld [tilespmem:s7+$0x6400]  }
0x32: {  	v2 =	vld [tilespmem:s7+$0x6410]  }
0x33: {  	v3 =	vld [tilespmem:s7+$0x6420]  }
0x34: {  	v4 =	vld [tilespmem:s7+$0x6430]  }
0x35: {  	v5 =	vld [tilespmem:s7+$0x6440]  }
0x36: {  	v6 =	vld [tilespmem:s7+$0x6450]  }
0x37: {  	v7 =	vld [tilespmem:s7+$0x6460]  }
0x38: {  	v8 =	vld [tilespmem:s7+$0x6470]  }
0x39: {  	v9 =	vld [tilespmem:s7+$0x6480]  }
0x3a: {  	v10 =	vld [tilespmem:s7+$0x6490]  }
0x3b: {  	v11 =	vld [tilespmem:s7+$0x64A0]  }
0x3c: {  	v12 =	vld [tilespmem:s7+$0x64B0]  }
0x3d: {  	v13 =	vld [tilespmem:s7+$0x64C0]  }
0x3e: {  	v14 =	vld [tilespmem:s7+$0x64D0]  }
0x3f: {  	[tilespmem:s7+$0x96F0] =	vst.add.f32.msk $0xffff, v0  }
0x40: {  	v0 =	vld [tilespmem:s7+$0x64E0]  }
0x41: {  	[tilespmem:s7+$0x9600] =	vst.add.f32.msk $0xffff, v1  }
0x42: {  	[tilespmem:s7+$0x9610] =	vst.add.f32.msk $0xffff, v2  }
0x43: {  	[tilespmem:s7+$0x9620] =	vst.add.f32.msk $0xffff, v3  }
0x44: {  	[tilespmem:s7+$0x9630] =	vst.add.f32.msk $0xffff, v4  }
0x45: {  	[tilespmem:s7+$0x9640] =	vst.add.f32.msk $0xffff, v5  }
0x46: {  	[tilespmem:s7+$0x9650] =	vst.add.f32.msk $0xffff, v6  }
0x47: {  	[tilespmem:s7+$0x9660] =	vst.add.f32.msk $0xffff, v7  }
0x48: {  	[tilespmem:s7+$0x9670] =	vst.add.f32.msk $0xffff, v8  }
0x49: {  	[tilespmem:s7+$0x9680] =	vst.add.f32.msk $0xffff, v9  }
0x4a: {  	[tilespmem:s7+$0x9690] =	vst.add.f32.msk $0xffff, v10  }
0x4b: {  	[tilespmem:s7+$0x96A0] =	vst.add.f32.msk $0xffff, v11  }
0x4c: {  	[tilespmem:s7+$0x96B0] =	vst.add.f32.msk $0xffff, v12  }
0x4d: {  	[tilespmem:s7+$0x96C0] =	vst.add.f32.msk $0xffff, v13  }
0x4e: {  	s9 =	simm.s32 $0x0;
	s10 =	simm.s32 $0x400;
	[tilespmem:s7+$0x96D0] =	vst.add.f32.msk $0xffff, v14  }
.LBB2_3:
0x4f: {  	s9 =	sadd.s32 $0x4, s9;
	[tilespmem:s7+$0x96E0] =	vst.add.f32.msk $0xffff, v0;
	s7 =	sshra.s32 s10, $0x2  }
0x50: {  	v0 =	vld [tilespmem:s7+$0x64F0];
	p0 =	slt.u32 s9, $0xC4  }
0x51: {  	v1 =	vld [tilespmem:s7+$0x6400]  }
0x52: {  	v2 =	vld [tilespmem:s7+$0x6410]  }
0x53: {  	v3 =	vld [tilespmem:s7+$0x6420]  }
0x54: {  	v4 =	vld [tilespmem:s7+$0x6430]  }
0x55: {  	[tilespmem:s7+$0x96F0] =	vst.add.f32.msk $0xffff, v0  }
0x56: {  	v5 =	vld [tilespmem:s7+$0x6440]  }
0x57: {  	v6 =	vld [tilespmem:s7+$0x6450]  }
0x58: {  	v7 =	vld [tilespmem:s7+$0x6460]  }
0x59: {  	v8 =	vld [tilespmem:s7+$0x6470]  }
0x5a: {  	v9 =	vld [tilespmem:s7+$0x6480]  }
0x5b: {  	v10 =	vld [tilespmem:s7+$0x6490]  }
0x5c: {  	v11 =	vld [tilespmem:s7+$0x64A0]  }
0x5d: {  	v12 =	vld [tilespmem:s7+$0x64B0]  }
0x5e: {  	v13 =	vld [tilespmem:s7+$0x64C0]  }
0x5f: {  	v14 =	vld [tilespmem:s7+$0x64D0]  }
0x60: {  	v0 =	vld [tilespmem:s7+$0x64E0]  }
0x61: {  	[tilespmem:s7+$0x9600] =	vst.add.f32.msk $0xffff, v1  }
0x62: {  	[tilespmem:s7+$0x9610] =	vst.add.f32.msk $0xffff, v2  }
0x63: {  	[tilespmem:s7+$0x9620] =	vst.add.f32.msk $0xffff, v3  }
0x64: {  	[tilespmem:s7+$0x9630] =	vst.add.f32.msk $0xffff, v4  }
0x65: {  	[tilespmem:s7+$0x9640] =	vst.add.f32.msk $0xffff, v5  }
0x66: {  	[tilespmem:s7+$0x9650] =	vst.add.f32.msk $0xffff, v6  }
0x67: {  	[tilespmem:s7+$0x9660] =	vst.add.f32.msk $0xffff, v7  }
0x68: {  	[tilespmem:s7+$0x9670] =	vst.add.f32.msk $0xffff, v8  }
0x69: {  	[tilespmem:s7+$0x9680] =	vst.add.f32.msk $0xffff, v9  }
.Ltmp0:
0x6a: {  	[tilespmem:s7+$0x9690] =	vst.add.f32.msk $0xffff, v10;
	(pc) =	sbr.rel @p0 .LBB2_3-.Ltmp0, $4  }
0x6b: {  	[tilespmem:s7+$0x96A0] =	vst.add.f32.msk $0xffff, v11  }
0x6c: {  	[tilespmem:s7+$0x96B0] =	vst.add.f32.msk $0xffff, v12  }
0x6d: {  	[tilespmem:s7+$0x96C0] =	vst.add.f32.msk $0xffff, v13  }
0x6e: {  	s10 =	sadd.s32 $0x400, s10;
	[tilespmem:s7+$0x96D0] =	vst.add.f32.msk $0xffff, v14  }
0x6f: {  	[tilespmem:s7+$0x96E0] =	vst.add.f32.msk $0xffff, v0;
	s7 =	simm.s32 $0x0  }
0x70: {  	v0 =	vld [tilespmem:s7+$0x64F0]  }
0x71: {  	v1 =	vld [tilespmem:s7+$0x6400]  }
0x72: {  	v2 =	vld [tilespmem:s7+$0x6410]  }
0x73: {  	v3 =	vld [tilespmem:s7+$0x6420]  }
0x74: {  	v4 =	vld [tilespmem:s7+$0x6430]  }
0x75: {  	v5 =	vld [tilespmem:s7+$0x6440]  }
0x76: {  	v6 =	vld [tilespmem:s7+$0x6450]  }
0x77: {  	v7 =	vld [tilespmem:s7+$0x6460]  }
0x78: {  	v8 =	vld [tilespmem:s7+$0x6470]  }
0x79: {  	v9 =	vld [tilespmem:s7+$0x6480]  }
0x7a: {  	v10 =	vld [tilespmem:s7+$0x6490]  }
0x7b: {  	v11 =	vld [tilespmem:s7+$0x64A0]  }
0x7c: {  	v12 =	vld [tilespmem:s7+$0x64B0]  }
0x7d: {  	v13 =	vld [tilespmem:s7+$0x64C0]  }
0x7e: {  	v14 =	vld [tilespmem:s7+$0x64D0]  }
0x7f: {  	[tilespmem:s7+$0xC8F0] =	vst.add.f32.msk $0xffff, v0  }
0x80: {  	v0 =	vld [tilespmem:s7+$0x64E0]  }
0x81: {  	[tilespmem:s7+$0xC800] =	vst.add.f32.msk $0xffff, v1  }
0x82: {  	[tilespmem:s7+$0xC810] =	vst.add.f32.msk $0xffff, v2  }
0x83: {  	[tilespmem:s7+$0xC820] =	vst.add.f32.msk $0xffff, v3  }
0x84: {  	[tilespmem:s7+$0xC830] =	vst.add.f32.msk $0xffff, v4  }
0x85: {  	[tilespmem:s7+$0xC840] =	vst.add.f32.msk $0xffff, v5  }
0x86: {  	[tilespmem:s7+$0xC850] =	vst.add.f32.msk $0xffff, v6  }
0x87: {  	[tilespmem:s7+$0xC860] =	vst.add.f32.msk $0xffff, v7  }
0x88: {  	[tilespmem:s7+$0xC870] =	vst.add.f32.msk $0xffff, v8  }
0x89: {  	[tilespmem:s7+$0xC880] =	vst.add.f32.msk $0xffff, v9  }
0x8a: {  	[tilespmem:s7+$0xC890] =	vst.add.f32.msk $0xffff, v10  }
0x8b: {  	[tilespmem:s7+$0xC8A0] =	vst.add.f32.msk $0xffff, v11  }
0x8c: {  	[tilespmem:s7+$0xC8B0] =	vst.add.f32.msk $0xffff, v12  }
0x8d: {  	[tilespmem:s7+$0xC8C0] =	vst.add.f32.msk $0xffff, v13  }
0x8e: {  	s9 =	simm.s32 $0x0;
	s10 =	simm.s32 $0x400;
	[tilespmem:s7+$0xC8D0] =	vst.add.f32.msk $0xffff, v14  }
.LBB2_5:
0x8f: {  	s9 =	sadd.s32 $0x4, s9;
	[tilespmem:s7+$0xC8E0] =	vst.add.f32.msk $0xffff, v0;
	s7 =	sshra.s32 s10, $0x2  }
0x90: {  	v0 =	vld [tilespmem:s7+$0x64F0];
	p0 =	slt.u32 s9, $0xC4  }
0x91: {  	v1 =	vld [tilespmem:s7+$0x6400]  }
0x92: {  	v2 =	vld [tilespmem:s7+$0x6410]  }
0x93: {  	v3 =	vld [tilespmem:s7+$0x6420]  }
0x94: {  	v4 =	vld [tilespmem:s7+$0x6430]  }
0x95: {  	[tilespmem:s7+$0xC8F0] =	vst.add.f32.msk $0xffff, v0  }
0x96: {  	v5 =	vld [tilespmem:s7+$0x6440]  }
0x97: {  	v6 =	vld [tilespmem:s7+$0x6450]  }
0x98: {  	v7 =	vld [tilespmem:s7+$0x6460]  }
0x99: {  	v8 =	vld [tilespmem:s7+$0x6470]  }
0x9a: {  	v9 =	vld [tilespmem:s7+$0x6480]  }
0x9b: {  	v10 =	vld [tilespmem:s7+$0x6490]  }
0x9c: {  	v11 =	vld [tilespmem:s7+$0x64A0]  }
0x9d: {  	v12 =	vld [tilespmem:s7+$0x64B0]  }
0x9e: {  	v13 =	vld [tilespmem:s7+$0x64C0]  }
0x9f: {  	v14 =	vld [tilespmem:s7+$0x64D0]  }
0xa0: {  	v0 =	vld [tilespmem:s7+$0x64E0]  }
0xa1: {  	[tilespmem:s7+$0xC800] =	vst.add.f32.msk $0xffff, v1  }
0xa2: {  	[tilespmem:s7+$0xC810] =	vst.add.f32.msk $0xffff, v2  }
0xa3: {  	[tilespmem:s7+$0xC820] =	vst.add.f32.msk $0xffff, v3  }
0xa4: {  	[tilespmem:s7+$0xC830] =	vst.add.f32.msk $0xffff, v4  }
0xa5: {  	[tilespmem:s7+$0xC840] =	vst.add.f32.msk $0xffff, v5  }
0xa6: {  	[tilespmem:s7+$0xC850] =	vst.add.f32.msk $0xffff, v6  }
0xa7: {  	[tilespmem:s7+$0xC860] =	vst.add.f32.msk $0xffff, v7  }
0xa8: {  	[tilespmem:s7+$0xC870] =	vst.add.f32.msk $0xffff, v8  }
0xa9: {  	[tilespmem:s7+$0xC880] =	vst.add.f32.msk $0xffff, v9  }
.Ltmp1:
0xaa: {  	[tilespmem:s7+$0xC890] =	vst.add.f32.msk $0xffff, v10;
	(pc) =	sbr.rel @p0 .LBB2_5-.Ltmp1, $4  }
0xab: {  	[tilespmem:s7+$0xC8A0] =	vst.add.f32.msk $0xffff, v11  }
0xac: {  	[tilespmem:s7+$0xC8B0] =	vst.add.f32.msk $0xffff, v12  }
0xad: {  	[tilespmem:s7+$0xC8C0] =	vst.add.f32.msk $0xffff, v13  }
0xae: {  	s10 =	sadd.s32 $0x400, s10;
	[tilespmem:s7+$0xC8D0] =	vst.add.f32.msk $0xffff, v14  }
0xaf: {  	s9 =	smul.u32 $0x6, s6;
	_ =	sdelay $0x1  }
0xb0: {  	s10 =	sadd.s32 s3, s9  }
0xb1: {  	s10 =	smul.u32 $0x640, s10;
	_ =	sdelay $0x1  }
0xb2: {  	[tilespmem:s7+$0xC8E0] =	vst.add.f32.msk $0xffff, v0;
	s12 =	smul.u32 $0x3, s6;
	p0 =	seq.s32 s6, $0x0;
	s10 =	sadd.s32 s2, s10  }
0xb3: {  	[hbm4b:s10+s4] =	stream.linear.scatter [tilespmem:s14], [sflag:$0x4], $0x6400, $0x38;
	[tilespmem:$0x1C200] =	vst v63  }
0xb4: {  	s7 =	sadd.s32 $0x2, s12;
	s10 =	simm.s32 @!p0 $0x6  }
0xb5: {  	s12 =	smul.u32 $0x640, s7;
	_ =	swait.ge @!p0 [sflag:s10], $0x6400  }
0xb6: {  	[sflag:s10] =	ssyncset.done @!p0 $0x0  }
0xb7: {  	[sflag:s10] =	ssyncadd.s32 @!p0 $0xFFFF9C00;
	s10 =	sshra.s32 s12, $0x2  }
0xb8: {  	[tilespmem:s31], [sflag:$0x3] =	stream.indirect.gather [hbm4b:s5+s13], $0x40, s10, s13, $0xb8;
	[tilespmem:$0x1C200] =	vst v63  }
0xb9: {  	s12 =	sadd.s32 $0x80, s10  }
0xba: {  	[tilespmem:s1], [sflag:$0x3] =	stream.indirect.gather [hbm4b:s5+s15], $0x40, s12, s15, $0xb8;
	[tilespmem:$0x1C200] =	vst v63  }
0xbb: {  	s25 =	sadd.s32 $0xC8, s10  }
0xbc: {  	[tilespmem:s0], [sflag:$0x3] =	stream.indirect.gather [hbm4b:s5+s13], $0x40, s25, s13, $0xb8;
	[tilespmem:$0x1C200] =	vst v63  }
0xbd: {  	s10 =	sadd.s32 $0x148, s10  }
0xbe: {  	[tilespmem:s11], [sflag:$0x3] =	stream.indirect.gather [hbm4b:s5+s15], $0x40, s10, s15, $0xb8;
	[tilespmem:$0x1C200] =	vst v63  }
0xbf: {  	_ =	swait.ge [sflag:s17], $0x3200  }
0xc0: {  	[sflag:s17] =	ssyncset.done $0x0  }
0xc1: {  	[sflag:s17] =	ssyncadd.s32 $0xFFFFCE00  }
0xc2: {  	_ =	swait.ge [sflag:s17], $0x3200  }
0xc3: {  	[sflag:s17] =	ssyncset.done $0x0  }
0xc4: {  	s10 =	simm.s32 $0x0;
	[sflag:s17] =	ssyncadd.s32 $0xFFFFCE00  }
0xc5: {  	v0 =	vld [tilespmem:s10+$0x64F0]  }
0xc6: {  	v1 =	vld [tilespmem:s10+$0x6400]  }
0xc7: {  	v2 =	vld [tilespmem:s10+$0x6410]  }
0xc8: {  	v3 =	vld [tilespmem:s10+$0x6420]  }
0xc9: {  	v4 =	vld [tilespmem:s10+$0x6430]  }
0xca: {  	v5 =	vld [tilespmem:s10+$0x6440]  }
0xcb: {  	v6 =	vld [tilespmem:s10+$0x6450]  }
0xcc: {  	v7 =	vld [tilespmem:s10+$0x6460]  }
0xcd: {  	v8 =	vld [tilespmem:s10+$0x6470]  }
0xce: {  	v9 =	vld [tilespmem:s10+$0x6480]  }
0xcf: {  	v10 =	vld [tilespmem:s10+$0x6490]  }
0xd0: {  	v11 =	vld [tilespmem:s10+$0x64A0]  }
0xd1: {  	v12 =	vld [tilespmem:s10+$0x64B0]  }
0xd2: {  	v13 =	vld [tilespmem:s10+$0x64C0]  }
0xd3: {  	v14 =	vld [tilespmem:s10+$0x64D0]  }
0xd4: {  	[tilespmem:s10+$0xFAF0] =	vst.add.f32.msk $0xffff, v0  }
0xd5: {  	v0 =	vld [tilespmem:s10+$0x64E0]  }
0xd6: {  	[tilespmem:s10+$0xFA00] =	vst.add.f32.msk $0xffff, v1  }
0xd7: {  	[tilespmem:s10+$0xFA10] =	vst.add.f32.msk $0xffff, v2  }
0xd8: {  	[tilespmem:s10+$0xFA20] =	vst.add.f32.msk $0xffff, v3  }
0xd9: {  	[tilespmem:s10+$0xFA30] =	vst.add.f32.msk $0xffff, v4  }
0xda: {  	[tilespmem:s10+$0xFA40] =	vst.add.f32.msk $0xffff, v5  }
0xdb: {  	[tilespmem:s10+$0xFA50] =	vst.add.f32.msk $0xffff, v6  }
0xdc: {  	[tilespmem:s10+$0xFA60] =	vst.add.f32.msk $0xffff, v7  }
0xdd: {  	[tilespmem:s10+$0xFA70] =	vst.add.f32.msk $0xffff, v8  }
0xde: {  	[tilespmem:s10+$0xFA80] =	vst.add.f32.msk $0xffff, v9  }
0xdf: {  	[tilespmem:s10+$0xFA90] =	vst.add.f32.msk $0xffff, v10  }
0xe0: {  	[tilespmem:s10+$0xFAA0] =	vst.add.f32.msk $0xffff, v11  }
0xe1: {  	[tilespmem:s10+$0xFAB0] =	vst.add.f32.msk $0xffff, v12  }
0xe2: {  	[tilespmem:s10+$0xFAC0] =	vst.add.f32.msk $0xffff, v13  }
0xe3: {  	s12 =	simm.s32 $0x400;
	s25 =	simm.s32 $0x0;
	[tilespmem:s10+$0xFAD0] =	vst.add.f32.msk $0xffff, v14  }
.LBB2_7:
0xe4: {  	s25 =	sadd.s32 $0x4, s25;
	[tilespmem:s10+$0xFAE0] =	vst.add.f32.msk $0xffff, v0;
	s10 =	sshra.s32 s12, $0x2  }
0xe5: {  	v0 =	vld [tilespmem:s10+$0x64F0];
	p0 =	slt.u32 s25, $0xC4  }
0xe6: {  	v1 =	vld [tilespmem:s10+$0x6400]  }
0xe7: {  	v2 =	vld [tilespmem:s10+$0x6410]  }
0xe8: {  	v3 =	vld [tilespmem:s10+$0x6420]  }
0xe9: {  	v4 =	vld [tilespmem:s10+$0x6430]  }
0xea: {  	[tilespmem:s10+$0xFAF0] =	vst.add.f32.msk $0xffff, v0  }
0xeb: {  	v5 =	vld [tilespmem:s10+$0x6440]  }
0xec: {  	v6 =	vld [tilespmem:s10+$0x6450]  }
0xed: {  	v7 =	vld [tilespmem:s10+$0x6460]  }
0xee: {  	v8 =	vld [tilespmem:s10+$0x6470]  }
0xef: {  	v9 =	vld [tilespmem:s10+$0x6480]  }
0xf0: {  	v10 =	vld [tilespmem:s10+$0x6490]  }
0xf1: {  	v11 =	vld [tilespmem:s10+$0x64A0]  }
0xf2: {  	v12 =	vld [tilespmem:s10+$0x64B0]  }
0xf3: {  	v13 =	vld [tilespmem:s10+$0x64C0]  }
0xf4: {  	v14 =	vld [tilespmem:s10+$0x64D0]  }
0xf5: {  	v0 =	vld [tilespmem:s10+$0x64E0]  }
0xf6: {  	[tilespmem:s10+$0xFA00] =	vst.add.f32.msk $0xffff, v1  }
0xf7: {  	[tilespmem:s10+$0xFA10] =	vst.add.f32.msk $0xffff, v2  }
0xf8: {  	[tilespmem:s10+$0xFA20] =	vst.add.f32.msk $0xffff, v3  }
0xf9: {  	[tilespmem:s10+$0xFA30] =	vst.add.f32.msk $0xffff, v4  }
0xfa: {  	[tilespmem:s10+$0xFA40] =	vst.add.f32.msk $0xffff, v5  }
0xfb: {  	[tilespmem:s10+$0xFA50] =	vst.add.f32.msk $0xffff, v6  }
0xfc: {  	[tilespmem:s10+$0xFA60] =	vst.add.f32.msk $0xffff, v7  }
0xfd: {  	[tilespmem:s10+$0xFA70] =	vst.add.f32.msk $0xffff, v8  }
0xfe: {  	[tilespmem:s10+$0xFA80] =	vst.add.f32.msk $0xffff, v9  }
.Ltmp2:
0xff: {  	[tilespmem:s10+$0xFA90] =	vst.add.f32.msk $0xffff, v10;
	(pc) =	sbr.rel @p0 .LBB2_7-.Ltmp2, $4  }
0x100: {  	[tilespmem:s10+$0xFAA0] =	vst.add.f32.msk $0xffff, v11  }
0x101: {  	[tilespmem:s10+$0xFAB0] =	vst.add.f32.msk $0xffff, v12  }
0x102: {  	[tilespmem:s10+$0xFAC0] =	vst.add.f32.msk $0xffff, v13  }
0x103: {  	s12 =	sadd.s32 $0x400, s12;
	[tilespmem:s10+$0xFAD0] =	vst.add.f32.msk $0xffff, v14  }
0x104: {  	[tilespmem:s10+$0xFAE0] =	vst.add.f32.msk $0xffff, v0;
	s10 =	simm.s32 $0x0  }
0x105: {  	v0 =	vld [tilespmem:s10+$0x64F0]  }
0x106: {  	v1 =	vld [tilespmem:s10+$0x6400]  }
0x107: {  	v2 =	vld [tilespmem:s10+$0x6410]  }
0x108: {  	v3 =	vld [tilespmem:s10+$0x6420]  }
0x109: {  	v4 =	vld [tilespmem:s10+$0x6430]  }
0x10a: {  	v5 =	vld [tilespmem:s10+$0x6440]  }
0x10b: {  	v6 =	vld [tilespmem:s10+$0x6450]  }
0x10c: {  	v7 =	vld [tilespmem:s10+$0x6460]  }
0x10d: {  	v8 =	vld [tilespmem:s10+$0x6470]  }
0x10e: {  	v9 =	vld [tilespmem:s10+$0x6480]  }
0x10f: {  	v10 =	vld [tilespmem:s10+$0x6490]  }
0x110: {  	v11 =	vld [tilespmem:s10+$0x64A0]  }
0x111: {  	v12 =	vld [tilespmem:s10+$0x64B0]  }
0x112: {  	v13 =	vld [tilespmem:s10+$0x64C0]  }
0x113: {  	v14 =	vld [tilespmem:s10+$0x64D0]  }
0x114: {  	[tilespmem:s10+$0x12CF0] =	vst.add.f32.msk $0xffff, v0  }
0x115: {  	v0 =	vld [tilespmem:s10+$0x64E0]  }
0x116: {  	[tilespmem:s10+$0x12C00] =	vst.add.f32.msk $0xffff, v1  }
0x117: {  	[tilespmem:s10+$0x12C10] =	vst.add.f32.msk $0xffff, v2  }
0x118: {  	[tilespmem:s10+$0x12C20] =	vst.add.f32.msk $0xffff, v3  }
0x119: {  	[tilespmem:s10+$0x12C30] =	vst.add.f32.msk $0xffff, v4  }
0x11a: {  	[tilespmem:s10+$0x12C40] =	vst.add.f32.msk $0xffff, v5  }
0x11b: {  	[tilespmem:s10+$0x12C50] =	vst.add.f32.msk $0xffff, v6  }
0x11c: {  	[tilespmem:s10+$0x12C60] =	vst.add.f32.msk $0xffff, v7  }
0x11d: {  	[tilespmem:s10+$0x12C70] =	vst.add.f32.msk $0xffff, v8  }
0x11e: {  	[tilespmem:s10+$0x12C80] =	vst.add.f32.msk $0xffff, v9  }
0x11f: {  	[tilespmem:s10+$0x12C90] =	vst.add.f32.msk $0xffff, v10  }
0x120: {  	[tilespmem:s10+$0x12CA0] =	vst.add.f32.msk $0xffff, v11  }
0x121: {  	[tilespmem:s10+$0x12CB0] =	vst.add.f32.msk $0xffff, v12  }
0x122: {  	[tilespmem:s10+$0x12CC0] =	vst.add.f32.msk $0xffff, v13  }
0x123: {  	s25 =	simm.s32 $0x0;
	s12 =	simm.s32 $0x400;
	[tilespmem:s10+$0x12CD0] =	vst.add.f32.msk $0xffff, v14  }
.LBB2_9:
0x124: {  	s25 =	sadd.s32 $0x4, s25;
	[tilespmem:s10+$0x12CE0] =	vst.add.f32.msk $0xffff, v0;
	s10 =	sshra.s32 s12, $0x2  }
0x125: {  	v0 =	vld [tilespmem:s10+$0x64F0];
	p0 =	slt.u32 s25, $0xC4  }
0x126: {  	v1 =	vld [tilespmem:s10+$0x6400]  }
0x127: {  	v2 =	vld [tilespmem:s10+$0x6410]  }
0x128: {  	v3 =	vld [tilespmem:s10+$0x6420]  }
0x129: {  	v4 =	vld [tilespmem:s10+$0x6430]  }
0x12a: {  	[tilespmem:s10+$0x12CF0] =	vst.add.f32.msk $0xffff, v0  }
0x12b: {  	v5 =	vld [tilespmem:s10+$0x6440]  }
0x12c: {  	v6 =	vld [tilespmem:s10+$0x6450]  }
0x12d: {  	v7 =	vld [tilespmem:s10+$0x6460]  }
0x12e: {  	v8 =	vld [tilespmem:s10+$0x6470]  }
0x12f: {  	v9 =	vld [tilespmem:s10+$0x6480]  }
0x130: {  	v10 =	vld [tilespmem:s10+$0x6490]  }
0x131: {  	v11 =	vld [tilespmem:s10+$0x64A0]  }
0x132: {  	v12 =	vld [tilespmem:s10+$0x64B0]  }
0x133: {  	v13 =	vld [tilespmem:s10+$0x64C0]  }
0x134: {  	v14 =	vld [tilespmem:s10+$0x64D0]  }
0x135: {  	v0 =	vld [tilespmem:s10+$0x64E0]  }
0x136: {  	[tilespmem:s10+$0x12C00] =	vst.add.f32.msk $0xffff, v1  }
0x137: {  	[tilespmem:s10+$0x12C10] =	vst.add.f32.msk $0xffff, v2  }
0x138: {  	[tilespmem:s10+$0x12C20] =	vst.add.f32.msk $0xffff, v3  }
0x139: {  	[tilespmem:s10+$0x12C30] =	vst.add.f32.msk $0xffff, v4  }
0x13a: {  	[tilespmem:s10+$0x12C40] =	vst.add.f32.msk $0xffff, v5  }
0x13b: {  	[tilespmem:s10+$0x12C50] =	vst.add.f32.msk $0xffff, v6  }
0x13c: {  	[tilespmem:s10+$0x12C60] =	vst.add.f32.msk $0xffff, v7  }
0x13d: {  	[tilespmem:s10+$0x12C70] =	vst.add.f32.msk $0xffff, v8  }
0x13e: {  	[tilespmem:s10+$0x12C80] =	vst.add.f32.msk $0xffff, v9  }
.Ltmp3:
0x13f: {  	[tilespmem:s10+$0x12C90] =	vst.add.f32.msk $0xffff, v10;
	(pc) =	sbr.rel @p0 .LBB2_9-.Ltmp3, $4  }
0x140: {  	[tilespmem:s10+$0x12CA0] =	vst.add.f32.msk $0xffff, v11  }
0x141: {  	[tilespmem:s10+$0x12CB0] =	vst.add.f32.msk $0xffff, v12  }
0x142: {  	[tilespmem:s10+$0x12CC0] =	vst.add.f32.msk $0xffff, v13  }
0x143: {  	s12 =	sadd.s32 $0x400, s12;
	[tilespmem:s10+$0x12CD0] =	vst.add.f32.msk $0xffff, v14  }
0x144: {  	s9 =	sadd.s32 s9, s8  }
0x145: {  	s9 =	smul.u32 $0x640, s9;
	_ =	sdelay $0x1  }
0x146: {  	[tilespmem:s10+$0x12CE0] =	vst.add.f32.msk $0xffff, v0;
	s25 =	simm.s32 $0x0;
	s10 =	smul.u32 $0x12C0, s6;
	s9 =	sadd.s32 s2, s9  }
0x147: {  	[hbm4b:s9+s25] =	stream.linear.scatter [tilespmem:s22], [sflag:$0x5], $0x6400, $0x38;
	[tilespmem:$0x1C200] =	vst v63  }
0x148: {  	_ =	swait.ge [sflag:s19], $0x6400  }
0x149: {  	s9 =	sshra.s32 s10, $0x2;
	[sflag:s19] =	ssyncset.done $0x0  }
0x14a: {  	s12 =	sadd.s32 $0x4B0, s9;
	[sflag:s19] =	ssyncadd.s32 $0xFFFF9C00  }
0x14b: {  	[tilespmem:s14], [sflag:$0x1] =	stream.indirect.gather [hbm4b:s5+s13], $0x40, s12, s13, $0xb8;
	[tilespmem:$0x1C200] =	vst v63  }
0x14c: {  	s25 =	sadd.s32 $0x530, s9  }
0x14d: {  	[tilespmem:s16], [sflag:$0x1] =	stream.indirect.gather [hbm4b:s5+s15], $0x40, s25, s15, $0xb8;
	[tilespmem:$0x1C200] =	vst v63  }
0x14e: {  	s12 =	sadd.s32 $0x578, s9  }
0x14f: {  	[tilespmem:s18], [sflag:$0x1] =	stream.indirect.gather [hbm4b:s5+s13], $0x40, s12, s13, $0xb8;
	[tilespmem:$0x1C200] =	vst v63  }
0x150: {  	s25 =	sadd.s32 $0x5F8, s9  }
0x151: {  	[tilespmem:s20], [sflag:$0x1] =	stream.indirect.gather [hbm4b:s5+s15], $0x40, s25, s15, $0xb8;
	[tilespmem:$0x1C200] =	vst v63  }
0x152: {  	_ =	swait.ge [sflag:s21], $0x3200  }
0x153: {  	[sflag:s21] =	ssyncset.done $0x0  }
0x154: {  	[sflag:s21] =	ssyncadd.s32 $0xFFFFCE00  }
0x155: {  	_ =	swait.ge [sflag:s21], $0x3200  }
0x156: {  	[sflag:s21] =	ssyncset.done $0x0  }
0x157: {  	s10 =	simm.s32 $0x0;
	[sflag:s21] =	ssyncadd.s32 $0xFFFFCE00  }
0x158: {  	v0 =	vld [tilespmem:s10+$0x64F0]  }
0x159: {  	v1 =	vld [tilespmem:s10+$0x6400]  }
0x15a: {  	v2 =	vld [tilespmem:s10+$0x6410]  }
0x15b: {  	v3 =	vld [tilespmem:s10+$0x6420]  }
0x15c: {  	v4 =	vld [tilespmem:s10+$0x6430]  }
0x15d: {  	v5 =	vld [tilespmem:s10+$0x6440]  }
0x15e: {  	v6 =	vld [tilespmem:s10+$0x6450]  }
0x15f: {  	v7 =	vld [tilespmem:s10+$0x6460]  }
0x160: {  	v8 =	vld [tilespmem:s10+$0x6470]  }
0x161: {  	v9 =	vld [tilespmem:s10+$0x6480]  }
0x162: {  	v10 =	vld [tilespmem:s10+$0x6490]  }
0x163: {  	v11 =	vld [tilespmem:s10+$0x64A0]  }
0x164: {  	v12 =	vld [tilespmem:s10+$0x64B0]  }
0x165: {  	v13 =	vld [tilespmem:s10+$0x64C0]  }
0x166: {  	v14 =	vld [tilespmem:s10+$0x64D0]  }
0x167: {  	[tilespmem:s10+$0x15EF0] =	vst.add.f32.msk $0xffff, v0  }
0x168: {  	v0 =	vld [tilespmem:s10+$0x64E0]  }
0x169: {  	[tilespmem:s10+$0x15E00] =	vst.add.f32.msk $0xffff, v1  }
0x16a: {  	[tilespmem:s10+$0x15E10] =	vst.add.f32.msk $0xffff, v2  }
0x16b: {  	[tilespmem:s10+$0x15E20] =	vst.add.f32.msk $0xffff, v3  }
0x16c: {  	[tilespmem:s10+$0x15E30] =	vst.add.f32.msk $0xffff, v4  }
0x16d: {  	[tilespmem:s10+$0x15E40] =	vst.add.f32.msk $0xffff, v5  }
0x16e: {  	[tilespmem:s10+$0x15E50] =	vst.add.f32.msk $0xffff, v6  }
0x16f: {  	[tilespmem:s10+$0x15E60] =	vst.add.f32.msk $0xffff, v7  }
0x170: {  	[tilespmem:s10+$0x15E70] =	vst.add.f32.msk $0xffff, v8  }
0x171: {  	[tilespmem:s10+$0x15E80] =	vst.add.f32.msk $0xffff, v9  }
0x172: {  	[tilespmem:s10+$0x15E90] =	vst.add.f32.msk $0xffff, v10  }
0x173: {  	[tilespmem:s10+$0x15EA0] =	vst.add.f32.msk $0xffff, v11  }
0x174: {  	[tilespmem:s10+$0x15EB0] =	vst.add.f32.msk $0xffff, v12  }
0x175: {  	[tilespmem:s10+$0x15EC0] =	vst.add.f32.msk $0xffff, v13  }
0x176: {  	s12 =	simm.s32 $0x400;
	s25 =	simm.s32 $0x0;
	[tilespmem:s10+$0x15ED0] =	vst.add.f32.msk $0xffff, v14  }
.LBB2_11:
0x177: {  	s25 =	sadd.s32 $0x4, s25;
	[tilespmem:s10+$0x15EE0] =	vst.add.f32.msk $0xffff, v0;
	s10 =	sshra.s32 s12, $0x2  }
0x178: {  	v0 =	vld [tilespmem:s10+$0x64F0];
	p0 =	slt.u32 s25, $0xC4  }
0x179: {  	v1 =	vld [tilespmem:s10+$0x6400]  }
0x17a: {  	v2 =	vld [tilespmem:s10+$0x6410]  }
0x17b: {  	v3 =	vld [tilespmem:s10+$0x6420]  }
0x17c: {  	v4 =	vld [tilespmem:s10+$0x6430]  }
0x17d: {  	[tilespmem:s10+$0x15EF0] =	vst.add.f32.msk $0xffff, v0  }
0x17e: {  	v5 =	vld [tilespmem:s10+$0x6440]  }
0x17f: {  	v6 =	vld [tilespmem:s10+$0x6450]  }
0x180: {  	v7 =	vld [tilespmem:s10+$0x6460]  }
0x181: {  	v8 =	vld [tilespmem:s10+$0x6470]  }
0x182: {  	v9 =	vld [tilespmem:s10+$0x6480]  }
0x183: {  	v10 =	vld [tilespmem:s10+$0x6490]  }
0x184: {  	v11 =	vld [tilespmem:s10+$0x64A0]  }
0x185: {  	v12 =	vld [tilespmem:s10+$0x64B0]  }
0x186: {  	v13 =	vld [tilespmem:s10+$0x64C0]  }
0x187: {  	v14 =	vld [tilespmem:s10+$0x64D0]  }
0x188: {  	v0 =	vld [tilespmem:s10+$0x64E0]  }
0x189: {  	[tilespmem:s10+$0x15E00] =	vst.add.f32.msk $0xffff, v1  }
0x18a: {  	[tilespmem:s10+$0x15E10] =	vst.add.f32.msk $0xffff, v2  }
0x18b: {  	[tilespmem:s10+$0x15E20] =	vst.add.f32.msk $0xffff, v3  }
0x18c: {  	[tilespmem:s10+$0x15E30] =	vst.add.f32.msk $0xffff, v4  }
0x18d: {  	[tilespmem:s10+$0x15E40] =	vst.add.f32.msk $0xffff, v5  }
0x18e: {  	[tilespmem:s10+$0x15E50] =	vst.add.f32.msk $0xffff, v6  }
0x18f: {  	[tilespmem:s10+$0x15E60] =	vst.add.f32.msk $0xffff, v7  }
0x190: {  	[tilespmem:s10+$0x15E70] =	vst.add.f32.msk $0xffff, v8  }
0x191: {  	[tilespmem:s10+$0x15E80] =	vst.add.f32.msk $0xffff, v9  }
.Ltmp4:
0x192: {  	[tilespmem:s10+$0x15E90] =	vst.add.f32.msk $0xffff, v10;
	(pc) =	sbr.rel @p0 .LBB2_11-.Ltmp4, $4  }
0x193: {  	[tilespmem:s10+$0x15EA0] =	vst.add.f32.msk $0xffff, v11  }
0x194: {  	[tilespmem:s10+$0x15EB0] =	vst.add.f32.msk $0xffff, v12  }
0x195: {  	[tilespmem:s10+$0x15EC0] =	vst.add.f32.msk $0xffff, v13  }
0x196: {  	s12 =	sadd.s32 $0x400, s12;
	[tilespmem:s10+$0x15ED0] =	vst.add.f32.msk $0xffff, v14  }
0x197: {  	[tilespmem:s10+$0x15EE0] =	vst.add.f32.msk $0xffff, v0;
	s10 =	simm.s32 $0x0  }
0x198: {  	v0 =	vld [tilespmem:s10+$0x64F0]  }
0x199: {  	v1 =	vld [tilespmem:s10+$0x6400]  }
0x19a: {  	v2 =	vld [tilespmem:s10+$0x6410]  }
0x19b: {  	v3 =	vld [tilespmem:s10+$0x6420]  }
0x19c: {  	v4 =	vld [tilespmem:s10+$0x6430]  }
0x19d: {  	v5 =	vld [tilespmem:s10+$0x6440]  }
0x19e: {  	v6 =	vld [tilespmem:s10+$0x6450]  }
0x19f: {  	v7 =	vld [tilespmem:s10+$0x6460]  }
0x1a0: {  	v8 =	vld [tilespmem:s10+$0x6470]  }
0x1a1: {  	v9 =	vld [tilespmem:s10+$0x6480]  }
0x1a2: {  	v10 =	vld [tilespmem:s10+$0x6490]  }
0x1a3: {  	v11 =	vld [tilespmem:s10+$0x64A0]  }
0x1a4: {  	v12 =	vld [tilespmem:s10+$0x64B0]  }
0x1a5: {  	v13 =	vld [tilespmem:s10+$0x64C0]  }
0x1a6: {  	v14 =	vld [tilespmem:s10+$0x64D0]  }
0x1a7: {  	[tilespmem:s10+$0x190F0] =	vst.add.f32.msk $0xffff, v0  }
0x1a8: {  	v0 =	vld [tilespmem:s10+$0x64E0]  }
0x1a9: {  	[tilespmem:s10+$0x19000] =	vst.add.f32.msk $0xffff, v1  }
0x1aa: {  	[tilespmem:s10+$0x19010] =	vst.add.f32.msk $0xffff, v2  }
0x1ab: {  	[tilespmem:s10+$0x19020] =	vst.add.f32.msk $0xffff, v3  }
0x1ac: {  	[tilespmem:s10+$0x19030] =	vst.add.f32.msk $0xffff, v4  }
0x1ad: {  	[tilespmem:s10+$0x19040] =	vst.add.f32.msk $0xffff, v5  }
0x1ae: {  	[tilespmem:s10+$0x19050] =	vst.add.f32.msk $0xffff, v6  }
0x1af: {  	[tilespmem:s10+$0x19060] =	vst.add.f32.msk $0xffff, v7  }
0x1b0: {  	[tilespmem:s10+$0x19070] =	vst.add.f32.msk $0xffff, v8  }
0x1b1: {  	[tilespmem:s10+$0x19080] =	vst.add.f32.msk $0xffff, v9  }
0x1b2: {  	[tilespmem:s10+$0x19090] =	vst.add.f32.msk $0xffff, v10  }
0x1b3: {  	[tilespmem:s10+$0x190A0] =	vst.add.f32.msk $0xffff, v11  }
0x1b4: {  	[tilespmem:s10+$0x190B0] =	vst.add.f32.msk $0xffff, v12  }
0x1b5: {  	[tilespmem:s10+$0x190C0] =	vst.add.f32.msk $0xffff, v13  }
0x1b6: {  	s25 =	simm.s32 $0x0;
	s12 =	simm.s32 $0x400;
	[tilespmem:s10+$0x190D0] =	vst.add.f32.msk $0xffff, v14  }
.LBB2_13:
0x1b7: {  	s25 =	sadd.s32 $0x4, s25;
	[tilespmem:s10+$0x190E0] =	vst.add.f32.msk $0xffff, v0;
	s10 =	sshra.s32 s12, $0x2  }
0x1b8: {  	v0 =	vld [tilespmem:s10+$0x64F0];
	p0 =	slt.u32 s25, $0xC4  }
0x1b9: {  	v1 =	vld [tilespmem:s10+$0x6400]  }
0x1ba: {  	v2 =	vld [tilespmem:s10+$0x6410]  }
0x1bb: {  	v3 =	vld [tilespmem:s10+$0x6420]  }
0x1bc: {  	v4 =	vld [tilespmem:s10+$0x6430]  }
0x1bd: {  	[tilespmem:s10+$0x190F0] =	vst.add.f32.msk $0xffff, v0  }
0x1be: {  	v5 =	vld [tilespmem:s10+$0x6440]  }
0x1bf: {  	v6 =	vld [tilespmem:s10+$0x6450]  }
0x1c0: {  	v7 =	vld [tilespmem:s10+$0x6460]  }
0x1c1: {  	v8 =	vld [tilespmem:s10+$0x6470]  }
0x1c2: {  	v9 =	vld [tilespmem:s10+$0x6480]  }
0x1c3: {  	v10 =	vld [tilespmem:s10+$0x6490]  }
0x1c4: {  	v11 =	vld [tilespmem:s10+$0x64A0]  }
0x1c5: {  	v12 =	vld [tilespmem:s10+$0x64B0]  }
0x1c6: {  	v13 =	vld [tilespmem:s10+$0x64C0]  }
0x1c7: {  	v14 =	vld [tilespmem:s10+$0x64D0]  }
0x1c8: {  	v0 =	vld [tilespmem:s10+$0x64E0]  }
0x1c9: {  	[tilespmem:s10+$0x19000] =	vst.add.f32.msk $0xffff, v1  }
0x1ca: {  	[tilespmem:s10+$0x19010] =	vst.add.f32.msk $0xffff, v2  }
0x1cb: {  	[tilespmem:s10+$0x19020] =	vst.add.f32.msk $0xffff, v3  }
0x1cc: {  	[tilespmem:s10+$0x19030] =	vst.add.f32.msk $0xffff, v4  }
0x1cd: {  	[tilespmem:s10+$0x19040] =	vst.add.f32.msk $0xffff, v5  }
0x1ce: {  	[tilespmem:s10+$0x19050] =	vst.add.f32.msk $0xffff, v6  }
0x1cf: {  	[tilespmem:s10+$0x19060] =	vst.add.f32.msk $0xffff, v7  }
0x1d0: {  	[tilespmem:s10+$0x19070] =	vst.add.f32.msk $0xffff, v8  }
0x1d1: {  	[tilespmem:s10+$0x19080] =	vst.add.f32.msk $0xffff, v9  }
.Ltmp5:
0x1d2: {  	[tilespmem:s10+$0x19090] =	vst.add.f32.msk $0xffff, v10;
	(pc) =	sbr.rel @p0 .LBB2_13-.Ltmp5, $4  }
0x1d3: {  	[tilespmem:s10+$0x190A0] =	vst.add.f32.msk $0xffff, v11  }
0x1d4: {  	[tilespmem:s10+$0x190B0] =	vst.add.f32.msk $0xffff, v12  }
0x1d5: {  	[tilespmem:s10+$0x190C0] =	vst.add.f32.msk $0xffff, v13  }
0x1d6: {  	s12 =	sadd.s32 $0x400, s12;
	[tilespmem:s10+$0x190D0] =	vst.add.f32.msk $0xffff, v14  }
0x1d7: {  	s7 =	sshll.u32 s7, $0x1;
	p0 =	seq.s32 s6, $0x14  }
.Ltmp6:
0x1d8: {  	s7 =	sadd.s32 s3, s7;
	(pc) =	sbr.rel @p0 .LBB2_16-.Ltmp6, $3  }
0x1d9: {  	s7 =	smul.u32 $0x640, s7;
	_ =	sdelay $0x1  }
0x1da: {  	[tilespmem:s10+$0x190E0] =	vst.add.f32.msk $0xffff, v0;
	s7 =	sadd.s32 s2, s7  }
0x1db: {  	[hbm4b:s7+s4] =	stream.linear.scatter [tilespmem:s31], [sflag:$0x6], $0x6400, $0x38;
	[tilespmem:$0x1C200] =	vst v63  }
0x1dc: {  	_ =	swait.ge [sflag:s23], $0x6400  }
0x1dd: {  	[sflag:s23] =	ssyncset.done $0x0  }
0x1de: {  	s7 =	sadd.s32 $0x640, s9;
	[sflag:s23] =	ssyncadd.s32 $0xFFFF9C00  }
0x1df: {  	[tilespmem:s22], [sflag:$0x2] =	stream.indirect.gather [hbm4b:s5+s13], $0x40, s7, s13, $0xb8;
	[tilespmem:$0x1C200] =	vst v63  }
0x1e0: {  	s10 =	sadd.s32 $0x6C0, s9  }
0x1e1: {  	[tilespmem:s24], [sflag:$0x2] =	stream.indirect.gather [hbm4b:s5+s15], $0x40, s10, s15, $0xb8;
	[tilespmem:$0x1C200] =	vst v63  }
.Ltmp7:
0x1e2: {  	_ = 	snop;
	(pc) =	sbr.rel .LBB2_2-.Ltmp7, $4  }
0x1e3: {  	s12 =	sadd.s32 $0x708, s9  }
0x1e4: {  	[tilespmem:s26], [sflag:$0x2] =	stream.indirect.gather [hbm4b:s5+s13], $0x40, s12, s13, $0xb8;
	[tilespmem:$0x1C200] =	vst v63  }
0x1e5: {  	s25 =	sadd.s32 $0x788, s9;
	s6 =	sadd.s32 $0x1, s6  }
0x1e6: {  	[tilespmem:s29], [sflag:$0x2] =	stream.indirect.gather [hbm4b:s5+s15], $0x40, s25, s15, $0xb8;
	[tilespmem:$0x1C200] =	vst v63  }
.LBB2_16:
0x1e7: {  	_ =	swait.ge [sflag:s30], $0x3200  }
0x1e8: {  	[sflag:s30] =	ssyncset.done $0x0  }
0x1e9: {  	[sflag:s30] =	ssyncadd.s32 $0xFFFFCE00  }
0x1ea: {  	_ =	swait.ge [sflag:s30], $0x3200  }
0x1eb: {  	[sflag:s30] =	ssyncset.done $0x0  }
0x1ec: {  	s6 =	simm.s32 $0x0;
	[sflag:s30] =	ssyncadd.s32 $0xFFFFCE00  }
0x1ed: {  	v0 =	vld [tilespmem:s6+$0x64F0]  }
0x1ee: {  	v1 =	vld [tilespmem:s6+$0x6400]  }
0x1ef: {  	v2 =	vld [tilespmem:s6+$0x6410]  }
0x1f0: {  	v3 =	vld [tilespmem:s6+$0x6420]  }
0x1f1: {  	v4 =	vld [tilespmem:s6+$0x6430]  }
0x1f2: {  	v5 =	vld [tilespmem:s6+$0x6440]  }
0x1f3: {  	v6 =	vld [tilespmem:s6+$0x6450]  }
0x1f4: {  	v7 =	vld [tilespmem:s6+$0x6460]  }
0x1f5: {  	v8 =	vld [tilespmem:s6+$0x6470]  }
0x1f6: {  	v9 =	vld [tilespmem:s6+$0x6480]  }
0x1f7: {  	v10 =	vld [tilespmem:s6+$0x6490]  }
0x1f8: {  	v11 =	vld [tilespmem:s6+$0x64A0]  }
0x1f9: {  	v12 =	vld [tilespmem:s6+$0x64B0]  }
0x1fa: {  	v13 =	vld [tilespmem:s6+$0x64C0]  }
0x1fb: {  	v14 =	vld [tilespmem:s6+$0x64D0]  }
0x1fc: {  	[tilespmem:s6+$0x96F0] =	vst.add.f32.msk $0xffff, v0  }
0x1fd: {  	v0 =	vld [tilespmem:s6+$0x64E0]  }
0x1fe: {  	[tilespmem:s6+$0x9600] =	vst.add.f32.msk $0xffff, v1  }
0x1ff: {  	[tilespmem:s6+$0x9610] =	vst.add.f32.msk $0xffff, v2  }
0x200: {  	[tilespmem:s6+$0x9620] =	vst.add.f32.msk $0xffff, v3  }
0x201: {  	[tilespmem:s6+$0x9630] =	vst.add.f32.msk $0xffff, v4  }
0x202: {  	[tilespmem:s6+$0x9640] =	vst.add.f32.msk $0xffff, v5  }
0x203: {  	[tilespmem:s6+$0x9650] =	vst.add.f32.msk $0xffff, v6  }
0x204: {  	[tilespmem:s6+$0x9660] =	vst.add.f32.msk $0xffff, v7  }
0x205: {  	[tilespmem:s6+$0x9670] =	vst.add.f32.msk $0xffff, v8  }
0x206: {  	[tilespmem:s6+$0x9680] =	vst.add.f32.msk $0xffff, v9  }
0x207: {  	[tilespmem:s6+$0x9690] =	vst.add.f32.msk $0xffff, v10  }
0x208: {  	[tilespmem:s6+$0x96A0] =	vst.add.f32.msk $0xffff, v11  }
0x209: {  	[tilespmem:s6+$0x96B0] =	vst.add.f32.msk $0xffff, v12  }
0x20a: {  	[tilespmem:s6+$0x96C0] =	vst.add.f32.msk $0xffff, v13  }
0x20b: {  	s7 =	simm.s32 $0x0;
	s9 =	simm.s32 $0x400;
	[tilespmem:s6+$0x96D0] =	vst.add.f32.msk $0xffff, v14  }
.LBB2_17:
0x20c: {  	s7 =	sadd.s32 $0x4, s7;
	[tilespmem:s6+$0x96E0] =	vst.add.f32.msk $0xffff, v0;
	s6 =	sshra.s32 s9, $0x2  }
0x20d: {  	v0 =	vld [tilespmem:s6+$0x64F0];
	p0 =	slt.u32 s7, $0xC4  }
0x20e: {  	v1 =	vld [tilespmem:s6+$0x6400]  }
0x20f: {  	v2 =	vld [tilespmem:s6+$0x6410]  }
0x210: {  	v3 =	vld [tilespmem:s6+$0x6420]  }
0x211: {  	v4 =	vld [tilespmem:s6+$0x6430]  }
0x212: {  	[tilespmem:s6+$0x96F0] =	vst.add.f32.msk $0xffff, v0  }
0x213: {  	v5 =	vld [tilespmem:s6+$0x6440]  }
0x214: {  	v6 =	vld [tilespmem:s6+$0x6450]  }
0x215: {  	v7 =	vld [tilespmem:s6+$0x6460]  }
0x216: {  	v8 =	vld [tilespmem:s6+$0x6470]  }
0x217: {  	v9 =	vld [tilespmem:s6+$0x6480]  }
0x218: {  	v10 =	vld [tilespmem:s6+$0x6490]  }
0x219: {  	v11 =	vld [tilespmem:s6+$0x64A0]  }
0x21a: {  	v12 =	vld [tilespmem:s6+$0x64B0]  }
0x21b: {  	v13 =	vld [tilespmem:s6+$0x64C0]  }
0x21c: {  	v14 =	vld [tilespmem:s6+$0x64D0]  }
0x21d: {  	v0 =	vld [tilespmem:s6+$0x64E0]  }
0x21e: {  	[tilespmem:s6+$0x9600] =	vst.add.f32.msk $0xffff, v1  }
0x21f: {  	[tilespmem:s6+$0x9610] =	vst.add.f32.msk $0xffff, v2  }
0x220: {  	[tilespmem:s6+$0x9620] =	vst.add.f32.msk $0xffff, v3  }
0x221: {  	[tilespmem:s6+$0x9630] =	vst.add.f32.msk $0xffff, v4  }
0x222: {  	[tilespmem:s6+$0x9640] =	vst.add.f32.msk $0xffff, v5  }
0x223: {  	[tilespmem:s6+$0x9650] =	vst.add.f32.msk $0xffff, v6  }
0x224: {  	[tilespmem:s6+$0x9660] =	vst.add.f32.msk $0xffff, v7  }
0x225: {  	[tilespmem:s6+$0x9670] =	vst.add.f32.msk $0xffff, v8  }
0x226: {  	[tilespmem:s6+$0x9680] =	vst.add.f32.msk $0xffff, v9  }
.Ltmp8:
0x227: {  	[tilespmem:s6+$0x9690] =	vst.add.f32.msk $0xffff, v10;
	(pc) =	sbr.rel @p0 .LBB2_17-.Ltmp8, $4  }
0x228: {  	[tilespmem:s6+$0x96A0] =	vst.add.f32.msk $0xffff, v11  }
0x229: {  	[tilespmem:s6+$0x96B0] =	vst.add.f32.msk $0xffff, v12  }
0x22a: {  	[tilespmem:s6+$0x96C0] =	vst.add.f32.msk $0xffff, v13  }
0x22b: {  	s9 =	sadd.s32 $0x400, s9;
	[tilespmem:s6+$0x96D0] =	vst.add.f32.msk $0xffff, v14  }
0x22c: {  	[tilespmem:s6+$0x96E0] =	vst.add.f32.msk $0xffff, v0;
	s6 =	simm.s32 $0x0  }
0x22d: {  	v0 =	vld [tilespmem:s6+$0x64F0]  }
0x22e: {  	v1 =	vld [tilespmem:s6+$0x6400]  }
0x22f: {  	v2 =	vld [tilespmem:s6+$0x6410]  }
0x230: {  	v3 =	vld [tilespmem:s6+$0x6420]  }
0x231: {  	v4 =	vld [tilespmem:s6+$0x6430]  }
0x232: {  	v5 =	vld [tilespmem:s6+$0x6440]  }
0x233: {  	v6 =	vld [tilespmem:s6+$0x6450]  }
0x234: {  	v7 =	vld [tilespmem:s6+$0x6460]  }
0x235: {  	v8 =	vld [tilespmem:s6+$0x6470]  }
0x236: {  	v9 =	vld [tilespmem:s6+$0x6480]  }
0x237: {  	v10 =	vld [tilespmem:s6+$0x6490]  }
0x238: {  	v11 =	vld [tilespmem:s6+$0x64A0]  }
0x239: {  	v12 =	vld [tilespmem:s6+$0x64B0]  }
0x23a: {  	v13 =	vld [tilespmem:s6+$0x64C0]  }
0x23b: {  	v14 =	vld [tilespmem:s6+$0x64D0]  }
0x23c: {  	[tilespmem:s6+$0xC8F0] =	vst.add.f32.msk $0xffff, v0  }
0x23d: {  	v0 =	vld [tilespmem:s6+$0x64E0]  }
0x23e: {  	[tilespmem:s6+$0xC800] =	vst.add.f32.msk $0xffff, v1  }
0x23f: {  	[tilespmem:s6+$0xC810] =	vst.add.f32.msk $0xffff, v2  }
0x240: {  	[tilespmem:s6+$0xC820] =	vst.add.f32.msk $0xffff, v3  }
0x241: {  	[tilespmem:s6+$0xC830] =	vst.add.f32.msk $0xffff, v4  }
0x242: {  	[tilespmem:s6+$0xC840] =	vst.add.f32.msk $0xffff, v5  }
0x243: {  	[tilespmem:s6+$0xC850] =	vst.add.f32.msk $0xffff, v6  }
0x244: {  	[tilespmem:s6+$0xC860] =	vst.add.f32.msk $0xffff, v7  }
0x245: {  	[tilespmem:s6+$0xC870] =	vst.add.f32.msk $0xffff, v8  }
0x246: {  	[tilespmem:s6+$0xC880] =	vst.add.f32.msk $0xffff, v9  }
0x247: {  	[tilespmem:s6+$0xC890] =	vst.add.f32.msk $0xffff, v10  }
0x248: {  	[tilespmem:s6+$0xC8A0] =	vst.add.f32.msk $0xffff, v11  }
0x249: {  	[tilespmem:s6+$0xC8B0] =	vst.add.f32.msk $0xffff, v12  }
0x24a: {  	[tilespmem:s6+$0xC8C0] =	vst.add.f32.msk $0xffff, v13  }
0x24b: {  	s7 =	simm.s32 $0x0;
	s9 =	simm.s32 $0x400;
	[tilespmem:s6+$0xC8D0] =	vst.add.f32.msk $0xffff, v14  }
.LBB2_19:
0x24c: {  	s7 =	sadd.s32 $0x4, s7;
	[tilespmem:s6+$0xC8E0] =	vst.add.f32.msk $0xffff, v0;
	s6 =	sshra.s32 s9, $0x2  }
0x24d: {  	v0 =	vld [tilespmem:s6+$0x64F0];
	p0 =	slt.u32 s7, $0xC4  }
0x24e: {  	v1 =	vld [tilespmem:s6+$0x6400]  }
0x24f: {  	v2 =	vld [tilespmem:s6+$0x6410]  }
0x250: {  	v3 =	vld [tilespmem:s6+$0x6420]  }
0x251: {  	v4 =	vld [tilespmem:s6+$0x6430]  }
0x252: {  	[tilespmem:s6+$0xC8F0] =	vst.add.f32.msk $0xffff, v0  }
0x253: {  	v5 =	vld [tilespmem:s6+$0x6440]  }
0x254: {  	v6 =	vld [tilespmem:s6+$0x6450]  }
0x255: {  	v7 =	vld [tilespmem:s6+$0x6460]  }
0x256: {  	v8 =	vld [tilespmem:s6+$0x6470]  }
0x257: {  	v9 =	vld [tilespmem:s6+$0x6480]  }
0x258: {  	v10 =	vld [tilespmem:s6+$0x6490]  }
0x259: {  	v11 =	vld [tilespmem:s6+$0x64A0]  }
0x25a: {  	v12 =	vld [tilespmem:s6+$0x64B0]  }
0x25b: {  	v13 =	vld [tilespmem:s6+$0x64C0]  }
0x25c: {  	v14 =	vld [tilespmem:s6+$0x64D0]  }
0x25d: {  	v0 =	vld [tilespmem:s6+$0x64E0]  }
0x25e: {  	[tilespmem:s6+$0xC800] =	vst.add.f32.msk $0xffff, v1  }
0x25f: {  	[tilespmem:s6+$0xC810] =	vst.add.f32.msk $0xffff, v2  }
0x260: {  	[tilespmem:s6+$0xC820] =	vst.add.f32.msk $0xffff, v3  }
0x261: {  	[tilespmem:s6+$0xC830] =	vst.add.f32.msk $0xffff, v4  }
0x262: {  	[tilespmem:s6+$0xC840] =	vst.add.f32.msk $0xffff, v5  }
0x263: {  	[tilespmem:s6+$0xC850] =	vst.add.f32.msk $0xffff, v6  }
0x264: {  	[tilespmem:s6+$0xC860] =	vst.add.f32.msk $0xffff, v7  }
0x265: {  	[tilespmem:s6+$0xC870] =	vst.add.f32.msk $0xffff, v8  }
0x266: {  	[tilespmem:s6+$0xC880] =	vst.add.f32.msk $0xffff, v9  }
.Ltmp9:
0x267: {  	[tilespmem:s6+$0xC890] =	vst.add.f32.msk $0xffff, v10;
	(pc) =	sbr.rel @p0 .LBB2_19-.Ltmp9, $4  }
0x268: {  	[tilespmem:s6+$0xC8A0] =	vst.add.f32.msk $0xffff, v11  }
0x269: {  	[tilespmem:s6+$0xC8B0] =	vst.add.f32.msk $0xffff, v12  }
0x26a: {  	[tilespmem:s6+$0xC8C0] =	vst.add.f32.msk $0xffff, v13  }
0x26b: {  	s9 =	sadd.s32 $0x400, s9;
	[tilespmem:s6+$0xC8D0] =	vst.add.f32.msk $0xffff, v14  }
0x26c: {  	[tilespmem:s6+$0xC8E0] =	vst.add.f32.msk $0xffff, v0;
	s10 =	rddreg [dreg:$0x5]  }
0x26d: {  	[hbm4b:s10+s4] =	stream.linear.scatter [tilespmem:s14], [sflag:$0x4], $0x6400, $0x38;
	[tilespmem:$0x1C200] =	vst v63  }
0x26e: {  	_ =	swait.ge [sflag:s23], $0x6400  }
0x26f: {  	[sflag:s23] =	ssyncset.done $0x0  }
0x270: {  	s12 =	simm.s32 $0x6;
	[sflag:s23] =	ssyncadd.s32 $0xFFFF9C00  }
0x271: {  	_ =	swait.ge [sflag:s12], $0x6400  }
0x272: {  	[sflag:s12] =	ssyncset.done $0x0  }
0x273: {  	[sflag:s12] =	ssyncadd.s32 $0xFFFF9C00  }
0x274: {  	_ =	swait.ge [sflag:s19], $0x6400  }
0x275: {  	s28 =	sadd.s32 $0x1, s28;
	s25 =	rddreg [dreg:$0x6]  }
0x276: {  	p0 =	sne.s32 s28, s25  }
.Ltmp10:
0x277: {  	_ = 	snop;
	(pc) =	sbr.rel @p0 .LBB2_1-.Ltmp10, $3  }
0x278: {  	_ =	sdelay $0x1  }
0x279: {  	[sflag:s19] =	ssyncset.done $0x0  }
0x27a: {  	[sflag:s19] =	ssyncadd.s32 $0xFFFF9C00  }
0x27b: {  	_ =	sfence.sel $0x180000  }
0x27c: {  	[bflag:$0x0] =	sbarrier.arrive $0xFFFF  }
0x27d: {  	_ =	strace $0x90000047  }
0x27e: {  	s0 =	stileid.u32;
	[bflag:$0x2] =	sbarrier.arrive $0xFFFF  }
0x27f: {  	p0 =	sne.s32 s0, $0x0;
	s0 =	rddreg [dreg:$0x2]  }
0x280: {  	s0 =	sadd.s32 @!p0 $0x100000, s0  }
0x281: {  	[sflag:s0] =	ssyncadd.tile.s32 @!p0 $0x1;
	_ =	shalt  }
.Lfunc_end2:
_tile_overlayer_lowered:
.L_overlay_start_2:
0x282: {  	(tag) =	ssettag $0x2  }
0x283: {  	s0 =	rddreg [dreg:$0x0];
	s2 =	stileid.u32  }
0x284: {  	s1 =	rddreg [dreg:$0x1];
	p0 =	sne.s32 s2, $0x0  }
0x285: {  	s3 =	rddreg [dreg:$0x2];
	[bflag:$0x3] =	sbarrier.arrive $0xFFFF;
	s2 =	simm.s32 @!p0 $0x1C07  }
0x286: {  	[timem:s3], [sflag:s2] =	dma.local @!p0 [hbm:s0], s1  }
0x287: {  	s0 =	simm.s32 @!p0 $0x7  }
0x288: {  	_ =	swait.ge @!p0 [sflag:s0], s1  }
0x289: {  	s1 =	ssub.s32 @!p0 $0x0, s1;
	[sflag:s0] =	ssyncset.done @!p0 $0x0  }
0x28a: {  	[sflag:s0] =	ssyncadd.s32 @!p0 s1  }
0x28b: {  	[bflag:$0x3] =	sbarrier.arrive $0xFFFF  }
0x28c: {  	_ =	shalt  }

// kernel: sparse-core-data-format-call.cloned.1.call-start
scs
called_computation_lowered:
.L_overlay_start_0:
0x0: {  	s2 =	sld [smem:$0x3FD9]  }
0x1: {  	s3 =	sld [smem:$0x3FFE];
	_ =	sdelay $0x1  }
0x2: {  	s1 =	srdreg.scid  }
0x3: {  	s0 =	sand.u32 $0x1, s1  }
0x4: {  	s18 =	sshll.u32 s0, $0xA;
	s2 =	sadd.s32 s3, s2  }
0x5: {  	s2 =	sadd.s32 s2, s18  }
0x6: {  	[smem:$0x3FC5] =	sst s2  }
0x7: {  	_ = 	snop  }
0x8: {  	s2 =	sld [smem:$0x3FD0];
	(tm) =	ssettm $0x1  }
0x9: {  	s19 =	sld [smem:$0x3FFB];
	_ =	sdelay $0x3  }
0xa: {  	_ =	strace s19  }
0xb: {  	s3 =	sld [smem:$0x3FFC];
	_ =	sdelay $0x3  }
0xc: {  	_ =	strace s3  }
0xd: {  	s3 =	sld [smem:$0x3FFD];
	_ =	sdelay $0x3  }
0xe: {  	_ =	strace s3  }
0xf: {  	_ =	strace $0x8FFFFFFF  }
0x10: {  	s20 =	sld [smem:$0x3FDB];
	_ =	sdelay $0x1  }
0x11: {  	s4 =	simm.s32 $_scs_section_size  }
0x12: {  	s5 =	simm.s32 $_size__tile_overlayer_lowered;
	s6 =	simm.s32 $_tile_overlayer_lowered  }
0x13: {  	s23 =	simm.s32 $0x1BFF;
	s22 =	sshll.u32 s6, $0x1;
	s3 =	sadd.s32 s4, s20  }
0x14: {  	s7 =	simm.s32 $0x0;
	s21 =	sshll.u32 s5, $0x1;
	s5 =	sadd.s32 s22, s3  }
0x15: {  	[timem:s7], [sflag:s23] =	dma.local [hbm:s5], s21  }
0x16: {  	_ =	swait.ge [sflag:s23], s21  }
0x17: {  	s4 =	ssub.s32 $0x0, s21;
	[sflag:s23] =	ssyncset.done $0x0  }
0x18: {  	[sflag:s23] =	ssyncadd.s32 s4;
	_ =	sdelay $0x1  }
0x19: {  	s24 =	simm.s32 $0x1B8B  }
0x1a: {  	_ =	swait.ge [sflag:s24], $0x1  }
0x1b: {  	[sflag:s24] =	ssyncset.done $0x0  }
0x1c: {  	s26 =	simm.s32 $0x1B8E;
	s25 =	sld [smem:$0x3FFE];
	[sflag:s24] =	ssyncadd.s32 $0xFFFFFFFF  }
0x1d: {  	s27 =	simm.s32 $execute0_lowered;
	[smem:$0x3FD2] =	sst s26  }
0x1e: {  	s5 =	sshll.u32 s27, $0x1;
	_ =	strace $0x80000049;
	[dreg:$0x1] =	wrdreg $0xFFFFFFFF  }
0x1f: {  	s28 =	simm.s32 $_size_execute0_lowered;
	s3 =	sadd.s32 s3, s5;
	[dreg:$0x0] =	wrdreg $0x0  }
0x20: {  	s5 =	sshll.u32 s28, $0x1;
	[dreg:$0x2] =	wrdreg s3  }
0x21: {  	[dreg:$0x3] =	wrdreg s5  }
0x22: {  	[dreg:$0x4] =	wrdreg $0xC0  }
0x23: {  	_ =	task [dreg:s7], $0x5FFFF  }
0x24: {  	[dreg:$0x1] =	wrdreg $0xFFFFFFFF  }
0x25: {  	[dreg:$0x0] =	wrdreg $0x60  }
0x26: {  	[dreg:$0x2] =	wrdreg s25  }
0x27: {  	[dreg:$0x3] =	wrdreg s2  }
0x28: {  	[dreg:$0x4] =	wrdreg $0x9  }
0x29: {  	_ =	task.clear_ibuf [dreg:s7], $0x5FFFF;
	_ =	strace $0x90000049  }
0x2a: {  	s29 =	simm.s32 $0x9;
	_ =	strace $0x8000004B  }
0x2b: {  	_ =	swait.ge [sflag:s29], $0x1  }
0x2c: {  	[sflag:s29] =	ssyncadd.s32 $0xFFFFFFFF  }
0x2d: {  	_ =	strace $0x9000004B  }
0x2e: {  	_ =	sfence  }
0x2f: {  	s30 =	sld [smem:$0x0];
	_ =	sdelay $0x2  }
0x30: {  	s31 =	sshll.u32 s1, $0xD;
	s1 =	sshrl.u32 s1, $0x2  }
0x31: {  	s3 =	sand.u32 $0x4000, s31;
	s1 =	sadd.s32 s1, s30  }
0x32: {  	s0 =	sor.u32 s3, s0;
	s1 =	sshll.u32 s1, $0x11  }
0x33: {  	s0 =	sor.u32 s1, s0  }
0x34: {  	s0 =	sadd.s32 $0x8F2B, s0  }
0x35: {  	[sflag:s0] =	ssyncadd.remote.s32 $0x1  }
0x36: {  	_ =	sfence.sel $0xFFFF  }
0x37: {  	[dreg:$0x0] =	wrdreg $0xFFFFFFFF;
	(pc) =	sbr.abs _section_cstart, $3  }
0x38: {  	[dreg:$0x1] =	wrdreg $0xFFFFFFFF  }
0x39: {  	_ =	task.clear_ibuf [dreg:s7], $0x2FFFF;
	_ =	strace $0x9FFFFFFF  }
0x3a: {  	(tm) =	ssettm $0x7FFFFFFF  }
0x3b: {  	_ =	shalt  }
tec
execute0_lowered:
.L_overlay_start_1:
0x0: {  	(tag) =	ssettag $0x1  }
0x1: {  	s0 =	srdreg.scid  }
0x2: {  	s1 =	sshll.u32 s0, $0x4  }
0x3: {  	s0 =	stileid.u32;
	s1 =	sand.u32 $0x10, s1  }
0x4: {  	s1 =	sor.u32 s0, s1  }
0x5: {  	s6 =	rddreg [dreg:$0x0];
	s4 =	simm.s32 $0x1;
	s2 =	sshll.u32 s1, $0x7  }
0x6: {  	s7 =	simm.s32 $0x2;
	s12 =	simm.s32 $0x0;
	s1 =	ssub.s32 $0x1000, s2  }
0x7: {  	s8 =	simm.s32 $0x8000;
	s13 =	simm.s32 $0x0;
	s3 =	sand.u32 $0xF80, s1  }
0x8: {  	s9 =	simm.s32 $0x0;
	s5 =	sshrl.u32 s1, $0xC;
	p0 =	sne.s32 s3, $0x0  }
.Ltmp0:
0x9: {  	s1 =	rddreg [dreg:$0x2];
	s4 =	simm.s32 @!p0 $0x0;
	(pc) =	sbr.rel .LBB1_1-.Ltmp0, $4  }
0xa: {  	s11 =	simm.s32 $0x0;
	s3 =	rddreg [dreg:$0x1];
	s5 =	sadd.s32 s4, s5  }
0xb: {  	_ =	strace $0x8000004A;
	s4 =	simm.s32 $0x1;
	s5 =	smul.u32 $0xC8, s5  }
0xc: {  	s6 =	sadd.s32 $0xC00, s6;
	s10 =	smov.u32 s2;
	[sflag:s4] =	ssyncpa.u1 $0x0  }
0xd: {  	p0 =	por $0x0, $0x0;
	[sflag:s7] =	ssyncpa.u1 $0x0;
	s7 =	sor.u32 $0x1, s5  }
.LBB1_4:
0xe: {  	s16 =	sshll.u32 s13, $0x3;
	s17 =	sand.u32 $0x78, s13  }
0xf: {  	s30 =	sand.u32 $0x7E00, s13;
	s12 =	sshll.u32 s12, $0xF;
	s16 =	sand.u32 $0xC00, s16  }
0x10: {  	[tilespmem:s15+$0x810 ss:$0x81] =	vst.msk $0xffff, v2;
	s31 =	sand.u32 $0x7, s13;
	s16 =	sor.u32 s17, s16;
	s17 =	sadd.s32 s3, s30  }
0x11: {  	[tilespmem:s15+$0x1020 ss:$0x81] =	vst.msk $0xffff, v0;
	s13 =	sshll.u32 s31, $0x12;
	s12 =	sadd.s32 s12, s17;
	s16 =	sshrl.u32 s16, $0x3  }
0x12: {  	[tilespmem:s15+$0x0 ss:$0x81] =	vst.msk $0xffff, v1;
	s13 =	sor.u32 $0x400, s13;
	s12 =	sadd.s32 s16, s12  }
0x13: {  	[hbm4b:s12+s13] =	stream.strided.scatter [tilespmem:s14], [sflag:$0x2], $0x2000, s8, s13, $0x20;
	[tilespmem:$0x8080] =	vst v63  }
.LBB1_5:
0x14: {  	s14 =	sadd.s32 $0x1, s9  }
0x15: {  	s12 =	sadd.s32 $0x1000, s10;
	s16 =	smov.u32 s10;
	p2 =	sgt.s32 s14, $0xC7  }
0x16: {  	s16 =	smov.u32 @p2 s12  }
0x17: {  	s14 =	simm.s32 @p2 $0x0;
	p2 =	sgt.s32 s16, $0xFFF  }
0x18: {  	s16 =	smov.u32 @p2 s2;
	p2 =	sne.s32 s11, s7  }
.Ltmp1:
0x19: {  	p1 =	slt.u32 s11, $0x2;
	(pc) =	sbr.rel @!p2 .LBB1_6-.Ltmp1, $4  }
0x1a: {  	s15 =	simm.s32 @!p1 $0x2  }
0x1b: {  	s13 =	smov.u32 s10;
	p0 =	por !p0, !p0;
	_ =	swait.ge @!p1 [sflag:s15], $0x2000  }
0x1c: {  	s12 =	smov.u32 s9;
	[sflag:s15] =	ssyncset.done @!p1 $0x0;
	s9 =	smov.u32 s14  }
0x1d: {  	s11 =	sadd.s32 $0x1, s11;
	[sflag:s15] =	ssyncadd.s32 @!p1 $0xFFFFE000;
	s10 =	smov.u32 s16  }
.LBB1_1:
0x1e: {  	p1 =	sge.u32 s11, s5  }
0x1f: {  	s14 =	sand.u32 @!p1 $0x1FFFFFF, s9  }
0x20: {  	s15 =	smulhi.u32 @!p1 $0x147AE15, s14;
	_ =	sdelay $0x1  }
0x21: {  	s15 =	smul.u32 @!p1 $0xC8, s15  }
0x22: {  	s16 =	sxor.u32 @!p1 $0xFFFFFFFF, s11;
	s17 =	smul.u32 @!p1 $0xC80, s10  }
0x23: {  	s31 =	sadd.s32 $0xFFFFFFFF, s11;
	s16 =	sshll.u32 @!p1 s16, $0xD;
	s14 =	ssub.s32 @!p1 s14, s15  }
0x24: {  	s15 =	sand.u32 @!p1 $0x2000, s16;
	s16 =	sadd.s32 @!p1 s6, s17;
	s14 =	sshll.u32 @!p1 s14, $0x4  }
0x25: {  	s17 =	simm.s32 @!p1 $0x6400;
	s14 =	sadd.s32 @!p1 s14, s16;
	s16 =	simm.s32 @!p1 $0x40  }
0x26: {  	[tilespmem:s15], [sflag:$0x1] =	stream.strided.gather @!p1 [hbm4b:s14+s16], $0x2000, s17, s16, $0x38;
	[tilespmem:$0x8080] =	vst v63  }
0x27: {  	p1 =	sge.u32 s31, s5  }
.Ltmp2:
0x28: {  	_ = 	snop;
	(pc) =	sbr.rel @p1 .LBB1_5-.Ltmp2, $1  }
0x29: {  	_ =	sdelay $0x3  }
0x2a: {  	s14 =	simm.s32 $0x1  }
0x2b: {  	_ =	swait.ge [sflag:s4], $0x2000;
	s14 =	simm.s32 @!p0 $0x0  }
0x2c: {  	[sflag:s4] =	ssyncset.done $0x0;
	s15 =	sshll.u32 s14, $0xD  }
0x2d: {  	[sflag:s4] =	ssyncadd.s32 $0xFFFFE000;
	s18 =	sor.u32 $0x20, s15  }
0x2e: {  	s14 =	smul.u32 $0x8100, s14;
	v3 =	vld [tilespmem:s18+$0x10]  }
0x2f: {  	s30 =	sand.u32 $0x1, s11;
	v2 =	vld [tilespmem:s18+$0xFFFFFFF0]  }
0x30: {  	s15 =	smul.u32 $0x8100, s30;
	s14 =	sshrl.u32 s14, $0x2;
	v0 =	vld [tilespmem:s18+$0x0]  }
0x31: {  	v1 =	vld [tilespmem:s18+$0xFFFFFFE0];
	s16 =	sor.u32 $0x4000, s14  }
0x32: {  	s31 =	sshrl.u32 s15, $0x2;
	s15 =	sadd.s32 $0x0, s16  }
0x33: {  	s17 =	simm.s32 $0x4;
	s18 =	sadd.s32 $0x40, s18;
	s14 =	sor.u32 $0x4000, s31;
	[tilespmem:s15+$0x1830 ss:$0x81] =	vst.msk $0xffff, v3  }
.LBB1_3:
0x34: {  	v3 =	vld [tilespmem:s18+$0x10];
	p1 =	sne.s32 s17, $0x1FC;
	[tilespmem:s15+$0x810 ss:$0x81] =	vst.msk $0xffff, v2;
	s19 =	smov.u32 s17;
	s17 =	sadd.s32 $0x4, s17  }
.Ltmp3:
0x35: {  	v2 =	vld [tilespmem:s18+$0xFFFFFFF0];
	[tilespmem:s15+$0x1020 ss:$0x81] =	vst.msk $0xffff, v0;
	(pc) =	sbr.rel @p1 .LBB1_3-.Ltmp3, $4  }
0x36: {  	v0 =	vld [tilespmem:s18+$0x0];
	[tilespmem:s15+$0x0 ss:$0x81] =	vst.msk $0xffff, v1  }
0x37: {  	s15 =	sshra.s32 s19, $0x2;
	v1 =	vld [tilespmem:s18+$0xFFFFFFE0]  }
0x38: {  	s15 =	sadd.s32 s15, s16  }
0x39: {  	s18 =	sadd.s32 $0x40, s18;
	[tilespmem:s15+$0x1830 ss:$0x81] =	vst.msk $0xffff, v3  }
.Ltmp4:
0x3a: {  	_ = 	snop;
	(pc) =	sbr.rel .LBB1_4-.Ltmp4, $1  }
0x3b: {  	_ =	sdelay $0x3  }
.LBB1_6:
0x3c: {  	_ =	sfence.sel $0x180000  }
0x3d: {  	s2 =	simm.s32 $0x1;
	[bflag:$0x0] =	sbarrier.arrive $0xFFFF  }
0x3e: {  	s31 =	simm.s32 $0x2;
	[sflag:s2] =	ssyncpa.u1 $0x1  }
0x3f: {  	[sflag:s31] =	ssyncpa.u1 $0x1  }
0x40: {  	p0 =	sne.s32 s0, $0x0;
	_ =	strace $0x9000004A  }
0x41: {  	s0 =	sadd.s32 @!p0 $0x100000, s1;
	[bflag:$0x2] =	sbarrier.arrive $0xFFFF  }
0x42: {  	[sflag:s0] =	ssyncadd.tile.s32 @!p0 $0x1;
	_ =	shalt  }
.Lfunc_end1:
_tile_overlayer_lowered:
.L_overlay_start_2:
0x43: {  	(tag) =	ssettag $0x2  }
0x44: {  	s0 =	rddreg [dreg:$0x0];
	s2 =	stileid.u32  }
0x45: {  	s1 =	rddreg [dreg:$0x1];
	p0 =	sne.s32 s2, $0x0  }
0x46: {  	s3 =	rddreg [dreg:$0x2];
	[bflag:$0x3] =	sbarrier.arrive $0xFFFF;
	s2 =	simm.s32 @!p0 $0x1C01  }
0x47: {  	[timem:s3], [sflag:s2] =	dma.local @!p0 [hbm:s0], s1  }
0x48: {  	s0 =	simm.s32 @!p0 $0x1  }
0x49: {  	_ =	swait.ge @!p0 [sflag:s0], s1  }
0x4a: {  	s1 =	ssub.s32 @!p0 $0x0, s1;
	[sflag:s0] =	ssyncset.done @!p0 $0x0  }
0x4b: {  	[sflag:s0] =	ssyncadd.s32 @!p0 s1  }
0x4c: {  	[bflag:$0x3] =	sbarrier.arrive $0xFFFF  }
0x4d: {  	_ =	shalt  }

</sc_bundles>
